<compile_context>
chip_gen: v7x
topology: tpu7x:2x2x1
jax: 0.10.2.dev20260603
libtpu: 0.0.44.dev20260713+nightly
codegen_flags: <defaults>
</compile_context>

<pallas_src>
import dataclasses
import functools

import jax
import jax.numpy as jnp
from jax import lax
from jax.experimental import pallas as pl
from jax.experimental.pallas import tpu as pltpu
from jax.experimental.pallas import tpu_sc as plsc

NN = 10000
DD = 128
EE = 320000
PP = 100000
NPAD = 10240
CH = 128
EC = EE // CH
NW = 32
PPW = 3136
PPAD = PPW * NW
RB = 1024
NBUF = 2
NSEG = 2
ECP = 2560
CPW = ECP // NW
CPS = CPW // NSEG

_mesh = plsc.VectorSubcoreMesh(core_axis_name="core", subcore_axis_name="subcore")

_sc_params = pltpu.CompilerParams()
if "needs_layout_passes" in pltpu.CompilerParams.__dataclass_fields__:
    _sc_params = dataclasses.replace(_sc_params, needs_layout_passes=False)


def _make_segsum(n_rows):

    @functools.partial(
        pl.kernel,
        out_type=jax.ShapeDtypeStruct((2, NPAD, DD), jnp.float32),
        mesh=_mesh,
        scratch_types=[
            pltpu.VMEM_SHARED((NPAD, DD), jnp.float32),
            pltpu.VMEM((CPS, CH), jnp.int32),
            pltpu.VMEM((CPS, CH), jnp.int32),
            [pltpu.VMEM((CH, DD), jnp.float32) for _ in range(NBUF)],
            [pltpu.SemaphoreType.DMA for _ in range(NBUF)],
        ],
    )
    def segsum(x_hbm, src_hbm, dst_hbm, out_hbm, acc, src_v, dst_v, rows, sems):
        cid = lax.axis_index("core")
        sid = lax.axis_index("subcore")
        w = sid * 2 + cid

        @pl.loop(0, CH)
        def _(i):
            for j in range(DD // 16):
                rows[0][i, pl.ds(j * 16, 16)] = jnp.zeros((16,), jnp.float32)

        nz = NPAD // CH // 16

        @pl.loop(0, nz)
        def _(k):
            pltpu.sync_copy(rows[0], acc.at[pl.ds((sid * nz + k) * CH, CH)])

        plsc.subcore_barrier()

        for seg in range(NSEG):
            base = w * CPW + seg * CPS
            pltpu.sync_copy(src_hbm.at[pl.ds(base, CPS)], src_v)
            pltpu.sync_copy(dst_hbm.at[pl.ds(base, CPS)], dst_v)
            for b in range(NBUF):
                pltpu.async_copy(x_hbm.at[src_v.at[b]], rows[b], sems[b])

            @pl.loop(0, CPS, step=NBUF)
            def _(k0):
                for b in range(NBUF):
                    k = k0 + b
                    pltpu.make_async_copy(x_hbm.at[src_v.at[k]], rows[b],
                                          sems[b]).wait()
                    pltpu.sync_copy(rows[b], acc.at[dst_v.at[k]], add=True)

                    @pl.when(k + NBUF < CPS)
                    def _():
                        pltpu.async_copy(x_hbm.at[src_v.at[k + NBUF]], rows[b],
                                         sems[b])

        plsc.subcore_barrier()

        for k in range(nz):
            r0 = (sid * nz + k) * CH
            pltpu.async_copy(acc.at[pl.ds(r0, CH)],
                             out_hbm.at[cid, pl.ds(r0, CH)], sems[0])
        for k in range(nz):
            r0 = (sid * nz + k) * CH
            pltpu.make_async_copy(acc.at[pl.ds(r0, CH)],
                                  out_hbm.at[cid, pl.ds(r0, CH)],
                                  sems[0]).wait()

    return segsum


_segsum_x = _make_segsum(NN)
_segsum_x1 = _make_segsum(NPAD)


def _mlp1(agg, xin, W, b):

    def body(agg_ref, x_ref, w_ref, b_ref, o_ref):
        s = agg_ref[0] + agg_ref[1] + x_ref[...]
        h = lax.dot_general(
            s, w_ref[...], (((1,), (1,)), ((), ())),
            preferred_element_type=jnp.float32,
        )
        o_ref[...] = jnp.maximum(h + b_ref[...], 0.0)

    return pl.pallas_call(
        body,
        grid=(NPAD // RB,),
        in_specs=[
            pl.BlockSpec((2, RB, DD), lambda i: (0, i, 0)),
            pl.BlockSpec((RB, DD), lambda i: (i, 0)),
            pl.BlockSpec((DD, DD), lambda i: (0, 0)),
            pl.BlockSpec((1, DD), lambda i: (0, 0)),
        ],
        out_specs=pl.BlockSpec((RB, DD), lambda i: (i, 0)),
        out_shape=jax.ShapeDtypeStruct((NPAD, DD), jnp.float32),
    )(agg, xin, W, b)


def _mlp2(agg, xin, W, b, V, b3):

    def body(agg_ref, x_ref, w_ref, b_ref, v_ref, b3_ref, o_ref):
        s = agg_ref[0] + agg_ref[1] + x_ref[...]
        h = lax.dot_general(
            s, w_ref[...], (((1,), (1,)), ((), ())),
            preferred_element_type=jnp.float32,
        )
        t = jnp.maximum(h + b_ref[...], 0.0)
        pa = lax.dot_general(
            t, v_ref[:, :DD], (((1,), (1,)), ((), ())),
            preferred_element_type=jnp.float32,
        )
        pb = lax.dot_general(
            t, v_ref[:, DD:], (((1,), (1,)), ((), ())),
            preferred_element_type=jnp.float32,
        )
        db = b3_ref[0, 1] - b3_ref[0, 0]
        qa = pa[:, 1] - pa[:, 0]
        qb = pb[:, 1] - pb[:, 0] + db
        o_ref[...] = jnp.stack([qa, qb], axis=0)

    return pl.pallas_call(
        body,
        grid=(NPAD // RB,),
        in_specs=[
            pl.BlockSpec((2, RB, DD), lambda i: (0, i, 0)),
            pl.BlockSpec((RB, DD), lambda i: (i, 0)),
            pl.BlockSpec((DD, DD), lambda i: (0, 0)),
            pl.BlockSpec((1, DD), lambda i: (0, 0)),
            pl.BlockSpec((2, 2 * DD), lambda i: (0, 0)),
            pl.BlockSpec((1, 2), lambda i: (0, 0)),
        ],
        out_specs=pl.BlockSpec((2, RB), lambda i: (0, i)),
        out_shape=jax.ShapeDtypeStruct((2, NPAD), jnp.float32),
    )(agg, xin, W, b, V, b3)


@functools.partial(
    pl.kernel,
    out_type=jax.ShapeDtypeStruct((PPAD,), jnp.float32),
    mesh=_mesh,
    scratch_types=[
        pltpu.VMEM((NPAD,), jnp.float32),
        pltpu.VMEM((NPAD,), jnp.float32),
        pltpu.VMEM((PPW,), jnp.int32),
        pltpu.VMEM((PPW,), jnp.int32),
        pltpu.VMEM((PPW,), jnp.float32),
        pltpu.SemaphoreType.DMA,
    ],
    compiler_params=_sc_params,
)
def _pairs(q_hbm, i0_hbm, i1_hbm, d_hbm, qa_v, qb_v, i0_v, i1_v, d_v, sem):
    cid = lax.axis_index("core")
    sid = lax.axis_index("subcore")
    w = sid * 2 + cid
    base = w * PPW
    pltpu.async_copy(q_hbm.at[0], qa_v, sem)
    pltpu.async_copy(q_hbm.at[1], qb_v, sem)
    pltpu.async_copy(i0_hbm.at[pl.ds(base, PPW)], i0_v, sem)
    pltpu.async_copy(i1_hbm.at[pl.ds(base, PPW)], i1_v, sem)
    pltpu.make_async_copy(q_hbm.at[0], qa_v, sem).wait()
    pltpu.make_async_copy(q_hbm.at[1], qb_v, sem).wait()
    pltpu.make_async_copy(i0_hbm.at[pl.ds(base, PPW)], i0_v, sem).wait()
    pltpu.make_async_copy(i1_hbm.at[pl.ds(base, PPW)], i1_v, sem).wait()

    @pl.loop(0, PPW, step=16)
    def _(i):
        a = plsc.load_gather(qa_v, [i0_v[pl.ds(i, 16)]])
        b = plsc.load_gather(qb_v, [i1_v[pl.ds(i, 16)]])
        d_v[pl.ds(i, 16)] = a + b

    pltpu.sync_copy(d_v, d_hbm.at[pl.ds(base, PPW)])


RB2 = PPAD


def _logsoftmax(d2):

    def body(d_ref, o_ref):
        dv = d_ref[...]
        t = jnp.log1p(jnp.exp(-jnp.abs(dv)))
        o0 = -(jnp.maximum(dv, 0.0) + t)
        o1 = -(jnp.maximum(-dv, 0.0) + t)
        o_ref[...] = jnp.stack([o0, o1], axis=0)

    return pl.pallas_call(
        body,
        grid=(PPAD // RB2,),
        in_specs=[pl.BlockSpec((RB2,), lambda i: (i,))],
        out_specs=pl.BlockSpec((2, RB2), lambda i: (0, i)),
        out_shape=jax.ShapeDtypeStruct((2, PPAD), jnp.float32),
    )(d2)


def kernel(x, edge_index, index, W1, b1, W2, b2, W3, b3):
    pad_n = (ECP - EC) * CH
    ar = jnp.arange(pad_n, dtype=jnp.int32)
    pad_src = (ar % NN).reshape(ECP - EC, CH)
    pad_dst = (NN + ar % (NPAD - NN)).reshape(ECP - EC, CH)
    src = jnp.concatenate([edge_index[0].reshape(EC, CH), pad_src], axis=0)
    dst = jnp.concatenate([edge_index[1].reshape(EC, CH), pad_dst], axis=0)
    i0 = jnp.pad(index[:, 0], (0, PPAD - PP))
    i1 = jnp.pad(index[:, 1], (0, PPAD - PP))
    b1r = b1.reshape(1, DD)
    b2r = b2.reshape(1, DD)
    b3r = b3.reshape(1, 2)
    agg1 = _segsum_x(x, src, dst)
    x1p = _mlp1(agg1, x, W1, b1r)
    agg2 = _segsum_x1(x1p, src, dst)
    q = _mlp2(agg2, x1p, W2, b2r, W3, b3r)
    d = _pairs(q, i0, i1)
    return _logsoftmax(d).T[:PP]

# --- scband reference (transcript-rebuilt; emitter-appended) ---
"""Pipeline reference for scband-gin-link-27152783245329 (READ-ONLY COPY).

The authoritative reference and input builder live on the scoring server;
editing this copy changes nothing except your own understanding.
"""

import jax, jax.numpy as jnp
import numpy as np

N = 10000
E = 320000
D = 128
FN = 128
P = 100000
OUT = 2


def setup_inputs(seed: int = 0) -> dict:
    key = jax.random.key(seed)
    ks = jax.random.split(key, 10)
    x = jax.random.normal(ks[0], (N, D), dtype=jnp.float32)
    edge_index = jax.random.randint(ks[1], (2, E), 0, N)
    index = jax.random.randint(ks[2], (P, 2), 0, N)
    W1 = jax.random.normal(ks[3], (FN, D), dtype=jnp.float32) * 0.05
    b1 = jnp.zeros((FN,), dtype=jnp.float32)
    W2 = jax.random.normal(ks[4], (FN, FN), dtype=jnp.float32) * 0.05
    b2 = jnp.zeros((FN,), dtype=jnp.float32)
    W3 = jax.random.normal(ks[5], (OUT, 2 * FN), dtype=jnp.float32) * 0.05
    b3 = jnp.zeros((OUT,), dtype=jnp.float32)
    return {"x": x, "edge_index": edge_index, "index": index,
            "W1": W1, "b1": b1, "W2": W2, "b2": b2, "W3": W3, "b3": b3}


def reference(x, edge_index, index, W1, b1, W2, b2, W3, b3):
    src = edge_index[0]
    dst = edge_index[1]
    # GINConv layer 1: nn((1+eps)*x + sum_{j in N(i)} x_j), eps=0
    agg1 = jax.ops.segment_sum(x[src], dst, num_segments=N)
    h1 = (agg1 + x) @ W1.T + b1
    x1 = jax.nn.relu(h1)
    # GINConv layer 2
    agg2 = jax.ops.segment_sum(x1[src], dst, num_segments=N)
    h2 = (agg2 + x1) @ W2.T + b2
    x2 = jax.nn.relu(h2)
    # link-pair feature concat + classifier
    cat = jnp.concatenate([x2[index[:, 0]], x2[index[:, 1]]], axis=-1)
    logits = cat @ W3.T + b3
    return jax.nn.log_softmax(logits, axis=1)

if __name__ == "__main__":
    import jax
    _d = setup_inputs()
    print(jax.jit(kernel)(*tuple(_d.values())))

</pallas_src>

<mosaic_0001>
#map = affine_map<(d0, d1) -> (0, 0)>
#map1 = affine_map<(d0, d1) -> (0, 0, 0)>
module attributes {stable_mosaic.version = 14 : i64} {
  func.func @segsum(%arg0: i32, %arg1: i32, %arg2: memref<10000x128xf32, #tpu.memory_space<hbm>>, %arg3: memref<2560x128xi32, #tpu.memory_space<hbm>>, %arg4: memref<2560x128xi32, #tpu.memory_space<hbm>>, %arg5: memref<2x10240x128xf32, #tpu.memory_space<hbm>>, %arg6: memref<10240x128xf32, #tpu.memory_space<vmem_shared>>, %arg7: memref<40x128xi32, #tpu.memory_space<vmem>>, %arg8: memref<40x128xi32, #tpu.memory_space<vmem>>, %arg9: memref<128x128xf32, #tpu.memory_space<vmem>>, %arg10: memref<128x128xf32, #tpu.memory_space<vmem>>, %arg11: memref<!tpu.dma_semaphore, #tpu.memory_space<semaphore_mem>>, %arg12: memref<!tpu.dma_semaphore, #tpu.memory_space<semaphore_mem>>) attributes {dimension_semantics = [#tpu.dimension_semantics<core_parallel>, #tpu.dimension_semantics<subcore_parallel>], iteration_bounds = array<i64: 2, 16>, scalar_prefetch = 0 : i64, scratch_operands = 7 : i64, tpu.core_type = #tpu.core_type<sc_vector_subcore>, window_params = [{transform_indices = #map}, {transform_indices = #map}, {transform_indices = #map}, {transform_indices = #map1}]} {
    %mul3A = arith.constant 2 : i32
    %mul3A_0 = arith.muli %arg1, %mul3A : i32
    %add3A = arith.addi %mul3A_0, %arg0 : i32
    %scan3A = arith.constant 0 : i32
    %scan3A_1 = arith.constant 128 : i32
    %scan3A_2 = arith.addi %scan3A, %scan3A_1 : i32
    %scan3A_3 = arith.constant 1 : i32
    scf.for %scan3A_165 = %scan3A to %scan3A_2 step %scan3A_3  : i32 {
      %mul3A_166 = arith.constant 1 : i32
      %mul3A_167 = arith.muli %scan3A_165, %mul3A_166 : i32
      %add3A_168 = arith.constant 0 : i32
      %add3A_169 = arith.addi %add3A_168, %mul3A_167 : i32
      %broadcast_in_dim3A = arith.constant 0.000000e+00 : f32
      %broadcast_in_dim3A_170 = vector.broadcast %broadcast_in_dim3A : f32 to vector<16xf32>
      %swap3A = arith.index_cast %add3A_169 : i32 to index
      %swap3A_171 = arith.constant 0 : index
      %swap3A_172 = tpu.vector_load %arg9[%swap3A, %swap3A_171] {strides = array<i32>} : memref<128x128xf32, #tpu.memory_space<vmem>>, vector<1x16xf32>,
      %swap3A_173 = vector.shape_cast %swap3A_172 : vector<1x16xf32> to vector<16xf32>
      %swap3A_174 = vector.shape_cast %broadcast_in_dim3A_170 : vector<16xf32> to vector<1x16xf32>
      tpu.vector_store %arg9[%swap3A, %swap3A_171], %swap3A_174 {strides = array<i32>} : memref<128x128xf32, #tpu.memory_space<vmem>>, vector<1x16xf32>,
      %broadcast_in_dim3A_175 = arith.constant 0.000000e+00 : f32
      %broadcast_in_dim3A_176 = vector.broadcast %broadcast_in_dim3A_175 : f32 to vector<16xf32>
      %swap3A_177 = arith.index_cast %add3A_169 : i32 to index
      %swap3A_178 = arith.constant 16 : index
      %swap3A_179 = tpu.vector_load %arg9[%swap3A_177, %swap3A_178] {strides = array<i32>} : memref<128x128xf32, #tpu.memory_space<vmem>>, vector<1x16xf32>,
      %swap3A_180 = vector.shape_cast %swap3A_179 : vector<1x16xf32> to vector<16xf32>
      %swap3A_181 = vector.shape_cast %broadcast_in_dim3A_176 : vector<16xf32> to vector<1x16xf32>
      tpu.vector_store %arg9[%swap3A_177, %swap3A_178], %swap3A_181 {strides = array<i32>} : memref<128x128xf32, #tpu.memory_space<vmem>>, vector<1x16xf32>,
      %broadcast_in_dim3A_182 = arith.constant 0.000000e+00 : f32
      %broadcast_in_dim3A_183 = vector.broadcast %broadcast_in_dim3A_182 : f32 to vector<16xf32>
      %swap3A_184 = arith.index_cast %add3A_169 : i32 to index
      %swap3A_185 = arith.constant 32 : index
      %swap3A_186 = tpu.vector_load %arg9[%swap3A_184, %swap3A_185] {strides = array<i32>} : memref<128x128xf32, #tpu.memory_space<vmem>>, vector<1x16xf32>,
      %swap3A_187 = vector.shape_cast %swap3A_186 : vector<1x16xf32> to vector<16xf32>
      %swap3A_188 = vector.shape_cast %broadcast_in_dim3A_183 : vector<16xf32> to vector<1x16xf32>
      tpu.vector_store %arg9[%swap3A_184, %swap3A_185], %swap3A_188 {strides = array<i32>} : memref<128x128xf32, #tpu.memory_space<vmem>>, vector<1x16xf32>,
      %broadcast_in_dim3A_189 = arith.constant 0.000000e+00 : f32
      %broadcast_in_dim3A_190 = vector.broadcast %broadcast_in_dim3A_189 : f32 to vector<16xf32>
      %swap3A_191 = arith.index_cast %add3A_169 : i32 to index
      %swap3A_192 = arith.constant 48 : index
      %swap3A_193 = tpu.vector_load %arg9[%swap3A_191, %swap3A_192] {strides = array<i32>} : memref<128x128xf32, #tpu.memory_space<vmem>>, vector<1x16xf32>,
      %swap3A_194 = vector.shape_cast %swap3A_193 : vector<1x16xf32> to vector<16xf32>
      %swap3A_195 = vector.shape_cast %broadcast_in_dim3A_190 : vector<16xf32> to vector<1x16xf32>
      tpu.vector_store %arg9[%swap3A_191, %swap3A_192], %swap3A_195 {strides = array<i32>} : memref<128x128xf32, #tpu.memory_space<vmem>>, vector<1x16xf32>,
      %broadcast_in_dim3A_196 = arith.constant 0.000000e+00 : f32
      %broadcast_in_dim3A_197 = vector.broadcast %broadcast_in_dim3A_196 : f32 to vector<16xf32>
      %swap3A_198 = arith.index_cast %add3A_169 : i32 to index
      %swap3A_199 = arith.constant 64 : index
      %swap3A_200 = tpu.vector_load %arg9[%swap3A_198, %swap3A_199] {strides = array<i32>} : memref<128x128xf32, #tpu.memory_space<vmem>>, vector<1x16xf32>,
      %swap3A_201 = vector.shape_cast %swap3A_200 : vector<1x16xf32> to vector<16xf32>
      %swap3A_202 = vector.shape_cast %broadcast_in_dim3A_197 : vector<16xf32> to vector<1x16xf32>
      tpu.vector_store %arg9[%swap3A_198, %swap3A_199], %swap3A_202 {strides = array<i32>} : memref<128x128xf32, #tpu.memory_space<vmem>>, vector<1x16xf32>,
      %broadcast_in_dim3A_203 = arith.constant 0.000000e+00 : f32
      %broadcast_in_dim3A_204 = vector.broadcast %broadcast_in_dim3A_203 : f32 to vector<16xf32>
      %swap3A_205 = arith.index_cast %add3A_169 : i32 to index
      %swap3A_206 = arith.constant 80 : index
      %swap3A_207 = tpu.vector_load %arg9[%swap3A_205, %swap3A_206] {strides = array<i32>} : memref<128x128xf32, #tpu.memory_space<vmem>>, vector<1x16xf32>,
      %swap3A_208 = vector.shape_cast %swap3A_207 : vector<1x16xf32> to vector<16xf32>
      %swap3A_209 = vector.shape_cast %broadcast_in_dim3A_204 : vector<16xf32> to vector<1x16xf32>
      tpu.vector_store %arg9[%swap3A_205, %swap3A_206], %swap3A_209 {strides = array<i32>} : memref<128x128xf32, #tpu.memory_space<vmem>>, vector<1x16xf32>,
      %broadcast_in_dim3A_210 = arith.constant 0.000000e+00 : f32
      %broadcast_in_dim3A_211 = vector.broadcast %broadcast_in_dim3A_210 : f32 to vector<16xf32>
      %swap3A_212 = arith.index_cast %add3A_169 : i32 to index
      %swap3A_213 = arith.constant 96 : index
      %swap3A_214 = tpu.vector_load %arg9[%swap3A_212, %swap3A_213] {strides = array<i32>} : memref<128x128xf32, #tpu.memory_space<vmem>>, vector<1x16xf32>,
      %swap3A_215 = vector.shape_cast %swap3A_214 : vector<1x16xf32> to vector<16xf32>
      %swap3A_216 = vector.shape_cast %broadcast_in_dim3A_211 : vector<16xf32> to vector<1x16xf32>
      tpu.vector_store %arg9[%swap3A_212, %swap3A_213], %swap3A_216 {strides = array<i32>} : memref<128x128xf32, #tpu.memory_space<vmem>>, vector<1x16xf32>,
      %broadcast_in_dim3A_217 = arith.constant 0.000000e+00 : f32
      %broadcast_in_dim3A_218 = vector.broadcast %broadcast_in_dim3A_217 : f32 to vector<16xf32>
      %swap3A_219 = arith.index_cast %add3A_169 : i32 to index
      %swap3A_220 = arith.constant 112 : index
      %swap3A_221 = tpu.vector_load %arg9[%swap3A_219, %swap3A_220] {strides = array<i32>} : memref<128x128xf32, #tpu.memory_space<vmem>>, vector<1x16xf32>,
      %swap3A_222 = vector.shape_cast %swap3A_221 : vector<1x16xf32> to vector<16xf32>
      %swap3A_223 = vector.shape_cast %broadcast_in_dim3A_218 : vector<16xf32> to vector<1x16xf32>
      tpu.vector_store %arg9[%swap3A_219, %swap3A_220], %swap3A_223 {strides = array<i32>} : memref<128x128xf32, #tpu.memory_space<vmem>>, vector<1x16xf32>,
    }
    %scan3A_4 = arith.constant 128 : i32
    %scan3A_5 = arith.constant 0 : i32
    %scan3A_6 = arith.constant 5 : i32
    %scan3A_7 = arith.addi %scan3A_5, %scan3A_6 : i32
    %scan3A_8 = arith.constant 1 : i32
    scf.for %scan3A_165 = %scan3A_5 to %scan3A_7 step %scan3A_8  : i32 {
      %mul3A_166 = arith.constant 1 : i32
      %mul3A_167 = arith.muli %scan3A_165, %mul3A_166 : i32
      %add3A_168 = arith.constant 0 : i32
      %add3A_169 = arith.addi %add3A_168, %mul3A_167 : i32
      %mul3A_170 = arith.constant 5 : i32
      %mul3A_171 = arith.muli %arg1, %mul3A_170 : i32
      %add3A_172 = arith.addi %mul3A_171, %add3A_169 : i32
      %mul3A_173 = arith.constant 128 : i32
      %mul3A_174 = arith.muli %add3A_172, %mul3A_173 : i32
      "tpu.region"() ({
        %run_scoped3A = tpu.sem_alloc : memref<!tpu.dma_semaphore, #tpu.memory_space<semaphore_mem>>
        %dma_start3A_175 = arith.constant 0 : i32
        %dma_start3A_176 = tpu.memref_slice %arg6[%mul3A_174, %dma_start3A_175] : memref<10240x128xf32, #tpu.memory_space<vmem_shared>> -> memref<128x128xf32, #tpu.memory_space<vmem_shared>>
        %dma_start3A_177 = arith.constant 0 : i32
        %dma_start3A_178 = tpu.memref_slice %arg6[%mul3A_174, %dma_start3A_177] : memref<10240x128xf32, #tpu.memory_space<vmem_shared>> -> memref<128x128xf32, #tpu.memory_space<vmem_shared>>
        tpu.enqueue_dma source(%arg9 : memref<128x128xf32, #tpu.memory_space<vmem>>) target(%dma_start3A_178 : memref<128x128xf32, #tpu.memory_space<vmem_shared>>) target_semaphore(%run_scoped3A : memref<!tpu.dma_semaphore, #tpu.memory_space<semaphore_mem>>)
        %dma_wait3A_179 = arith.constant 0 : i32
        %dma_wait3A_180 = tpu.memref_slice %arg6[%mul3A_174, %dma_wait3A_179] : memref<10240x128xf32, #tpu.memory_space<vmem_shared>> -> memref<128x128xf32, #tpu.memory_space<vmem_shared>>
        %dma_wait3A_181 = arith.constant 0 : i32
        %dma_wait3A_182 = tpu.memref_slice %arg6[%mul3A_174, %dma_wait3A_181] : memref<10240x128xf32, #tpu.memory_space<vmem_shared>> -> memref<128x128xf32, #tpu.memory_space<vmem_shared>>
        tpu.wait_dma2 semaphore(%run_scoped3A : memref<!tpu.dma_semaphore, #tpu.memory_space<semaphore_mem>>) src(%arg9 : memref<128x128xf32, #tpu.memory_space<vmem>>) dst(%dma_wait3A_182 : memref<128x128xf32, #tpu.memory_space<vmem_shared>>)
        tpu.yield
      }) : () -> ()
    }
    %scan3A_9 = arith.constant 5 : i32
    %barrier3A = arith.constant 0 : index
    tpu.barrier barrier_id(%barrier3A)
    %mul3A_10 = arith.constant 80 : i32
    %mul3A_11 = arith.muli %add3A, %mul3A_10 : i32
    %add3A_12 = arith.constant 0 : i32
    %add3A_13 = arith.addi %mul3A_11, %add3A_12 : i32
    "tpu.region"() ({
      %run_scoped3A = tpu.sem_alloc : memref<!tpu.dma_semaphore, #tpu.memory_space<semaphore_mem>>
      %dma_start3A_165 = arith.constant 0 : i32
      %dma_start3A_166 = tpu.memref_slice %arg3[%add3A_13, %dma_start3A_165] : memref<2560x128xi32, #tpu.memory_space<hbm>> -> memref<40x128xi32, #tpu.memory_space<hbm>>
      %dma_start3A_167 = arith.constant 0 : i32
      %dma_start3A_168 = tpu.memref_slice %arg3[%add3A_13, %dma_start3A_167] : memref<2560x128xi32, #tpu.memory_space<hbm>> -> memref<40x128xi32, #tpu.memory_space<hbm>>
      tpu.enqueue_dma source(%dma_start3A_168 : memref<40x128xi32, #tpu.memory_space<hbm>>) target(%arg7 : memref<40x128xi32, #tpu.memory_space<vmem>>) target_semaphore(%run_scoped3A : memref<!tpu.dma_semaphore, #tpu.memory_space<semaphore_mem>>)
      %dma_wait3A_169 = arith.constant 0 : i32
      %dma_wait3A_170 = tpu.memref_slice %arg3[%add3A_13, %dma_wait3A_169] : memref<2560x128xi32, #tpu.memory_space<hbm>> -> memref<40x128xi32, #tpu.memory_space<hbm>>
      %dma_wait3A_171 = arith.constant 0 : i32
      %dma_wait3A_172 = tpu.memref_slice %arg3[%add3A_13, %dma_wait3A_171] : memref<2560x128xi32, #tpu.memory_space<hbm>> -> memref<40x128xi32, #tpu.memory_space<hbm>>
      tpu.wait_dma2 semaphore(%run_scoped3A : memref<!tpu.dma_semaphore, #tpu.memory_space<semaphore_mem>>) src(%dma_wait3A_172 : memref<40x128xi32, #tpu.memory_space<hbm>>) dst(%arg7 : memref<40x128xi32, #tpu.memory_space<vmem>>)
      tpu.yield
    }) : () -> ()
    "tpu.region"() ({
      %run_scoped3A = tpu.sem_alloc : memref<!tpu.dma_semaphore, #tpu.memory_space<semaphore_mem>>
      %dma_start3A_165 = arith.constant 0 : i32
      %dma_start3A_166 = tpu.memref_slice %arg4[%add3A_13, %dma_start3A_165] : memref<2560x128xi32, #tpu.memory_space<hbm>> -> memref<40x128xi32, #tpu.memory_space<hbm>>
      %dma_start3A_167 = arith.constant 0 : i32
      %dma_start3A_168 = tpu.memref_slice %arg4[%add3A_13, %dma_start3A_167] : memref<2560x128xi32, #tpu.memory_space<hbm>> -> memref<40x128xi32, #tpu.memory_space<hbm>>
      tpu.enqueue_dma source(%dma_start3A_168 : memref<40x128xi32, #tpu.memory_space<hbm>>) target(%arg8 : memref<40x128xi32, #tpu.memory_space<vmem>>) target_semaphore(%run_scoped3A : memref<!tpu.dma_semaphore, #tpu.memory_space<semaphore_mem>>)
      %dma_wait3A_169 = arith.constant 0 : i32
      %dma_wait3A_170 = tpu.memref_slice %arg4[%add3A_13, %dma_wait3A_169] : memref<2560x128xi32, #tpu.memory_space<hbm>> -> memref<40x128xi32, #tpu.memory_space<hbm>>
      %dma_wait3A_171 = arith.constant 0 : i32
      %dma_wait3A_172 = tpu.memref_slice %arg4[%add3A_13, %dma_wait3A_171] : memref<2560x128xi32, #tpu.memory_space<hbm>> -> memref<40x128xi32, #tpu.memory_space<hbm>>
      tpu.wait_dma2 semaphore(%run_scoped3A : memref<!tpu.dma_semaphore, #tpu.memory_space<semaphore_mem>>) src(%dma_wait3A_172 : memref<40x128xi32, #tpu.memory_space<hbm>>) dst(%arg8 : memref<40x128xi32, #tpu.memory_space<vmem>>)
      tpu.yield
    }) : () -> ()
    %dma_start3A = arith.constant 0 : i32
    %dma_start3A_14 = arith.constant 0 : i32
    %dma_start3A_15 = tpu.memref_slice %arg7[%dma_start3A, %dma_start3A_14] : memref<40x128xi32, #tpu.memory_space<vmem>> -> memref<1x128xi32, #tpu.memory_space<vmem>>
    %dma_start3A_16 = tpu.memref_squeeze %dma_start3A_15 : memref<1x128xi32, #tpu.memory_space<vmem>> -> memref<128xi32, #tpu.memory_space<vmem>>
    %dma_start3A_17 = arith.constant 0 : i32
    %dma_start3A_18 = arith.constant 0 : i32
    %dma_start3A_19 = tpu.memref_slice %arg2[%dma_start3A_17, %dma_start3A_18] : memref<10000x128xf32, #tpu.memory_space<hbm>> -> memref<10000x128xf32, #tpu.memory_space<hbm>>
    tpu.enqueue_indirect_dma source(%dma_start3A_19 : memref<10000x128xf32, #tpu.memory_space<hbm>>) target(%arg9 : memref<128x128xf32, #tpu.memory_space<vmem>>) offsets(%dma_start3A_16 : memref<128xi32, #tpu.memory_space<vmem>>) semaphore(%arg11 : memref<!tpu.dma_semaphore, #tpu.memory_space<semaphore_mem>>)
    %dma_start3A_20 = arith.constant 1 : i32
    %dma_start3A_21 = arith.constant 0 : i32
    %dma_start3A_22 = tpu.memref_slice %arg7[%dma_start3A_20, %dma_start3A_21] : memref<40x128xi32, #tpu.memory_space<vmem>> -> memref<1x128xi32, #tpu.memory_space<vmem>>
    %dma_start3A_23 = tpu.memref_squeeze %dma_start3A_22 : memref<1x128xi32, #tpu.memory_space<vmem>> -> memref<128xi32, #tpu.memory_space<vmem>>
    %dma_start3A_24 = arith.constant 0 : i32
    %dma_start3A_25 = arith.constant 0 : i32
    %dma_start3A_26 = tpu.memref_slice %arg2[%dma_start3A_24, %dma_start3A_25] : memref<10000x128xf32, #tpu.memory_space<hbm>> -> memref<10000x128xf32, #tpu.memory_space<hbm>>
    tpu.enqueue_indirect_dma source(%dma_start3A_26 : memref<10000x128xf32, #tpu.memory_space<hbm>>) target(%arg10 : memref<128x128xf32, #tpu.memory_space<vmem>>) offsets(%dma_start3A_23 : memref<128xi32, #tpu.memory_space<vmem>>) semaphore(%arg12 : memref<!tpu.dma_semaphore, #tpu.memory_space<semaphore_mem>>)
    %scan3A_27 = arith.constant 0 : i32
    %scan3A_28 = arith.constant 20 : i32
    %scan3A_29 = arith.addi %scan3A_27, %scan3A_28 : i32
    %scan3A_30 = arith.constant 1 : i32
    scf.for %scan3A_165 = %scan3A_27 to %scan3A_29 step %scan3A_30  : i32 {
      %mul3A_166 = arith.constant 2 : i32
      %mul3A_167 = arith.muli %scan3A_165, %mul3A_166 : i32
      %add3A_168 = arith.constant 0 : i32
      %add3A_169 = arith.addi %add3A_168, %mul3A_167 : i32
      %add3A_170 = arith.constant 0 : i32
      %add3A_171 = arith.addi %add3A_169, %add3A_170 : i32
      %dma_wait3A_172 = arith.constant 0 : i32
      %dma_wait3A_173 = tpu.memref_slice %arg7[%add3A_171, %dma_wait3A_172] : memref<40x128xi32, #tpu.memory_space<vmem>> -> memref<1x128xi32, #tpu.memory_space<vmem>>
      %dma_wait3A_174 = tpu.memref_squeeze %dma_wait3A_173 : memref<1x128xi32, #tpu.memory_space<vmem>> -> memref<128xi32, #tpu.memory_space<vmem>>
      %dma_wait3A_175 = arith.constant 0 : i32
      %dma_wait3A_176 = arith.constant 0 : i32
      %dma_wait3A_177 = tpu.memref_slice %arg2[%dma_wait3A_175, %dma_wait3A_176] : memref<10000x128xf32, #tpu.memory_space<hbm>> -> memref<10000x128xf32, #tpu.memory_space<hbm>>
      tpu.wait_indirect_dma semaphore(%arg11 : memref<!tpu.dma_semaphore, #tpu.memory_space<semaphore_mem>>) src(%dma_wait3A_177 : memref<10000x128xf32, #tpu.memory_space<hbm>>) dst(%arg9 : memref<128x128xf32, #tpu.memory_space<vmem>>)
      "tpu.region"() ({
        %run_scoped3A = tpu.sem_alloc : memref<!tpu.dma_semaphore, #tpu.memory_space<semaphore_mem>>
        %dma_start3A_197 = arith.constant 0 : i32
        %dma_start3A_198 = tpu.memref_slice %arg8[%add3A_171, %dma_start3A_197] : memref<40x128xi32, #tpu.memory_space<vmem>> -> memref<1x128xi32, #tpu.memory_space<vmem>>
        %dma_start3A_199 = tpu.memref_squeeze %dma_start3A_198 : memref<1x128xi32, #tpu.memory_space<vmem>> -> memref<128xi32, #tpu.memory_space<vmem>>
        %dma_start3A_200 = arith.constant 0 : i32
        %dma_start3A_201 = arith.constant 0 : i32
        %dma_start3A_202 = tpu.memref_slice %arg6[%dma_start3A_200, %dma_start3A_201] : memref<10240x128xf32, #tpu.memory_space<vmem_shared>> -> memref<10240x128xf32, #tpu.memory_space<vmem_shared>>
        tpu.enqueue_indirect_dma source(%arg9 : memref<128x128xf32, #tpu.memory_space<vmem>>) target(%dma_start3A_202 : memref<10240x128xf32, #tpu.memory_space<vmem_shared>>) offsets(%dma_start3A_199 : memref<128xi32, #tpu.memory_space<vmem>>) semaphore(%run_scoped3A : memref<!tpu.dma_semaphore, #tpu.memory_space<semaphore_mem>>) {add = true}
        %dma_wait3A_203 = arith.constant 0 : i32
        %dma_wait3A_204 = tpu.memref_slice %arg8[%add3A_171, %dma_wait3A_203] : memref<40x128xi32, #tpu.memory_space<vmem>> -> memref<1x128xi32, #tpu.memory_space<vmem>>
        %dma_wait3A_205 = tpu.memref_squeeze %dma_wait3A_204 : memref<1x128xi32, #tpu.memory_space<vmem>> -> memref<128xi32, #tpu.memory_space<vmem>>
        %dma_wait3A_206 = arith.constant 0 : i32
        %dma_wait3A_207 = arith.constant 0 : i32
        %dma_wait3A_208 = tpu.memref_slice %arg6[%dma_wait3A_206, %dma_wait3A_207] : memref<10240x128xf32, #tpu.memory_space<vmem_shared>> -> memref<10240x128xf32, #tpu.memory_space<vmem_shared>>
        tpu.wait_indirect_dma semaphore(%run_scoped3A : memref<!tpu.dma_semaphore, #tpu.memory_space<semaphore_mem>>) src(%arg9 : memref<128x128xf32, #tpu.memory_space<vmem>>) dst(%dma_wait3A_208 : memref<10240x128xf32, #tpu.memory_space<vmem_shared>>)
        tpu.yield
      }) : () -> ()
      %add3A_178 = arith.constant 2 : i32
      %add3A_179 = arith.addi %add3A_171, %add3A_178 : i32
      %lt3A = arith.constant 40 : i32
      %lt3A_180 = arith.cmpi slt, %add3A_179, %lt3A : i32
      %convert_element_type3A = arith.extui %lt3A_180 : i1 to i32
      %cond3A = arith.constant 0 : i32
      %cond3A_181 = arith.cmpi ne, %convert_element_type3A, %cond3A : i32
      scf.if %cond3A_181 {
        %add3A_197 = arith.constant 2 : i32
        %add3A_198 = arith.addi %add3A_171, %add3A_197 : i32
        %dma_start3A_199 = arith.constant 0 : i32
        %dma_start3A_200 = tpu.memref_slice %arg7[%add3A_198, %dma_start3A_199] : memref<40x128xi32, #tpu.memory_space<vmem>> -> memref<1x128xi32, #tpu.memory_space<vmem>>
        %dma_start3A_201 = tpu.memref_squeeze %dma_start3A_200 : memref<1x128xi32, #tpu.memory_space<vmem>> -> memref<128xi32, #tpu.memory_space<vmem>>
        %dma_start3A_202 = arith.constant 0 : i32
        %dma_start3A_203 = arith.constant 0 : i32
        %dma_start3A_204 = tpu.memref_slice %arg2[%dma_start3A_202, %dma_start3A_203] : memref<10000x128xf32, #tpu.memory_space<hbm>> -> memref<10000x128xf32, #tpu.memory_space<hbm>>
        tpu.enqueue_indirect_dma source(%dma_start3A_204 : memref<10000x128xf32, #tpu.memory_space<hbm>>) target(%arg9 : memref<128x128xf32, #tpu.memory_space<vmem>>) offsets(%dma_start3A_201 : memref<128xi32, #tpu.memory_space<vmem>>) semaphore(%arg11 : memref<!tpu.dma_semaphore, #tpu.memory_space<semaphore_mem>>)
      } else {
      }
      %add3A_182 = arith.constant 1 : i32
      %add3A_183 = arith.addi %add3A_169, %add3A_182 : i32
      %dma_wait3A_184 = arith.constant 0 : i32
      %dma_wait3A_185 = tpu.memref_slice %arg7[%add3A_183, %dma_wait3A_184] : memref<40x128xi32, #tpu.memory_space<vmem>> -> memref<1x128xi32, #tpu.memory_space<vmem>>
      %dma_wait3A_186 = tpu.memref_squeeze %dma_wait3A_185 : memref<1x128xi32, #tpu.memory_space<vmem>> -> memref<128xi32, #tpu.memory_space<vmem>>
      %dma_wait3A_187 = arith.constant 0 : i32
      %dma_wait3A_188 = arith.constant 0 : i32
      %dma_wait3A_189 = tpu.memref_slice %arg2[%dma_wait3A_187, %dma_wait3A_188] : memref<10000x128xf32, #tpu.memory_space<hbm>> -> memref<10000x128xf32, #tpu.memory_space<hbm>>
      tpu.wait_indirect_dma semaphore(%arg12 : memref<!tpu.dma_semaphore, #tpu.memory_space<semaphore_mem>>) src(%dma_wait3A_189 : memref<10000x128xf32, #tpu.memory_space<hbm>>) dst(%arg10 : memref<128x128xf32, #tpu.memory_space<vmem>>)
      "tpu.region"() ({
        %run_scoped3A = tpu.sem_alloc : memref<!tpu.dma_semaphore, #tpu.memory_space<semaphore_mem>>
        %dma_start3A_197 = arith.constant 0 : i32
        %dma_start3A_198 = tpu.memref_slice %arg8[%add3A_183, %dma_start3A_197] : memref<40x128xi32, #tpu.memory_space<vmem>> -> memref<1x128xi32, #tpu.memory_space<vmem>>
        %dma_start3A_199 = tpu.memref_squeeze %dma_start3A_198 : memref<1x128xi32, #tpu.memory_space<vmem>> -> memref<128xi32, #tpu.memory_space<vmem>>
        %dma_start3A_200 = arith.constant 0 : i32
        %dma_start3A_201 = arith.constant 0 : i32
        %dma_start3A_202 = tpu.memref_slice %arg6[%dma_start3A_200, %dma_start3A_201] : memref<10240x128xf32, #tpu.memory_space<vmem_shared>> -> memref<10240x128xf32, #tpu.memory_space<vmem_shared>>
        tpu.enqueue_indirect_dma source(%arg10 : memref<128x128xf32, #tpu.memory_space<vmem>>) target(%dma_start3A_202 : memref<10240x128xf32, #tpu.memory_space<vmem_shared>>) offsets(%dma_start3A_199 : memref<128xi32, #tpu.memory_space<vmem>>) semaphore(%run_scoped3A : memref<!tpu.dma_semaphore, #tpu.memory_space<semaphore_mem>>) {add = true}
        %dma_wait3A_203 = arith.constant 0 : i32
        %dma_wait3A_204 = tpu.memref_slice %arg8[%add3A_183, %dma_wait3A_203] : memref<40x128xi32, #tpu.memory_space<vmem>> -> memref<1x128xi32, #tpu.memory_space<vmem>>
        %dma_wait3A_205 = tpu.memref_squeeze %dma_wait3A_204 : memref<1x128xi32, #tpu.memory_space<vmem>> -> memref<128xi32, #tpu.memory_space<vmem>>
        %dma_wait3A_206 = arith.constant 0 : i32
        %dma_wait3A_207 = arith.constant 0 : i32
        %dma_wait3A_208 = tpu.memref_slice %arg6[%dma_wait3A_206, %dma_wait3A_207] : memref<10240x128xf32, #tpu.memory_space<vmem_shared>> -> memref<10240x128xf32, #tpu.memory_space<vmem_shared>>
        tpu.wait_indirect_dma semaphore(%run_scoped3A : memref<!tpu.dma_semaphore, #tpu.memory_space<semaphore_mem>>) src(%arg10 : memref<128x128xf32, #tpu.memory_space<vmem>>) dst(%dma_wait3A_208 : memref<10240x128xf32, #tpu.memory_space<vmem_shared>>)
        tpu.yield
      }) : () -> ()
      %add3A_190 = arith.constant 2 : i32
      %add3A_191 = arith.addi %add3A_183, %add3A_190 : i32
      %lt3A_192 = arith.constant 40 : i32
      %lt3A_193 = arith.cmpi slt, %add3A_191, %lt3A_192 : i32
      %convert_element_type3A_194 = arith.extui %lt3A_193 : i1 to i32
      %cond3A_195 = arith.constant 0 : i32
      %cond3A_196 = arith.cmpi ne, %convert_element_type3A_194, %cond3A_195 : i32
      scf.if %cond3A_196 {
        %add3A_197 = arith.constant 2 : i32
        %add3A_198 = arith.addi %add3A_183, %add3A_197 : i32
        %dma_start3A_199 = arith.constant 0 : i32
        %dma_start3A_200 = tpu.memref_slice %arg7[%add3A_198, %dma_start3A_199] : memref<40x128xi32, #tpu.memory_space<vmem>> -> memref<1x128xi32, #tpu.memory_space<vmem>>
        %dma_start3A_201 = tpu.memref_squeeze %dma_start3A_200 : memref<1x128xi32, #tpu.memory_space<vmem>> -> memref<128xi32, #tpu.memory_space<vmem>>
        %dma_start3A_202 = arith.constant 0 : i32
        %dma_start3A_203 = arith.constant 0 : i32
        %dma_start3A_204 = tpu.memref_slice %arg2[%dma_start3A_202, %dma_start3A_203] : memref<10000x128xf32, #tpu.memory_space<hbm>> -> memref<10000x128xf32, #tpu.memory_space<hbm>>
        tpu.enqueue_indirect_dma source(%dma_start3A_204 : memref<10000x128xf32, #tpu.memory_space<hbm>>) target(%arg10 : memref<128x128xf32, #tpu.memory_space<vmem>>) offsets(%dma_start3A_201 : memref<128xi32, #tpu.memory_space<vmem>>) semaphore(%arg12 : memref<!tpu.dma_semaphore, #tpu.memory_space<semaphore_mem>>)
      } else {
      }
    }
    %scan3A_31 = arith.constant 20 : i32
    %mul3A_32 = arith.constant 80 : i32
    %mul3A_33 = arith.muli %add3A, %mul3A_32 : i32
    %add3A_34 = arith.constant 40 : i32
    %add3A_35 = arith.addi %mul3A_33, %add3A_34 : i32
    "tpu.region"() ({
      %run_scoped3A = tpu.sem_alloc : memref<!tpu.dma_semaphore, #tpu.memory_space<semaphore_mem>>
      %dma_start3A_165 = arith.constant 0 : i32
      %dma_start3A_166 = tpu.memref_slice %arg3[%add3A_35, %dma_start3A_165] : memref<2560x128xi32, #tpu.memory_space<hbm>> -> memref<40x128xi32, #tpu.memory_space<hbm>>
      %dma_start3A_167 = arith.constant 0 : i32
      %dma_start3A_168 = tpu.memref_slice %arg3[%add3A_35, %dma_start3A_167] : memref<2560x128xi32, #tpu.memory_space<hbm>> -> memref<40x128xi32, #tpu.memory_space<hbm>>
      tpu.enqueue_dma source(%dma_start3A_168 : memref<40x128xi32, #tpu.memory_space<hbm>>) target(%arg7 : memref<40x128xi32, #tpu.memory_space<vmem>>) target_semaphore(%run_scoped3A : memref<!tpu.dma_semaphore, #tpu.memory_space<semaphore_mem>>)
      %dma_wait3A_169 = arith.constant 0 : i32
      %dma_wait3A_170 = tpu.memref_slice %arg3[%add3A_35, %dma_wait3A_169] : memref<2560x128xi32, #tpu.memory_space<hbm>> -> memref<40x128xi32, #tpu.memory_space<hbm>>
      %dma_wait3A_171 = arith.constant 0 : i32
      %dma_wait3A_172 = tpu.memref_slice %arg3[%add3A_35, %dma_wait3A_171] : memref<2560x128xi32, #tpu.memory_space<hbm>> -> memref<40x128xi32, #tpu.memory_space<hbm>>
      tpu.wait_dma2 semaphore(%run_scoped3A : memref<!tpu.dma_semaphore, #tpu.memory_space<semaphore_mem>>) src(%dma_wait3A_172 : memref<40x128xi32, #tpu.memory_space<hbm>>) dst(%arg7 : memref<40x128xi32, #tpu.memory_space<vmem>>)
      tpu.yield
    }) : () -> ()
    "tpu.region"() ({
      %run_scoped3A = tpu.sem_alloc : memref<!tpu.dma_semaphore, #tpu.memory_space<semaphore_mem>>
      %dma_start3A_165 = arith.constant 0 : i32
      %dma_start3A_166 = tpu.memref_slice %arg4[%add3A_35, %dma_start3A_165] : memref<2560x128xi32, #tpu.memory_space<hbm>> -> memref<40x128xi32, #tpu.memory_space<hbm>>
      %dma_start3A_167 = arith.constant 0 : i32
      %dma_start3A_168 = tpu.memref_slice %arg4[%add3A_35, %dma_start3A_167] : memref<2560x128xi32, #tpu.memory_space<hbm>> -> memref<40x128xi32, #tpu.memory_space<hbm>>
      tpu.enqueue_dma source(%dma_start3A_168 : memref<40x128xi32, #tpu.memory_space<hbm>>) target(%arg8 : memref<40x128xi32, #tpu.memory_space<vmem>>) target_semaphore(%run_scoped3A : memref<!tpu.dma_semaphore, #tpu.memory_space<semaphore_mem>>)
      %dma_wait3A_169 = arith.constant 0 : i32
      %dma_wait3A_170 = tpu.memref_slice %arg4[%add3A_35, %dma_wait3A_169] : memref<2560x128xi32, #tpu.memory_space<hbm>> -> memref<40x128xi32, #tpu.memory_space<hbm>>
      %dma_wait3A_171 = arith.constant 0 : i32
      %dma_wait3A_172 = tpu.memref_slice %arg4[%add3A_35, %dma_wait3A_171] : memref<2560x128xi32, #tpu.memory_space<hbm>> -> memref<40x128xi32, #tpu.memory_space<hbm>>
      tpu.wait_dma2 semaphore(%run_scoped3A : memref<!tpu.dma_semaphore, #tpu.memory_space<semaphore_mem>>) src(%dma_wait3A_172 : memref<40x128xi32, #tpu.memory_space<hbm>>) dst(%arg8 : memref<40x128xi32, #tpu.memory_space<vmem>>)
      tpu.yield
    }) : () -> ()
    %dma_start3A_36 = arith.constant 0 : i32
    %dma_start3A_37 = arith.constant 0 : i32
    %dma_start3A_38 = tpu.memref_slice %arg7[%dma_start3A_36, %dma_start3A_37] : memref<40x128xi32, #tpu.memory_space<vmem>> -> memref<1x128xi32, #tpu.memory_space<vmem>>
    %dma_start3A_39 = tpu.memref_squeeze %dma_start3A_38 : memref<1x128xi32, #tpu.memory_space<vmem>> -> memref<128xi32, #tpu.memory_space<vmem>>
    %dma_start3A_40 = arith.constant 0 : i32
    %dma_start3A_41 = arith.constant 0 : i32
    %dma_start3A_42 = tpu.memref_slice %arg2[%dma_start3A_40, %dma_start3A_41] : memref<10000x128xf32, #tpu.memory_space<hbm>> -> memref<10000x128xf32, #tpu.memory_space<hbm>>
    tpu.enqueue_indirect_dma source(%dma_start3A_42 : memref<10000x128xf32, #tpu.memory_space<hbm>>) target(%arg9 : memref<128x128xf32, #tpu.memory_space<vmem>>) offsets(%dma_start3A_39 : memref<128xi32, #tpu.memory_space<vmem>>) semaphore(%arg11 : memref<!tpu.dma_semaphore, #tpu.memory_space<semaphore_mem>>)
    %dma_start3A_43 = arith.constant 1 : i32
    %dma_start3A_44 = arith.constant 0 : i32
    %dma_start3A_45 = tpu.memref_slice %arg7[%dma_start3A_43, %dma_start3A_44] : memref<40x128xi32, #tpu.memory_space<vmem>> -> memref<1x128xi32, #tpu.memory_space<vmem>>
    %dma_start3A_46 = tpu.memref_squeeze %dma_start3A_45 : memref<1x128xi32, #tpu.memory_space<vmem>> -> memref<128xi32, #tpu.memory_space<vmem>>
    %dma_start3A_47 = arith.constant 0 : i32
    %dma_start3A_48 = arith.constant 0 : i32
    %dma_start3A_49 = tpu.memref_slice %arg2[%dma_start3A_47, %dma_start3A_48] : memref<10000x128xf32, #tpu.memory_space<hbm>> -> memref<10000x128xf32, #tpu.memory_space<hbm>>
    tpu.enqueue_indirect_dma source(%dma_start3A_49 : memref<10000x128xf32, #tpu.memory_space<hbm>>) target(%arg10 : memref<128x128xf32, #tpu.memory_space<vmem>>) offsets(%dma_start3A_46 : memref<128xi32, #tpu.memory_space<vmem>>) semaphore(%arg12 : memref<!tpu.dma_semaphore, #tpu.memory_space<semaphore_mem>>)
    %scan3A_50 = arith.constant 0 : i32
    %scan3A_51 = arith.constant 20 : i32
    %scan3A_52 = arith.addi %scan3A_50, %scan3A_51 : i32
    %scan3A_53 = arith.constant 1 : i32
    scf.for %scan3A_165 = %scan3A_50 to %scan3A_52 step %scan3A_53  : i32 {
      %mul3A_166 = arith.constant 2 : i32
      %mul3A_167 = arith.muli %scan3A_165, %mul3A_166 : i32
      %add3A_168 = arith.constant 0 : i32
      %add3A_169 = arith.addi %add3A_168, %mul3A_167 : i32
      %add3A_170 = arith.constant 0 : i32
      %add3A_171 = arith.addi %add3A_169, %add3A_170 : i32
      %dma_wait3A_172 = arith.constant 0 : i32
      %dma_wait3A_173 = tpu.memref_slice %arg7[%add3A_171, %dma_wait3A_172] : memref<40x128xi32, #tpu.memory_space<vmem>> -> memref<1x128xi32, #tpu.memory_space<vmem>>
      %dma_wait3A_174 = tpu.memref_squeeze %dma_wait3A_173 : memref<1x128xi32, #tpu.memory_space<vmem>> -> memref<128xi32, #tpu.memory_space<vmem>>
      %dma_wait3A_175 = arith.constant 0 : i32
      %dma_wait3A_176 = arith.constant 0 : i32
      %dma_wait3A_177 = tpu.memref_slice %arg2[%dma_wait3A_175, %dma_wait3A_176] : memref<10000x128xf32, #tpu.memory_space<hbm>> -> memref<10000x128xf32, #tpu.memory_space<hbm>>
      tpu.wait_indirect_dma semaphore(%arg11 : memref<!tpu.dma_semaphore, #tpu.memory_space<semaphore_mem>>) src(%dma_wait3A_177 : memref<10000x128xf32, #tpu.memory_space<hbm>>) dst(%arg9 : memref<128x128xf32, #tpu.memory_space<vmem>>)
      "tpu.region"() ({
        %run_scoped3A = tpu.sem_alloc : memref<!tpu.dma_semaphore, #tpu.memory_space<semaphore_mem>>
        %dma_start3A_197 = arith.constant 0 : i32
        %dma_start3A_198 = tpu.memref_slice %arg8[%add3A_171, %dma_start3A_197] : memref<40x128xi32, #tpu.memory_space<vmem>> -> memref<1x128xi32, #tpu.memory_space<vmem>>
        %dma_start3A_199 = tpu.memref_squeeze %dma_start3A_198 : memref<1x128xi32, #tpu.memory_space<vmem>> -> memref<128xi32, #tpu.memory_space<vmem>>
        %dma_start3A_200 = arith.constant 0 : i32
        %dma_start3A_201 = arith.constant 0 : i32
        %dma_start3A_202 = tpu.memref_slice %arg6[%dma_start3A_200, %dma_start3A_201] : memref<10240x128xf32, #tpu.memory_space<vmem_shared>> -> memref<10240x128xf32, #tpu.memory_space<vmem_shared>>
        tpu.enqueue_indirect_dma source(%arg9 : memref<128x128xf32, #tpu.memory_space<vmem>>) target(%dma_start3A_202 : memref<10240x128xf32, #tpu.memory_space<vmem_shared>>) offsets(%dma_start3A_199 : memref<128xi32, #tpu.memory_space<vmem>>) semaphore(%run_scoped3A : memref<!tpu.dma_semaphore, #tpu.memory_space<semaphore_mem>>) {add = true}
        %dma_wait3A_203 = arith.constant 0 : i32
        %dma_wait3A_204 = tpu.memref_slice %arg8[%add3A_171, %dma_wait3A_203] : memref<40x128xi32, #tpu.memory_space<vmem>> -> memref<1x128xi32, #tpu.memory_space<vmem>>
        %dma_wait3A_205 = tpu.memref_squeeze %dma_wait3A_204 : memref<1x128xi32, #tpu.memory_space<vmem>> -> memref<128xi32, #tpu.memory_space<vmem>>
        %dma_wait3A_206 = arith.constant 0 : i32
        %dma_wait3A_207 = arith.constant 0 : i32
        %dma_wait3A_208 = tpu.memref_slice %arg6[%dma_wait3A_206, %dma_wait3A_207] : memref<10240x128xf32, #tpu.memory_space<vmem_shared>> -> memref<10240x128xf32, #tpu.memory_space<vmem_shared>>
        tpu.wait_indirect_dma semaphore(%run_scoped3A : memref<!tpu.dma_semaphore, #tpu.memory_space<semaphore_mem>>) src(%arg9 : memref<128x128xf32, #tpu.memory_space<vmem>>) dst(%dma_wait3A_208 : memref<10240x128xf32, #tpu.memory_space<vmem_shared>>)
        tpu.yield
      }) : () -> ()
      %add3A_178 = arith.constant 2 : i32
      %add3A_179 = arith.addi %add3A_171, %add3A_178 : i32
      %lt3A = arith.constant 40 : i32
      %lt3A_180 = arith.cmpi slt, %add3A_179, %lt3A : i32
      %convert_element_type3A = arith.extui %lt3A_180 : i1 to i32
      %cond3A = arith.constant 0 : i32
      %cond3A_181 = arith.cmpi ne, %convert_element_type3A, %cond3A : i32
      scf.if %cond3A_181 {
        %add3A_197 = arith.constant 2 : i32
        %add3A_198 = arith.addi %add3A_171, %add3A_197 : i32
        %dma_start3A_199 = arith.constant 0 : i32
        %dma_start3A_200 = tpu.memref_slice %arg7[%add3A_198, %dma_start3A_199] : memref<40x128xi32, #tpu.memory_space<vmem>> -> memref<1x128xi32, #tpu.memory_space<vmem>>
        %dma_start3A_201 = tpu.memref_squeeze %dma_start3A_200 : memref<1x128xi32, #tpu.memory_space<vmem>> -> memref<128xi32, #tpu.memory_space<vmem>>
        %dma_start3A_202 = arith.constant 0 : i32
        %dma_start3A_203 = arith.constant 0 : i32
        %dma_start3A_204 = tpu.memref_slice %arg2[%dma_start3A_202, %dma_start3A_203] : memref<10000x128xf32, #tpu.memory_space<hbm>> -> memref<10000x128xf32, #tpu.memory_space<hbm>>
        tpu.enqueue_indirect_dma source(%dma_start3A_204 : memref<10000x128xf32, #tpu.memory_space<hbm>>) target(%arg9 : memref<128x128xf32, #tpu.memory_space<vmem>>) offsets(%dma_start3A_201 : memref<128xi32, #tpu.memory_space<vmem>>) semaphore(%arg11 : memref<!tpu.dma_semaphore, #tpu.memory_space<semaphore_mem>>)
      } else {
      }
      %add3A_182 = arith.constant 1 : i32
      %add3A_183 = arith.addi %add3A_169, %add3A_182 : i32
      %dma_wait3A_184 = arith.constant 0 : i32
      %dma_wait3A_185 = tpu.memref_slice %arg7[%add3A_183, %dma_wait3A_184] : memref<40x128xi32, #tpu.memory_space<vmem>> -> memref<1x128xi32, #tpu.memory_space<vmem>>
      %dma_wait3A_186 = tpu.memref_squeeze %dma_wait3A_185 : memref<1x128xi32, #tpu.memory_space<vmem>> -> memref<128xi32, #tpu.memory_space<vmem>>
      %dma_wait3A_187 = arith.constant 0 : i32
      %dma_wait3A_188 = arith.constant 0 : i32
      %dma_wait3A_189 = tpu.memref_slice %arg2[%dma_wait3A_187, %dma_wait3A_188] : memref<10000x128xf32, #tpu.memory_space<hbm>> -> memref<10000x128xf32, #tpu.memory_space<hbm>>
      tpu.wait_indirect_dma semaphore(%arg12 : memref<!tpu.dma_semaphore, #tpu.memory_space<semaphore_mem>>) src(%dma_wait3A_189 : memref<10000x128xf32, #tpu.memory_space<hbm>>) dst(%arg10 : memref<128x128xf32, #tpu.memory_space<vmem>>)
      "tpu.region"() ({
        %run_scoped3A = tpu.sem_alloc : memref<!tpu.dma_semaphore, #tpu.memory_space<semaphore_mem>>
        %dma_start3A_197 = arith.constant 0 : i32
        %dma_start3A_198 = tpu.memref_slice %arg8[%add3A_183, %dma_start3A_197] : memref<40x128xi32, #tpu.memory_space<vmem>> -> memref<1x128xi32, #tpu.memory_space<vmem>>
        %dma_start3A_199 = tpu.memref_squeeze %dma_start3A_198 : memref<1x128xi32, #tpu.memory_space<vmem>> -> memref<128xi32, #tpu.memory_space<vmem>>
        %dma_start3A_200 = arith.constant 0 : i32
        %dma_start3A_201 = arith.constant 0 : i32
        %dma_start3A_202 = tpu.memref_slice %arg6[%dma_start3A_200, %dma_start3A_201] : memref<10240x128xf32, #tpu.memory_space<vmem_shared>> -> memref<10240x128xf32, #tpu.memory_space<vmem_shared>>
        tpu.enqueue_indirect_dma source(%arg10 : memref<128x128xf32, #tpu.memory_space<vmem>>) target(%dma_start3A_202 : memref<10240x128xf32, #tpu.memory_space<vmem_shared>>) offsets(%dma_start3A_199 : memref<128xi32, #tpu.memory_space<vmem>>) semaphore(%run_scoped3A : memref<!tpu.dma_semaphore, #tpu.memory_space<semaphore_mem>>) {add = true}
        %dma_wait3A_203 = arith.constant 0 : i32
        %dma_wait3A_204 = tpu.memref_slice %arg8[%add3A_183, %dma_wait3A_203] : memref<40x128xi32, #tpu.memory_space<vmem>> -> memref<1x128xi32, #tpu.memory_space<vmem>>
        %dma_wait3A_205 = tpu.memref_squeeze %dma_wait3A_204 : memref<1x128xi32, #tpu.memory_space<vmem>> -> memref<128xi32, #tpu.memory_space<vmem>>
        %dma_wait3A_206 = arith.constant 0 : i32
        %dma_wait3A_207 = arith.constant 0 : i32
        %dma_wait3A_208 = tpu.memref_slice %arg6[%dma_wait3A_206, %dma_wait3A_207] : memref<10240x128xf32, #tpu.memory_space<vmem_shared>> -> memref<10240x128xf32, #tpu.memory_space<vmem_shared>>
        tpu.wait_indirect_dma semaphore(%run_scoped3A : memref<!tpu.dma_semaphore, #tpu.memory_space<semaphore_mem>>) src(%arg10 : memref<128x128xf32, #tpu.memory_space<vmem>>) dst(%dma_wait3A_208 : memref<10240x128xf32, #tpu.memory_space<vmem_shared>>)
        tpu.yield
      }) : () -> ()
      %add3A_190 = arith.constant 2 : i32
      %add3A_191 = arith.addi %add3A_183, %add3A_190 : i32
      %lt3A_192 = arith.constant 40 : i32
      %lt3A_193 = arith.cmpi slt, %add3A_191, %lt3A_192 : i32
      %convert_element_type3A_194 = arith.extui %lt3A_193 : i1 to i32
      %cond3A_195 = arith.constant 0 : i32
      %cond3A_196 = arith.cmpi ne, %convert_element_type3A_194, %cond3A_195 : i32
      scf.if %cond3A_196 {
        %add3A_197 = arith.constant 2 : i32
        %add3A_198 = arith.addi %add3A_183, %add3A_197 : i32
        %dma_start3A_199 = arith.constant 0 : i32
        %dma_start3A_200 = tpu.memref_slice %arg7[%add3A_198, %dma_start3A_199] : memref<40x128xi32, #tpu.memory_space<vmem>> -> memref<1x128xi32, #tpu.memory_space<vmem>>
        %dma_start3A_201 = tpu.memref_squeeze %dma_start3A_200 : memref<1x128xi32, #tpu.memory_space<vmem>> -> memref<128xi32, #tpu.memory_space<vmem>>
        %dma_start3A_202 = arith.constant 0 : i32
        %dma_start3A_203 = arith.constant 0 : i32
        %dma_start3A_204 = tpu.memref_slice %arg2[%dma_start3A_202, %dma_start3A_203] : memref<10000x128xf32, #tpu.memory_space<hbm>> -> memref<10000x128xf32, #tpu.memory_space<hbm>>
        tpu.enqueue_indirect_dma source(%dma_start3A_204 : memref<10000x128xf32, #tpu.memory_space<hbm>>) target(%arg10 : memref<128x128xf32, #tpu.memory_space<vmem>>) offsets(%dma_start3A_201 : memref<128xi32, #tpu.memory_space<vmem>>) semaphore(%arg12 : memref<!tpu.dma_semaphore, #tpu.memory_space<semaphore_mem>>)
      } else {
      }
    }
    %scan3A_54 = arith.constant 20 : i32
    %barrier3A_55 = arith.constant 0 : index
    tpu.barrier barrier_id(%barrier3A_55)
    %mul3A_56 = arith.constant 5 : i32
    %mul3A_57 = arith.muli %arg1, %mul3A_56 : i32
    %add3A_58 = arith.constant 0 : i32
    %add3A_59 = arith.addi %mul3A_57, %add3A_58 : i32
    %mul3A_60 = arith.constant 128 : i32
    %mul3A_61 = arith.muli %add3A_59, %mul3A_60 : i32
    %dma_start3A_62 = arith.constant 0 : i32
    %dma_start3A_63 = tpu.memref_slice %arg5[%arg0, %mul3A_61, %dma_start3A_62] : memref<2x10240x128xf32, #tpu.memory_space<hbm>> -> memref<1x128x128xf32, #tpu.memory_space<hbm>>
    %dma_start3A_64 = tpu.memref_squeeze %dma_start3A_63 : memref<1x128x128xf32, #tpu.memory_space<hbm>> -> memref<128x128xf32, #tpu.memory_space<hbm>>
    %dma_start3A_65 = arith.constant 0 : i32
    %dma_start3A_66 = tpu.memref_slice %arg6[%mul3A_61, %dma_start3A_65] : memref<10240x128xf32, #tpu.memory_space<vmem_shared>> -> memref<128x128xf32, #tpu.memory_space<vmem_shared>>
    tpu.enqueue_dma source(%dma_start3A_66 : memref<128x128xf32, #tpu.memory_space<vmem_shared>>) target(%dma_start3A_64 : memref<128x128xf32, #tpu.memory_space<hbm>>) target_semaphore(%arg11 : memref<!tpu.dma_semaphore, #tpu.memory_space<semaphore_mem>>)
    %mul3A_67 = arith.constant 5 : i32
    %mul3A_68 = arith.muli %arg1, %mul3A_67 : i32
    %add3A_69 = arith.constant 1 : i32
    %add3A_70 = arith.addi %mul3A_68, %add3A_69 : i32
    %mul3A_71 = arith.constant 128 : i32
    %mul3A_72 = arith.muli %add3A_70, %mul3A_71 : i32
    %dma_start3A_73 = arith.constant 0 : i32
    %dma_start3A_74 = tpu.memref_slice %arg5[%arg0, %mul3A_72, %dma_start3A_73] : memref<2x10240x128xf32, #tpu.memory_space<hbm>> -> memref<1x128x128xf32, #tpu.memory_space<hbm>>
    %dma_start3A_75 = tpu.memref_squeeze %dma_start3A_74 : memref<1x128x128xf32, #tpu.memory_space<hbm>> -> memref<128x128xf32, #tpu.memory_space<hbm>>
    %dma_start3A_76 = arith.constant 0 : i32
    %dma_start3A_77 = tpu.memref_slice %arg6[%mul3A_72, %dma_start3A_76] : memref<10240x128xf32, #tpu.memory_space<vmem_shared>> -> memref<128x128xf32, #tpu.memory_space<vmem_shared>>
    tpu.enqueue_dma source(%dma_start3A_77 : memref<128x128xf32, #tpu.memory_space<vmem_shared>>) target(%dma_start3A_75 : memref<128x128xf32, #tpu.memory_space<hbm>>) target_semaphore(%arg11 : memref<!tpu.dma_semaphore, #tpu.memory_space<semaphore_mem>>)
    %mul3A_78 = arith.constant 5 : i32
    %mul3A_79 = arith.muli %arg1, %mul3A_78 : i32
    %add3A_80 = arith.constant 2 : i32
    %add3A_81 = arith.addi %mul3A_79, %add3A_80 : i32
    %mul3A_82 = arith.constant 128 : i32
    %mul3A_83 = arith.muli %add3A_81, %mul3A_82 : i32
    %dma_start3A_84 = arith.constant 0 : i32
    %dma_start3A_85 = tpu.memref_slice %arg5[%arg0, %mul3A_83, %dma_start3A_84] : memref<2x10240x128xf32, #tpu.memory_space<hbm>> -> memref<1x128x128xf32, #tpu.memory_space<hbm>>
    %dma_start3A_86 = tpu.memref_squeeze %dma_start3A_85 : memref<1x128x128xf32, #tpu.memory_space<hbm>> -> memref<128x128xf32, #tpu.memory_space<hbm>>
    %dma_start3A_87 = arith.constant 0 : i32
    %dma_start3A_88 = tpu.memref_slice %arg6[%mul3A_83, %dma_start3A_87] : memref<10240x128xf32, #tpu.memory_space<vmem_shared>> -> memref<128x128xf32, #tpu.memory_space<vmem_shared>>
    tpu.enqueue_dma source(%dma_start3A_88 : memref<128x128xf32, #tpu.memory_space<vmem_shared>>) target(%dma_start3A_86 : memref<128x128xf32, #tpu.memory_space<hbm>>) target_semaphore(%arg11 : memref<!tpu.dma_semaphore, #tpu.memory_space<semaphore_mem>>)
    %mul3A_89 = arith.constant 5 : i32
    %mul3A_90 = arith.muli %arg1, %mul3A_89 : i32
    %add3A_91 = arith.constant 3 : i32
    %add3A_92 = arith.addi %mul3A_90, %add3A_91 : i32
    %mul3A_93 = arith.constant 128 : i32
    %mul3A_94 = arith.muli %add3A_92, %mul3A_93 : i32
    %dma_start3A_95 = arith.constant 0 : i32
    %dma_start3A_96 = tpu.memref_slice %arg5[%arg0, %mul3A_94, %dma_start3A_95] : memref<2x10240x128xf32, #tpu.memory_space<hbm>> -> memref<1x128x128xf32, #tpu.memory_space<hbm>>
    %dma_start3A_97 = tpu.memref_squeeze %dma_start3A_96 : memref<1x128x128xf32, #tpu.memory_space<hbm>> -> memref<128x128xf32, #tpu.memory_space<hbm>>
    %dma_start3A_98 = arith.constant 0 : i32
    %dma_start3A_99 = tpu.memref_slice %arg6[%mul3A_94, %dma_start3A_98] : memref<10240x128xf32, #tpu.memory_space<vmem_shared>> -> memref<128x128xf32, #tpu.memory_space<vmem_shared>>
    tpu.enqueue_dma source(%dma_start3A_99 : memref<128x128xf32, #tpu.memory_space<vmem_shared>>) target(%dma_start3A_97 : memref<128x128xf32, #tpu.memory_space<hbm>>) target_semaphore(%arg11 : memref<!tpu.dma_semaphore, #tpu.memory_space<semaphore_mem>>)
    %mul3A_100 = arith.constant 5 : i32
    %mul3A_101 = arith.muli %arg1, %mul3A_100 : i32
    %add3A_102 = arith.constant 4 : i32
    %add3A_103 = arith.addi %mul3A_101, %add3A_102 : i32
    %mul3A_104 = arith.constant 128 : i32
    %mul3A_105 = arith.muli %add3A_103, %mul3A_104 : i32
    %dma_start3A_106 = arith.constant 0 : i32
    %dma_start3A_107 = tpu.memref_slice %arg5[%arg0, %mul3A_105, %dma_start3A_106] : memref<2x10240x128xf32, #tpu.memory_space<hbm>> -> memref<1x128x128xf32, #tpu.memory_space<hbm>>
    %dma_start3A_108 = tpu.memref_squeeze %dma_start3A_107 : memref<1x128x128xf32, #tpu.memory_space<hbm>> -> memref<128x128xf32, #tpu.memory_space<hbm>>
    %dma_start3A_109 = arith.constant 0 : i32
    %dma_start3A_110 = tpu.memref_slice %arg6[%mul3A_105, %dma_start3A_109] : memref<10240x128xf32, #tpu.memory_space<vmem_shared>> -> memref<128x128xf32, #tpu.memory_space<vmem_shared>>
    tpu.enqueue_dma source(%dma_start3A_110 : memref<128x128xf32, #tpu.memory_space<vmem_shared>>) target(%dma_start3A_108 : memref<128x128xf32, #tpu.memory_space<hbm>>) target_semaphore(%arg11 : memref<!tpu.dma_semaphore, #tpu.memory_space<semaphore_mem>>)
    %mul3A_111 = arith.constant 5 : i32
    %mul3A_112 = arith.muli %arg1, %mul3A_111 : i32
    %add3A_113 = arith.constant 0 : i32
    %add3A_114 = arith.addi %mul3A_112, %add3A_113 : i32
    %mul3A_115 = arith.constant 128 : i32
    %mul3A_116 = arith.muli %add3A_114, %mul3A_115 : i32
    %dma_wait3A = arith.constant 0 : i32
    %dma_wait3A_117 = tpu.memref_slice %arg5[%arg0, %mul3A_116, %dma_wait3A] : memref<2x10240x128xf32, #tpu.memory_space<hbm>> -> memref<1x128x128xf32, #tpu.memory_space<hbm>>
    %dma_wait3A_118 = tpu.memref_squeeze %dma_wait3A_117 : memref<1x128x128xf32, #tpu.memory_space<hbm>> -> memref<128x128xf32, #tpu.memory_space<hbm>>
    %dma_wait3A_119 = arith.constant 0 : i32
    %dma_wait3A_120 = tpu.memref_slice %arg6[%mul3A_116, %dma_wait3A_119] : memref<10240x128xf32, #tpu.memory_space<vmem_shared>> -> memref<128x128xf32, #tpu.memory_space<vmem_shared>>
    tpu.wait_dma2 semaphore(%arg11 : memref<!tpu.dma_semaphore, #tpu.memory_space<semaphore_mem>>) src(%dma_wait3A_120 : memref<128x128xf32, #tpu.memory_space<vmem_shared>>) dst(%dma_wait3A_118 : memref<128x128xf32, #tpu.memory_space<hbm>>)
    %mul3A_121 = arith.constant 5 : i32
    %mul3A_122 = arith.muli %arg1, %mul3A_121 : i32
    %add3A_123 = arith.constant 1 : i32
    %add3A_124 = arith.addi %mul3A_122, %add3A_123 : i32
    %mul3A_125 = arith.constant 128 : i32
    %mul3A_126 = arith.muli %add3A_124, %mul3A_125 : i32
    %dma_wait3A_127 = arith.constant 0 : i32
    %dma_wait3A_128 = tpu.memref_slice %arg5[%arg0, %mul3A_126, %dma_wait3A_127] : memref<2x10240x128xf32, #tpu.memory_space<hbm>> -> memref<1x128x128xf32, #tpu.memory_space<hbm>>
    %dma_wait3A_129 = tpu.memref_squeeze %dma_wait3A_128 : memref<1x128x128xf32, #tpu.memory_space<hbm>> -> memref<128x128xf32, #tpu.memory_space<hbm>>
    %dma_wait3A_130 = arith.constant 0 : i32
    %dma_wait3A_131 = tpu.memref_slice %arg6[%mul3A_126, %dma_wait3A_130] : memref<10240x128xf32, #tpu.memory_space<vmem_shared>> -> memref<128x128xf32, #tpu.memory_space<vmem_shared>>
    tpu.wait_dma2 semaphore(%arg11 : memref<!tpu.dma_semaphore, #tpu.memory_space<semaphore_mem>>) src(%dma_wait3A_131 : memref<128x128xf32, #tpu.memory_space<vmem_shared>>) dst(%dma_wait3A_129 : memref<128x128xf32, #tpu.memory_space<hbm>>)
    %mul3A_132 = arith.constant 5 : i32
    %mul3A_133 = arith.muli %arg1, %mul3A_132 : i32
    %add3A_134 = arith.constant 2 : i32
    %add3A_135 = arith.addi %mul3A_133, %add3A_134 : i32
    %mul3A_136 = arith.constant 128 : i32
    %mul3A_137 = arith.muli %add3A_135, %mul3A_136 : i32
    %dma_wait3A_138 = arith.constant 0 : i32
    %dma_wait3A_139 = tpu.memref_slice %arg5[%arg0, %mul3A_137, %dma_wait3A_138] : memref<2x10240x128xf32, #tpu.memory_space<hbm>> -> memref<1x128x128xf32, #tpu.memory_space<hbm>>
    %dma_wait3A_140 = tpu.memref_squeeze %dma_wait3A_139 : memref<1x128x128xf32, #tpu.memory_space<hbm>> -> memref<128x128xf32, #tpu.memory_space<hbm>>
    %dma_wait3A_141 = arith.constant 0 : i32
    %dma_wait3A_142 = tpu.memref_slice %arg6[%mul3A_137, %dma_wait3A_141] : memref<10240x128xf32, #tpu.memory_space<vmem_shared>> -> memref<128x128xf32, #tpu.memory_space<vmem_shared>>
    tpu.wait_dma2 semaphore(%arg11 : memref<!tpu.dma_semaphore, #tpu.memory_space<semaphore_mem>>) src(%dma_wait3A_142 : memref<128x128xf32, #tpu.memory_space<vmem_shared>>) dst(%dma_wait3A_140 : memref<128x128xf32, #tpu.memory_space<hbm>>)
    %mul3A_143 = arith.constant 5 : i32
    %mul3A_144 = arith.muli %arg1, %mul3A_143 : i32
    %add3A_145 = arith.constant 3 : i32
    %add3A_146 = arith.addi %mul3A_144, %add3A_145 : i32
    %mul3A_147 = arith.constant 128 : i32
    %mul3A_148 = arith.muli %add3A_146, %mul3A_147 : i32
    %dma_wait3A_149 = arith.constant 0 : i32
    %dma_wait3A_150 = tpu.memref_slice %arg5[%arg0, %mul3A_148, %dma_wait3A_149] : memref<2x10240x128xf32, #tpu.memory_space<hbm>> -> memref<1x128x128xf32, #tpu.memory_space<hbm>>
    %dma_wait3A_151 = tpu.memref_squeeze %dma_wait3A_150 : memref<1x128x128xf32, #tpu.memory_space<hbm>> -> memref<128x128xf32, #tpu.memory_space<hbm>>
    %dma_wait3A_152 = arith.constant 0 : i32
    %dma_wait3A_153 = tpu.memref_slice %arg6[%mul3A_148, %dma_wait3A_152] : memref<10240x128xf32, #tpu.memory_space<vmem_shared>> -> memref<128x128xf32, #tpu.memory_space<vmem_shared>>
    tpu.wait_dma2 semaphore(%arg11 : memref<!tpu.dma_semaphore, #tpu.memory_space<semaphore_mem>>) src(%dma_wait3A_153 : memref<128x128xf32, #tpu.memory_space<vmem_shared>>) dst(%dma_wait3A_151 : memref<128x128xf32, #tpu.memory_space<hbm>>)
    %mul3A_154 = arith.constant 5 : i32
    %mul3A_155 = arith.muli %arg1, %mul3A_154 : i32
    %add3A_156 = arith.constant 4 : i32
    %add3A_157 = arith.addi %mul3A_155, %add3A_156 : i32
    %mul3A_158 = arith.constant 128 : i32
    %mul3A_159 = arith.muli %add3A_157, %mul3A_158 : i32
    %dma_wait3A_160 = arith.constant 0 : i32
    %dma_wait3A_161 = tpu.memref_slice %arg5[%arg0, %mul3A_159, %dma_wait3A_160] : memref<2x10240x128xf32, #tpu.memory_space<hbm>> -> memref<1x128x128xf32, #tpu.memory_space<hbm>>
    %dma_wait3A_162 = tpu.memref_squeeze %dma_wait3A_161 : memref<1x128x128xf32, #tpu.memory_space<hbm>> -> memref<128x128xf32, #tpu.memory_space<hbm>>
    %dma_wait3A_163 = arith.constant 0 : i32
    %dma_wait3A_164 = tpu.memref_slice %arg6[%mul3A_159, %dma_wait3A_163] : memref<10240x128xf32, #tpu.memory_space<vmem_shared>> -> memref<128x128xf32, #tpu.memory_space<vmem_shared>>
    tpu.wait_dma2 semaphore(%arg11 : memref<!tpu.dma_semaphore, #tpu.memory_space<semaphore_mem>>) src(%dma_wait3A_164 : memref<128x128xf32, #tpu.memory_space<vmem_shared>>) dst(%dma_wait3A_162 : memref<128x128xf32, #tpu.memory_space<hbm>>)
    return
  }
}

#map = affine_map<(d0, d1) -> (0, 0)>
#map1 = affine_map<(d0, d1) -> (0, 0, 0)>
module attributes {stable_mosaic.version = 14 : i64} {
  func.func @segsum(%arg0: i32, %arg1: i32, %arg2: memref<10240x128xf32, #tpu.memory_space<hbm>>, %arg3: memref<2560x128xi32, #tpu.memory_space<hbm>>, %arg4: memref<2560x128xi32, #tpu.memory_space<hbm>>, %arg5: memref<2x10240x128xf32, #tpu.memory_space<hbm>>, %arg6: memref<10240x128xf32, #tpu.memory_space<vmem_shared>>, %arg7: memref<40x128xi32, #tpu.memory_space<vmem>>, %arg8: memref<40x128xi32, #tpu.memory_space<vmem>>, %arg9: memref<128x128xf32, #tpu.memory_space<vmem>>, %arg10: memref<128x128xf32, #tpu.memory_space<vmem>>, %arg11: memref<!tpu.dma_semaphore, #tpu.memory_space<semaphore_mem>>, %arg12: memref<!tpu.dma_semaphore, #tpu.memory_space<semaphore_mem>>) attributes {dimension_semantics = [#tpu.dimension_semantics<core_parallel>, #tpu.dimension_semantics<subcore_parallel>], iteration_bounds = array<i64: 2, 16>, scalar_prefetch = 0 : i64, scratch_operands = 7 : i64, tpu.core_type = #tpu.core_type<sc_vector_subcore>, window_params = [{transform_indices = #map}, {transform_indices = #map}, {transform_indices = #map}, {transform_indices = #map1}]} {
    %mul3A = arith.constant 2 : i32
    %mul3A_0 = arith.muli %arg1, %mul3A : i32
    %add3A = arith.addi %mul3A_0, %arg0 : i32
    %scan3A = arith.constant 0 : i32
    %scan3A_1 = arith.constant 128 : i32
    %scan3A_2 = arith.addi %scan3A, %scan3A_1 : i32
    %scan3A_3 = arith.constant 1 : i32
    scf.for %scan3A_165 = %scan3A to %scan3A_2 step %scan3A_3  : i32 {
      %mul3A_166 = arith.constant 1 : i32
      %mul3A_167 = arith.muli %scan3A_165, %mul3A_166 : i32
      %add3A_168 = arith.constant 0 : i32
      %add3A_169 = arith.addi %add3A_168, %mul3A_167 : i32
      %broadcast_in_dim3A = arith.constant 0.000000e+00 : f32
      %broadcast_in_dim3A_170 = vector.broadcast %broadcast_in_dim3A : f32 to vector<16xf32>
      %swap3A = arith.index_cast %add3A_169 : i32 to index
      %swap3A_171 = arith.constant 0 : index
      %swap3A_172 = tpu.vector_load %arg9[%swap3A, %swap3A_171] {strides = array<i32>} : memref<128x128xf32, #tpu.memory_space<vmem>>, vector<1x16xf32>,
      %swap3A_173 = vector.shape_cast %swap3A_172 : vector<1x16xf32> to vector<16xf32>
      %swap3A_174 = vector.shape_cast %broadcast_in_dim3A_170 : vector<16xf32> to vector<1x16xf32>
      tpu.vector_store %arg9[%swap3A, %swap3A_171], %swap3A_174 {strides = array<i32>} : memref<128x128xf32, #tpu.memory_space<vmem>>, vector<1x16xf32>,
      %broadcast_in_dim3A_175 = arith.constant 0.000000e+00 : f32
      %broadcast_in_dim3A_176 = vector.broadcast %broadcast_in_dim3A_175 : f32 to vector<16xf32>
      %swap3A_177 = arith.index_cast %add3A_169 : i32 to index
      %swap3A_178 = arith.constant 16 : index
      %swap3A_179 = tpu.vector_load %arg9[%swap3A_177, %swap3A_178] {strides = array<i32>} : memref<128x128xf32, #tpu.memory_space<vmem>>, vector<1x16xf32>,
      %swap3A_180 = vector.shape_cast %swap3A_179 : vector<1x16xf32> to vector<16xf32>
      %swap3A_181 = vector.shape_cast %broadcast_in_dim3A_176 : vector<16xf32> to vector<1x16xf32>
      tpu.vector_store %arg9[%swap3A_177, %swap3A_178], %swap3A_181 {strides = array<i32>} : memref<128x128xf32, #tpu.memory_space<vmem>>, vector<1x16xf32>,
      %broadcast_in_dim3A_182 = arith.constant 0.000000e+00 : f32
      %broadcast_in_dim3A_183 = vector.broadcast %broadcast_in_dim3A_182 : f32 to vector<16xf32>
      %swap3A_184 = arith.index_cast %add3A_169 : i32 to index
      %swap3A_185 = arith.constant 32 : index
      %swap3A_186 = tpu.vector_load %arg9[%swap3A_184, %swap3A_185] {strides = array<i32>} : memref<128x128xf32, #tpu.memory_space<vmem>>, vector<1x16xf32>,
      %swap3A_187 = vector.shape_cast %swap3A_186 : vector<1x16xf32> to vector<16xf32>
      %swap3A_188 = vector.shape_cast %broadcast_in_dim3A_183 : vector<16xf32> to vector<1x16xf32>
      tpu.vector_store %arg9[%swap3A_184, %swap3A_185], %swap3A_188 {strides = array<i32>} : memref<128x128xf32, #tpu.memory_space<vmem>>, vector<1x16xf32>,
      %broadcast_in_dim3A_189 = arith.constant 0.000000e+00 : f32
      %broadcast_in_dim3A_190 = vector.broadcast %broadcast_in_dim3A_189 : f32 to vector<16xf32>
      %swap3A_191 = arith.index_cast %add3A_169 : i32 to index
      %swap3A_192 = arith.constant 48 : index
      %swap3A_193 = tpu.vector_load %arg9[%swap3A_191, %swap3A_192] {strides = array<i32>} : memref<128x128xf32, #tpu.memory_space<vmem>>, vector<1x16xf32>,
      %swap3A_194 = vector.shape_cast %swap3A_193 : vector<1x16xf32> to vector<16xf32>
      %swap3A_195 = vector.shape_cast %broadcast_in_dim3A_190 : vector<16xf32> to vector<1x16xf32>
      tpu.vector_store %arg9[%swap3A_191, %swap3A_192], %swap3A_195 {strides = array<i32>} : memref<128x128xf32, #tpu.memory_space<vmem>>, vector<1x16xf32>,
      %broadcast_in_dim3A_196 = arith.constant 0.000000e+00 : f32
      %broadcast_in_dim3A_197 = vector.broadcast %broadcast_in_dim3A_196 : f32 to vector<16xf32>
      %swap3A_198 = arith.index_cast %add3A_169 : i32 to index
      %swap3A_199 = arith.constant 64 : index
      %swap3A_200 = tpu.vector_load %arg9[%swap3A_198, %swap3A_199] {strides = array<i32>} : memref<128x128xf32, #tpu.memory_space<vmem>>, vector<1x16xf32>,
      %swap3A_201 = vector.shape_cast %swap3A_200 : vector<1x16xf32> to vector<16xf32>
      %swap3A_202 = vector.shape_cast %broadcast_in_dim3A_197 : vector<16xf32> to vector<1x16xf32>
      tpu.vector_store %arg9[%swap3A_198, %swap3A_199], %swap3A_202 {strides = array<i32>} : memref<128x128xf32, #tpu.memory_space<vmem>>, vector<1x16xf32>,
      %broadcast_in_dim3A_203 = arith.constant 0.000000e+00 : f32
      %broadcast_in_dim3A_204 = vector.broadcast %broadcast_in_dim3A_203 : f32 to vector<16xf32>
      %swap3A_205 = arith.index_cast %add3A_169 : i32 to index
      %swap3A_206 = arith.constant 80 : index
      %swap3A_207 = tpu.vector_load %arg9[%swap3A_205, %swap3A_206] {strides = array<i32>} : memref<128x128xf32, #tpu.memory_space<vmem>>, vector<1x16xf32>,
      %swap3A_208 = vector.shape_cast %swap3A_207 : vector<1x16xf32> to vector<16xf32>
      %swap3A_209 = vector.shape_cast %broadcast_in_dim3A_204 : vector<16xf32> to vector<1x16xf32>
      tpu.vector_store %arg9[%swap3A_205, %swap3A_206], %swap3A_209 {strides = array<i32>} : memref<128x128xf32, #tpu.memory_space<vmem>>, vector<1x16xf32>,
      %broadcast_in_dim3A_210 = arith.constant 0.000000e+00 : f32
      %broadcast_in_dim3A_211 = vector.broadcast %broadcast_in_dim3A_210 : f32 to vector<16xf32>
      %swap3A_212 = arith.index_cast %add3A_169 : i32 to index
      %swap3A_213 = arith.constant 96 : index
      %swap3A_214 = tpu.vector_load %arg9[%swap3A_212, %swap3A_213] {strides = array<i32>} : memref<128x128xf32, #tpu.memory_space<vmem>>, vector<1x16xf32>,
      %swap3A_215 = vector.shape_cast %swap3A_214 : vector<1x16xf32> to vector<16xf32>
      %swap3A_216 = vector.shape_cast %broadcast_in_dim3A_211 : vector<16xf32> to vector<1x16xf32>
      tpu.vector_store %arg9[%swap3A_212, %swap3A_213], %swap3A_216 {strides = array<i32>} : memref<128x128xf32, #tpu.memory_space<vmem>>, vector<1x16xf32>,
      %broadcast_in_dim3A_217 = arith.constant 0.000000e+00 : f32
      %broadcast_in_dim3A_218 = vector.broadcast %broadcast_in_dim3A_217 : f32 to vector<16xf32>
      %swap3A_219 = arith.index_cast %add3A_169 : i32 to index
      %swap3A_220 = arith.constant 112 : index
      %swap3A_221 = tpu.vector_load %arg9[%swap3A_219, %swap3A_220] {strides = array<i32>} : memref<128x128xf32, #tpu.memory_space<vmem>>, vector<1x16xf32>,
      %swap3A_222 = vector.shape_cast %swap3A_221 : vector<1x16xf32> to vector<16xf32>
      %swap3A_223 = vector.shape_cast %broadcast_in_dim3A_218 : vector<16xf32> to vector<1x16xf32>
      tpu.vector_store %arg9[%swap3A_219, %swap3A_220], %swap3A_223 {strides = array<i32>} : memref<128x128xf32, #tpu.memory_space<vmem>>, vector<1x16xf32>,
    }
    %scan3A_4 = arith.constant 128 : i32
    %scan3A_5 = arith.constant 0 : i32
    %scan3A_6 = arith.constant 5 : i32
    %scan3A_7 = arith.addi %scan3A_5, %scan3A_6 : i32
    %scan3A_8 = arith.constant 1 : i32
    scf.for %scan3A_165 = %scan3A_5 to %scan3A_7 step %scan3A_8  : i32 {
      %mul3A_166 = arith.constant 1 : i32
      %mul3A_167 = arith.muli %scan3A_165, %mul3A_166 : i32
      %add3A_168 = arith.constant 0 : i32
      %add3A_169 = arith.addi %add3A_168, %mul3A_167 : i32
      %mul3A_170 = arith.constant 5 : i32
      %mul3A_171 = arith.muli %arg1, %mul3A_170 : i32
      %add3A_172 = arith.addi %mul3A_171, %add3A_169 : i32
      %mul3A_173 = arith.constant 128 : i32
      %mul3A_174 = arith.muli %add3A_172, %mul3A_173 : i32
      "tpu.region"() ({
        %run_scoped3A = tpu.sem_alloc : memref<!tpu.dma_semaphore, #tpu.memory_space<semaphore_mem>>
        %dma_start3A_175 = arith.constant 0 : i32
        %dma_start3A_176 = tpu.memref_slice %arg6[%mul3A_174, %dma_start3A_175] : memref<10240x128xf32, #tpu.memory_space<vmem_shared>> -> memref<128x128xf32, #tpu.memory_space<vmem_shared>>
        %dma_start3A_177 = arith.constant 0 : i32
        %dma_start3A_178 = tpu.memref_slice %arg6[%mul3A_174, %dma_start3A_177] : memref<10240x128xf32, #tpu.memory_space<vmem_shared>> -> memref<128x128xf32, #tpu.memory_space<vmem_shared>>
        tpu.enqueue_dma source(%arg9 : memref<128x128xf32, #tpu.memory_space<vmem>>) target(%dma_start3A_178 : memref<128x128xf32, #tpu.memory_space<vmem_shared>>) target_semaphore(%run_scoped3A : memref<!tpu.dma_semaphore, #tpu.memory_space<semaphore_mem>>)
        %dma_wait3A_179 = arith.constant 0 : i32
        %dma_wait3A_180 = tpu.memref_slice %arg6[%mul3A_174, %dma_wait3A_179] : memref<10240x128xf32, #tpu.memory_space<vmem_shared>> -> memref<128x128xf32, #tpu.memory_space<vmem_shared>>
        %dma_wait3A_181 = arith.constant 0 : i32
        %dma_wait3A_182 = tpu.memref_slice %arg6[%mul3A_174, %dma_wait3A_181] : memref<10240x128xf32, #tpu.memory_space<vmem_shared>> -> memref<128x128xf32, #tpu.memory_space<vmem_shared>>
        tpu.wait_dma2 semaphore(%run_scoped3A : memref<!tpu.dma_semaphore, #tpu.memory_space<semaphore_mem>>) src(%arg9 : memref<128x128xf32, #tpu.memory_space<vmem>>) dst(%dma_wait3A_182 : memref<128x128xf32, #tpu.memory_space<vmem_shared>>)
        tpu.yield
      }) : () -> ()
    }
    %scan3A_9 = arith.constant 5 : i32
    %barrier3A = arith.constant 0 : index
    tpu.barrier barrier_id(%barrier3A)
    %mul3A_10 = arith.constant 80 : i32
    %mul3A_11 = arith.muli %add3A, %mul3A_10 : i32
    %add3A_12 = arith.constant 0 : i32
    %add3A_13 = arith.addi %mul3A_11, %add3A_12 : i32
    "tpu.region"() ({
      %run_scoped3A = tpu.sem_alloc : memref<!tpu.dma_semaphore, #tpu.memory_space<semaphore_mem>>
      %dma_start3A_165 = arith.constant 0 : i32
      %dma_start3A_166 = tpu.memref_slice %arg3[%add3A_13, %dma_start3A_165] : memref<2560x128xi32, #tpu.memory_space<hbm>> -> memref<40x128xi32, #tpu.memory_space<hbm>>
      %dma_start3A_167 = arith.constant 0 : i32
      %dma_start3A_168 = tpu.memref_slice %arg3[%add3A_13, %dma_start3A_167] : memref<2560x128xi32, #tpu.memory_space<hbm>> -> memref<40x128xi32, #tpu.memory_space<hbm>>
      tpu.enqueue_dma source(%dma_start3A_168 : memref<40x128xi32, #tpu.memory_space<hbm>>) target(%arg7 : memref<40x128xi32, #tpu.memory_space<vmem>>) target_semaphore(%run_scoped3A : memref<!tpu.dma_semaphore, #tpu.memory_space<semaphore_mem>>)
      %dma_wait3A_169 = arith.constant 0 : i32
      %dma_wait3A_170 = tpu.memref_slice %arg3[%add3A_13, %dma_wait3A_169] : memref<2560x128xi32, #tpu.memory_space<hbm>> -> memref<40x128xi32, #tpu.memory_space<hbm>>
      %dma_wait3A_171 = arith.constant 0 : i32
      %dma_wait3A_172 = tpu.memref_slice %arg3[%add3A_13, %dma_wait3A_171] : memref<2560x128xi32, #tpu.memory_space<hbm>> -> memref<40x128xi32, #tpu.memory_space<hbm>>
      tpu.wait_dma2 semaphore(%run_scoped3A : memref<!tpu.dma_semaphore, #tpu.memory_space<semaphore_mem>>) src(%dma_wait3A_172 : memref<40x128xi32, #tpu.memory_space<hbm>>) dst(%arg7 : memref<40x128xi32, #tpu.memory_space<vmem>>)
      tpu.yield
    }) : () -> ()
    "tpu.region"() ({
      %run_scoped3A = tpu.sem_alloc : memref<!tpu.dma_semaphore, #tpu.memory_space<semaphore_mem>>
      %dma_start3A_165 = arith.constant 0 : i32
      %dma_start3A_166 = tpu.memref_slice %arg4[%add3A_13, %dma_start3A_165] : memref<2560x128xi32, #tpu.memory_space<hbm>> -> memref<40x128xi32, #tpu.memory_space<hbm>>
      %dma_start3A_167 = arith.constant 0 : i32
      %dma_start3A_168 = tpu.memref_slice %arg4[%add3A_13, %dma_start3A_167] : memref<2560x128xi32, #tpu.memory_space<hbm>> -> memref<40x128xi32, #tpu.memory_space<hbm>>
      tpu.enqueue_dma source(%dma_start3A_168 : memref<40x128xi32, #tpu.memory_space<hbm>>) target(%arg8 : memref<40x128xi32, #tpu.memory_space<vmem>>) target_semaphore(%run_scoped3A : memref<!tpu.dma_semaphore, #tpu.memory_space<semaphore_mem>>)
      %dma_wait3A_169 = arith.constant 0 : i32
      %dma_wait3A_170 = tpu.memref_slice %arg4[%add3A_13, %dma_wait3A_169] : memref<2560x128xi32, #tpu.memory_space<hbm>> -> memref<40x128xi32, #tpu.memory_space<hbm>>
      %dma_wait3A_171 = arith.constant 0 : i32
      %dma_wait3A_172 = tpu.memref_slice %arg4[%add3A_13, %dma_wait3A_171] : memref<2560x128xi32, #tpu.memory_space<hbm>> -> memref<40x128xi32, #tpu.memory_space<hbm>>
      tpu.wait_dma2 semaphore(%run_scoped3A : memref<!tpu.dma_semaphore, #tpu.memory_space<semaphore_mem>>) src(%dma_wait3A_172 : memref<40x128xi32, #tpu.memory_space<hbm>>) dst(%arg8 : memref<40x128xi32, #tpu.memory_space<vmem>>)
      tpu.yield
    }) : () -> ()
    %dma_start3A = arith.constant 0 : i32
    %dma_start3A_14 = arith.constant 0 : i32
    %dma_start3A_15 = tpu.memref_slice %arg7[%dma_start3A, %dma_start3A_14] : memref<40x128xi32, #tpu.memory_space<vmem>> -> memref<1x128xi32, #tpu.memory_space<vmem>>
    %dma_start3A_16 = tpu.memref_squeeze %dma_start3A_15 : memref<1x128xi32, #tpu.memory_space<vmem>> -> memref<128xi32, #tpu.memory_space<vmem>>
    %dma_start3A_17 = arith.constant 0 : i32
    %dma_start3A_18 = arith.constant 0 : i32
    %dma_start3A_19 = tpu.memref_slice %arg2[%dma_start3A_17, %dma_start3A_18] : memref<10240x128xf32, #tpu.memory_space<hbm>> -> memref<10240x128xf32, #tpu.memory_space<hbm>>
    tpu.enqueue_indirect_dma source(%dma_start3A_19 : memref<10240x128xf32, #tpu.memory_space<hbm>>) target(%arg9 : memref<128x128xf32, #tpu.memory_space<vmem>>) offsets(%dma_start3A_16 : memref<128xi32, #tpu.memory_space<vmem>>) semaphore(%arg11 : memref<!tpu.dma_semaphore, #tpu.memory_space<semaphore_mem>>)
    %dma_start3A_20 = arith.constant 1 : i32
    %dma_start3A_21 = arith.constant 0 : i32
    %dma_start3A_22 = tpu.memref_slice %arg7[%dma_start3A_20, %dma_start3A_21] : memref<40x128xi32, #tpu.memory_space<vmem>> -> memref<1x128xi32, #tpu.memory_space<vmem>>
    %dma_start3A_23 = tpu.memref_squeeze %dma_start3A_22 : memref<1x128xi32, #tpu.memory_space<vmem>> -> memref<128xi32, #tpu.memory_space<vmem>>
    %dma_start3A_24 = arith.constant 0 : i32
    %dma_start3A_25 = arith.constant 0 : i32
    %dma_start3A_26 = tpu.memref_slice %arg2[%dma_start3A_24, %dma_start3A_25] : memref<10240x128xf32, #tpu.memory_space<hbm>> -> memref<10240x128xf32, #tpu.memory_space<hbm>>
    tpu.enqueue_indirect_dma source(%dma_start3A_26 : memref<10240x128xf32, #tpu.memory_space<hbm>>) target(%arg10 : memref<128x128xf32, #tpu.memory_space<vmem>>) offsets(%dma_start3A_23 : memref<128xi32, #tpu.memory_space<vmem>>) semaphore(%arg12 : memref<!tpu.dma_semaphore, #tpu.memory_space<semaphore_mem>>)
    %scan3A_27 = arith.constant 0 : i32
    %scan3A_28 = arith.constant 20 : i32
    %scan3A_29 = arith.addi %scan3A_27, %scan3A_28 : i32
    %scan3A_30 = arith.constant 1 : i32
    scf.for %scan3A_165 = %scan3A_27 to %scan3A_29 step %scan3A_30  : i32 {
      %mul3A_166 = arith.constant 2 : i32
      %mul3A_167 = arith.muli %scan3A_165, %mul3A_166 : i32
      %add3A_168 = arith.constant 0 : i32
      %add3A_169 = arith.addi %add3A_168, %mul3A_167 : i32
      %add3A_170 = arith.constant 0 : i32
      %add3A_171 = arith.addi %add3A_169, %add3A_170 : i32
      %dma_wait3A_172 = arith.constant 0 : i32
      %dma_wait3A_173 = tpu.memref_slice %arg7[%add3A_171, %dma_wait3A_172] : memref<40x128xi32, #tpu.memory_space<vmem>> -> memref<1x128xi32, #tpu.memory_space<vmem>>
      %dma_wait3A_174 = tpu.memref_squeeze %dma_wait3A_173 : memref<1x128xi32, #tpu.memory_space<vmem>> -> memref<128xi32, #tpu.memory_space<vmem>>
      %dma_wait3A_175 = arith.constant 0 : i32
      %dma_wait3A_176 = arith.constant 0 : i32
      %dma_wait3A_177 = tpu.memref_slice %arg2[%dma_wait3A_175, %dma_wait3A_176] : memref<10240x128xf32, #tpu.memory_space<hbm>> -> memref<10240x128xf32, #tpu.memory_space<hbm>>
      tpu.wait_indirect_dma semaphore(%arg11 : memref<!tpu.dma_semaphore, #tpu.memory_space<semaphore_mem>>) src(%dma_wait3A_177 : memref<10240x128xf32, #tpu.memory_space<hbm>>) dst(%arg9 : memref<128x128xf32, #tpu.memory_space<vmem>>)
      "tpu.region"() ({
        %run_scoped3A = tpu.sem_alloc : memref<!tpu.dma_semaphore, #tpu.memory_space<semaphore_mem>>
        %dma_start3A_197 = arith.constant 0 : i32
        %dma_start3A_198 = tpu.memref_slice %arg8[%add3A_171, %dma_start3A_197] : memref<40x128xi32, #tpu.memory_space<vmem>> -> memref<1x128xi32, #tpu.memory_space<vmem>>
        %dma_start3A_199 = tpu.memref_squeeze %dma_start3A_198 : memref<1x128xi32, #tpu.memory_space<vmem>> -> memref<128xi32, #tpu.memory_space<vmem>>
        %dma_start3A_200 = arith.constant 0 : i32
        %dma_start3A_201 = arith.constant 0 : i32
        %dma_start3A_202 = tpu.memref_slice %arg6[%dma_start3A_200, %dma_start3A_201] : memref<10240x128xf32, #tpu.memory_space<vmem_shared>> -> memref<10240x128xf32, #tpu.memory_space<vmem_shared>>
        tpu.enqueue_indirect_dma source(%arg9 : memref<128x128xf32, #tpu.memory_space<vmem>>) target(%dma_start3A_202 : memref<10240x128xf32, #tpu.memory_space<vmem_shared>>) offsets(%dma_start3A_199 : memref<128xi32, #tpu.memory_space<vmem>>) semaphore(%run_scoped3A : memref<!tpu.dma_semaphore, #tpu.memory_space<semaphore_mem>>) {add = true}
        %dma_wait3A_203 = arith.constant 0 : i32
        %dma_wait3A_204 = tpu.memref_slice %arg8[%add3A_171, %dma_wait3A_203] : memref<40x128xi32, #tpu.memory_space<vmem>> -> memref<1x128xi32, #tpu.memory_space<vmem>>
        %dma_wait3A_205 = tpu.memref_squeeze %dma_wait3A_204 : memref<1x128xi32, #tpu.memory_space<vmem>> -> memref<128xi32, #tpu.memory_space<vmem>>
        %dma_wait3A_206 = arith.constant 0 : i32
        %dma_wait3A_207 = arith.constant 0 : i32
        %dma_wait3A_208 = tpu.memref_slice %arg6[%dma_wait3A_206, %dma_wait3A_207] : memref<10240x128xf32, #tpu.memory_space<vmem_shared>> -> memref<10240x128xf32, #tpu.memory_space<vmem_shared>>
        tpu.wait_indirect_dma semaphore(%run_scoped3A : memref<!tpu.dma_semaphore, #tpu.memory_space<semaphore_mem>>) src(%arg9 : memref<128x128xf32, #tpu.memory_space<vmem>>) dst(%dma_wait3A_208 : memref<10240x128xf32, #tpu.memory_space<vmem_shared>>)
        tpu.yield
      }) : () -> ()
      %add3A_178 = arith.constant 2 : i32
      %add3A_179 = arith.addi %add3A_171, %add3A_178 : i32
      %lt3A = arith.constant 40 : i32
      %lt3A_180 = arith.cmpi slt, %add3A_179, %lt3A : i32
      %convert_element_type3A = arith.extui %lt3A_180 : i1 to i32
      %cond3A = arith.constant 0 : i32
      %cond3A_181 = arith.cmpi ne, %convert_element_type3A, %cond3A : i32
      scf.if %cond3A_181 {
        %add3A_197 = arith.constant 2 : i32
        %add3A_198 = arith.addi %add3A_171, %add3A_197 : i32
        %dma_start3A_199 = arith.constant 0 : i32
        %dma_start3A_200 = tpu.memref_slice %arg7[%add3A_198, %dma_start3A_199] : memref<40x128xi32, #tpu.memory_space<vmem>> -> memref<1x128xi32, #tpu.memory_space<vmem>>
        %dma_start3A_201 = tpu.memref_squeeze %dma_start3A_200 : memref<1x128xi32, #tpu.memory_space<vmem>> -> memref<128xi32, #tpu.memory_space<vmem>>
        %dma_start3A_202 = arith.constant 0 : i32
        %dma_start3A_203 = arith.constant 0 : i32
        %dma_start3A_204 = tpu.memref_slice %arg2[%dma_start3A_202, %dma_start3A_203] : memref<10240x128xf32, #tpu.memory_space<hbm>> -> memref<10240x128xf32, #tpu.memory_space<hbm>>
        tpu.enqueue_indirect_dma source(%dma_start3A_204 : memref<10240x128xf32, #tpu.memory_space<hbm>>) target(%arg9 : memref<128x128xf32, #tpu.memory_space<vmem>>) offsets(%dma_start3A_201 : memref<128xi32, #tpu.memory_space<vmem>>) semaphore(%arg11 : memref<!tpu.dma_semaphore, #tpu.memory_space<semaphore_mem>>)
      } else {
      }
      %add3A_182 = arith.constant 1 : i32
      %add3A_183 = arith.addi %add3A_169, %add3A_182 : i32
      %dma_wait3A_184 = arith.constant 0 : i32
      %dma_wait3A_185 = tpu.memref_slice %arg7[%add3A_183, %dma_wait3A_184] : memref<40x128xi32, #tpu.memory_space<vmem>> -> memref<1x128xi32, #tpu.memory_space<vmem>>
      %dma_wait3A_186 = tpu.memref_squeeze %dma_wait3A_185 : memref<1x128xi32, #tpu.memory_space<vmem>> -> memref<128xi32, #tpu.memory_space<vmem>>
      %dma_wait3A_187 = arith.constant 0 : i32
      %dma_wait3A_188 = arith.constant 0 : i32
      %dma_wait3A_189 = tpu.memref_slice %arg2[%dma_wait3A_187, %dma_wait3A_188] : memref<10240x128xf32, #tpu.memory_space<hbm>> -> memref<10240x128xf32, #tpu.memory_space<hbm>>
      tpu.wait_indirect_dma semaphore(%arg12 : memref<!tpu.dma_semaphore, #tpu.memory_space<semaphore_mem>>) src(%dma_wait3A_189 : memref<10240x128xf32, #tpu.memory_space<hbm>>) dst(%arg10 : memref<128x128xf32, #tpu.memory_space<vmem>>)
      "tpu.region"() ({
        %run_scoped3A = tpu.sem_alloc : memref<!tpu.dma_semaphore, #tpu.memory_space<semaphore_mem>>
        %dma_start3A_197 = arith.constant 0 : i32
        %dma_start3A_198 = tpu.memref_slice %arg8[%add3A_183, %dma_start3A_197] : memref<40x128xi32, #tpu.memory_space<vmem>> -> memref<1x128xi32, #tpu.memory_space<vmem>>
        %dma_start3A_199 = tpu.memref_squeeze %dma_start3A_198 : memref<1x128xi32, #tpu.memory_space<vmem>> -> memref<128xi32, #tpu.memory_space<vmem>>
        %dma_start3A_200 = arith.constant 0 : i32
        %dma_start3A_201 = arith.constant 0 : i32
        %dma_start3A_202 = tpu.memref_slice %arg6[%dma_start3A_200, %dma_start3A_201] : memref<10240x128xf32, #tpu.memory_space<vmem_shared>> -> memref<10240x128xf32, #tpu.memory_space<vmem_shared>>
        tpu.enqueue_indirect_dma source(%arg10 : memref<128x128xf32, #tpu.memory_space<vmem>>) target(%dma_start3A_202 : memref<10240x128xf32, #tpu.memory_space<vmem_shared>>) offsets(%dma_start3A_199 : memref<128xi32, #tpu.memory_space<vmem>>) semaphore(%run_scoped3A : memref<!tpu.dma_semaphore, #tpu.memory_space<semaphore_mem>>) {add = true}
        %dma_wait3A_203 = arith.constant 0 : i32
        %dma_wait3A_204 = tpu.memref_slice %arg8[%add3A_183, %dma_wait3A_203] : memref<40x128xi32, #tpu.memory_space<vmem>> -> memref<1x128xi32, #tpu.memory_space<vmem>>
        %dma_wait3A_205 = tpu.memref_squeeze %dma_wait3A_204 : memref<1x128xi32, #tpu.memory_space<vmem>> -> memref<128xi32, #tpu.memory_space<vmem>>
        %dma_wait3A_206 = arith.constant 0 : i32
        %dma_wait3A_207 = arith.constant 0 : i32
        %dma_wait3A_208 = tpu.memref_slice %arg6[%dma_wait3A_206, %dma_wait3A_207] : memref<10240x128xf32, #tpu.memory_space<vmem_shared>> -> memref<10240x128xf32, #tpu.memory_space<vmem_shared>>
        tpu.wait_indirect_dma semaphore(%run_scoped3A : memref<!tpu.dma_semaphore, #tpu.memory_space<semaphore_mem>>) src(%arg10 : memref<128x128xf32, #tpu.memory_space<vmem>>) dst(%dma_wait3A_208 : memref<10240x128xf32, #tpu.memory_space<vmem_shared>>)
        tpu.yield
      }) : () -> ()
      %add3A_190 = arith.constant 2 : i32
      %add3A_191 = arith.addi %add3A_183, %add3A_190 : i32
      %lt3A_192 = arith.constant 40 : i32
      %lt3A_193 = arith.cmpi slt, %add3A_191, %lt3A_192 : i32
      %convert_element_type3A_194 = arith.extui %lt3A_193 : i1 to i32
      %cond3A_195 = arith.constant 0 : i32
      %cond3A_196 = arith.cmpi ne, %convert_element_type3A_194, %cond3A_195 : i32
      scf.if %cond3A_196 {
        %add3A_197 = arith.constant 2 : i32
        %add3A_198 = arith.addi %add3A_183, %add3A_197 : i32
        %dma_start3A_199 = arith.constant 0 : i32
        %dma_start3A_200 = tpu.memref_slice %arg7[%add3A_198, %dma_start3A_199] : memref<40x128xi32, #tpu.memory_space<vmem>> -> memref<1x128xi32, #tpu.memory_space<vmem>>
        %dma_start3A_201 = tpu.memref_squeeze %dma_start3A_200 : memref<1x128xi32, #tpu.memory_space<vmem>> -> memref<128xi32, #tpu.memory_space<vmem>>
        %dma_start3A_202 = arith.constant 0 : i32
        %dma_start3A_203 = arith.constant 0 : i32
        %dma_start3A_204 = tpu.memref_slice %arg2[%dma_start3A_202, %dma_start3A_203] : memref<10240x128xf32, #tpu.memory_space<hbm>> -> memref<10240x128xf32, #tpu.memory_space<hbm>>
        tpu.enqueue_indirect_dma source(%dma_start3A_204 : memref<10240x128xf32, #tpu.memory_space<hbm>>) target(%arg10 : memref<128x128xf32, #tpu.memory_space<vmem>>) offsets(%dma_start3A_201 : memref<128xi32, #tpu.memory_space<vmem>>) semaphore(%arg12 : memref<!tpu.dma_semaphore, #tpu.memory_space<semaphore_mem>>)
      } else {
      }
    }
    %scan3A_31 = arith.constant 20 : i32
    %mul3A_32 = arith.constant 80 : i32
    %mul3A_33 = arith.muli %add3A, %mul3A_32 : i32
    %add3A_34 = arith.constant 40 : i32
    %add3A_35 = arith.addi %mul3A_33, %add3A_34 : i32
    "tpu.region"() ({
      %run_scoped3A = tpu.sem_alloc : memref<!tpu.dma_semaphore, #tpu.memory_space<semaphore_mem>>
      %dma_start3A_165 = arith.constant 0 : i32
      %dma_start3A_166 = tpu.memref_slice %arg3[%add3A_35, %dma_start3A_165] : memref<2560x128xi32, #tpu.memory_space<hbm>> -> memref<40x128xi32, #tpu.memory_space<hbm>>
      %dma_start3A_167 = arith.constant 0 : i32
      %dma_start3A_168 = tpu.memref_slice %arg3[%add3A_35, %dma_start3A_167] : memref<2560x128xi32, #tpu.memory_space<hbm>> -> memref<40x128xi32, #tpu.memory_space<hbm>>
      tpu.enqueue_dma source(%dma_start3A_168 : memref<40x128xi32, #tpu.memory_space<hbm>>) target(%arg7 : memref<40x128xi32, #tpu.memory_space<vmem>>) target_semaphore(%run_scoped3A : memref<!tpu.dma_semaphore, #tpu.memory_space<semaphore_mem>>)
      %dma_wait3A_169 = arith.constant 0 : i32
      %dma_wait3A_170 = tpu.memref_slice %arg3[%add3A_35, %dma_wait3A_169] : memref<2560x128xi32, #tpu.memory_space<hbm>> -> memref<40x128xi32, #tpu.memory_space<hbm>>
      %dma_wait3A_171 = arith.constant 0 : i32
      %dma_wait3A_172 = tpu.memref_slice %arg3[%add3A_35, %dma_wait3A_171] : memref<2560x128xi32, #tpu.memory_space<hbm>> -> memref<40x128xi32, #tpu.memory_space<hbm>>
      tpu.wait_dma2 semaphore(%run_scoped3A : memref<!tpu.dma_semaphore, #tpu.memory_space<semaphore_mem>>) src(%dma_wait3A_172 : memref<40x128xi32, #tpu.memory_space<hbm>>) dst(%arg7 : memref<40x128xi32, #tpu.memory_space<vmem>>)
      tpu.yield
    }) : () -> ()
    "tpu.region"() ({
      %run_scoped3A = tpu.sem_alloc : memref<!tpu.dma_semaphore, #tpu.memory_space<semaphore_mem>>
      %dma_start3A_165 = arith.constant 0 : i32
      %dma_start3A_166 = tpu.memref_slice %arg4[%add3A_35, %dma_start3A_165] : memref<2560x128xi32, #tpu.memory_space<hbm>> -> memref<40x128xi32, #tpu.memory_space<hbm>>
      %dma_start3A_167 = arith.constant 0 : i32
      %dma_start3A_168 = tpu.memref_slice %arg4[%add3A_35, %dma_start3A_167] : memref<2560x128xi32, #tpu.memory_space<hbm>> -> memref<40x128xi32, #tpu.memory_space<hbm>>
      tpu.enqueue_dma source(%dma_start3A_168 : memref<40x128xi32, #tpu.memory_space<hbm>>) target(%arg8 : memref<40x128xi32, #tpu.memory_space<vmem>>) target_semaphore(%run_scoped3A : memref<!tpu.dma_semaphore, #tpu.memory_space<semaphore_mem>>)
      %dma_wait3A_169 = arith.constant 0 : i32
      %dma_wait3A_170 = tpu.memref_slice %arg4[%add3A_35, %dma_wait3A_169] : memref<2560x128xi32, #tpu.memory_space<hbm>> -> memref<40x128xi32, #tpu.memory_space<hbm>>
      %dma_wait3A_171 = arith.constant 0 : i32
      %dma_wait3A_172 = tpu.memref_slice %arg4[%add3A_35, %dma_wait3A_171] : memref<2560x128xi32, #tpu.memory_space<hbm>> -> memref<40x128xi32, #tpu.memory_space<hbm>>
      tpu.wait_dma2 semaphore(%run_scoped3A : memref<!tpu.dma_semaphore, #tpu.memory_space<semaphore_mem>>) src(%dma_wait3A_172 : memref<40x128xi32, #tpu.memory_space<hbm>>) dst(%arg8 : memref<40x128xi32, #tpu.memory_space<vmem>>)
      tpu.yield
    }) : () -> ()
    %dma_start3A_36 = arith.constant 0 : i32
    %dma_start3A_37 = arith.constant 0 : i32
    %dma_start3A_38 = tpu.memref_slice %arg7[%dma_start3A_36, %dma_start3A_37] : memref<40x128xi32, #tpu.memory_space<vmem>> -> memref<1x128xi32, #tpu.memory_space<vmem>>
    %dma_start3A_39 = tpu.memref_squeeze %dma_start3A_38 : memref<1x128xi32, #tpu.memory_space<vmem>> -> memref<128xi32, #tpu.memory_space<vmem>>
    %dma_start3A_40 = arith.constant 0 : i32
    %dma_start3A_41 = arith.constant 0 : i32
    %dma_start3A_42 = tpu.memref_slice %arg2[%dma_start3A_40, %dma_start3A_41] : memref<10240x128xf32, #tpu.memory_space<hbm>> -> memref<10240x128xf32, #tpu.memory_space<hbm>>
    tpu.enqueue_indirect_dma source(%dma_start3A_42 : memref<10240x128xf32, #tpu.memory_space<hbm>>) target(%arg9 : memref<128x128xf32, #tpu.memory_space<vmem>>) offsets(%dma_start3A_39 : memref<128xi32, #tpu.memory_space<vmem>>) semaphore(%arg11 : memref<!tpu.dma_semaphore, #tpu.memory_space<semaphore_mem>>)
    %dma_start3A_43 = arith.constant 1 : i32
    %dma_start3A_44 = arith.constant 0 : i32
    %dma_start3A_45 = tpu.memref_slice %arg7[%dma_start3A_43, %dma_start3A_44] : memref<40x128xi32, #tpu.memory_space<vmem>> -> memref<1x128xi32, #tpu.memory_space<vmem>>
    %dma_start3A_46 = tpu.memref_squeeze %dma_start3A_45 : memref<1x128xi32, #tpu.memory_space<vmem>> -> memref<128xi32, #tpu.memory_space<vmem>>
    %dma_start3A_47 = arith.constant 0 : i32
    %dma_start3A_48 = arith.constant 0 : i32
    %dma_start3A_49 = tpu.memref_slice %arg2[%dma_start3A_47, %dma_start3A_48] : memref<10240x128xf32, #tpu.memory_space<hbm>> -> memref<10240x128xf32, #tpu.memory_space<hbm>>
    tpu.enqueue_indirect_dma source(%dma_start3A_49 : memref<10240x128xf32, #tpu.memory_space<hbm>>) target(%arg10 : memref<128x128xf32, #tpu.memory_space<vmem>>) offsets(%dma_start3A_46 : memref<128xi32, #tpu.memory_space<vmem>>) semaphore(%arg12 : memref<!tpu.dma_semaphore, #tpu.memory_space<semaphore_mem>>)
    %scan3A_50 = arith.constant 0 : i32
    %scan3A_51 = arith.constant 20 : i32
    %scan3A_52 = arith.addi %scan3A_50, %scan3A_51 : i32
    %scan3A_53 = arith.constant 1 : i32
    scf.for %scan3A_165 = %scan3A_50 to %scan3A_52 step %scan3A_53  : i32 {
      %mul3A_166 = arith.constant 2 : i32
      %mul3A_167 = arith.muli %scan3A_165, %mul3A_166 : i32
      %add3A_168 = arith.constant 0 : i32
      %add3A_169 = arith.addi %add3A_168, %mul3A_167 : i32
      %add3A_170 = arith.constant 0 : i32
      %add3A_171 = arith.addi %add3A_169, %add3A_170 : i32
      %dma_wait3A_172 = arith.constant 0 : i32
      %dma_wait3A_173 = tpu.memref_slice %arg7[%add3A_171, %dma_wait3A_172] : memref<40x128xi32, #tpu.memory_space<vmem>> -> memref<1x128xi32, #tpu.memory_space<vmem>>
      %dma_wait3A_174 = tpu.memref_squeeze %dma_wait3A_173 : memref<1x128xi32, #tpu.memory_space<vmem>> -> memref<128xi32, #tpu.memory_space<vmem>>
      %dma_wait3A_175 = arith.constant 0 : i32
      %dma_wait3A_176 = arith.constant 0 : i32
      %dma_wait3A_177 = tpu.memref_slice %arg2[%dma_wait3A_175, %dma_wait3A_176] : memref<10240x128xf32, #tpu.memory_space<hbm>> -> memref<10240x128xf32, #tpu.memory_space<hbm>>
      tpu.wait_indirect_dma semaphore(%arg11 : memref<!tpu.dma_semaphore, #tpu.memory_space<semaphore_mem>>) src(%dma_wait3A_177 : memref<10240x128xf32, #tpu.memory_space<hbm>>) dst(%arg9 : memref<128x128xf32, #tpu.memory_space<vmem>>)
      "tpu.region"() ({
        %run_scoped3A = tpu.sem_alloc : memref<!tpu.dma_semaphore, #tpu.memory_space<semaphore_mem>>
        %dma_start3A_197 = arith.constant 0 : i32
        %dma_start3A_198 = tpu.memref_slice %arg8[%add3A_171, %dma_start3A_197] : memref<40x128xi32, #tpu.memory_space<vmem>> -> memref<1x128xi32, #tpu.memory_space<vmem>>
        %dma_start3A_199 = tpu.memref_squeeze %dma_start3A_198 : memref<1x128xi32, #tpu.memory_space<vmem>> -> memref<128xi32, #tpu.memory_space<vmem>>
        %dma_start3A_200 = arith.constant 0 : i32
        %dma_start3A_201 = arith.constant 0 : i32
        %dma_start3A_202 = tpu.memref_slice %arg6[%dma_start3A_200, %dma_start3A_201] : memref<10240x128xf32, #tpu.memory_space<vmem_shared>> -> memref<10240x128xf32, #tpu.memory_space<vmem_shared>>
        tpu.enqueue_indirect_dma source(%arg9 : memref<128x128xf32, #tpu.memory_space<vmem>>) target(%dma_start3A_202 : memref<10240x128xf32, #tpu.memory_space<vmem_shared>>) offsets(%dma_start3A_199 : memref<128xi32, #tpu.memory_space<vmem>>) semaphore(%run_scoped3A : memref<!tpu.dma_semaphore, #tpu.memory_space<semaphore_mem>>) {add = true}
        %dma_wait3A_203 = arith.constant 0 : i32
        %dma_wait3A_204 = tpu.memref_slice %arg8[%add3A_171, %dma_wait3A_203] : memref<40x128xi32, #tpu.memory_space<vmem>> -> memref<1x128xi32, #tpu.memory_space<vmem>>
        %dma_wait3A_205 = tpu.memref_squeeze %dma_wait3A_204 : memref<1x128xi32, #tpu.memory_space<vmem>> -> memref<128xi32, #tpu.memory_space<vmem>>
        %dma_wait3A_206 = arith.constant 0 : i32
        %dma_wait3A_207 = arith.constant 0 : i32
        %dma_wait3A_208 = tpu.memref_slice %arg6[%dma_wait3A_206, %dma_wait3A_207] : memref<10240x128xf32, #tpu.memory_space<vmem_shared>> -> memref<10240x128xf32, #tpu.memory_space<vmem_shared>>
        tpu.wait_indirect_dma semaphore(%run_scoped3A : memref<!tpu.dma_semaphore, #tpu.memory_space<semaphore_mem>>) src(%arg9 : memref<128x128xf32, #tpu.memory_space<vmem>>) dst(%dma_wait3A_208 : memref<10240x128xf32, #tpu.memory_space<vmem_shared>>)
        tpu.yield
      }) : () -> ()
      %add3A_178 = arith.constant 2 : i32
      %add3A_179 = arith.addi %add3A_171, %add3A_178 : i32
      %lt3A = arith.constant 40 : i32
      %lt3A_180 = arith.cmpi slt, %add3A_179, %lt3A : i32
      %convert_element_type3A = arith.extui %lt3A_180 : i1 to i32
      %cond3A = arith.constant 0 : i32
      %cond3A_181 = arith.cmpi ne, %convert_element_type3A, %cond3A : i32
      scf.if %cond3A_181 {
        %add3A_197 = arith.constant 2 : i32
        %add3A_198 = arith.addi %add3A_171, %add3A_197 : i32
        %dma_start3A_199 = arith.constant 0 : i32
        %dma_start3A_200 = tpu.memref_slice %arg7[%add3A_198, %dma_start3A_199] : memref<40x128xi32, #tpu.memory_space<vmem>> -> memref<1x128xi32, #tpu.memory_space<vmem>>
        %dma_start3A_201 = tpu.memref_squeeze %dma_start3A_200 : memref<1x128xi32, #tpu.memory_space<vmem>> -> memref<128xi32, #tpu.memory_space<vmem>>
        %dma_start3A_202 = arith.constant 0 : i32
        %dma_start3A_203 = arith.constant 0 : i32
        %dma_start3A_204 = tpu.memref_slice %arg2[%dma_start3A_202, %dma_start3A_203] : memref<10240x128xf32, #tpu.memory_space<hbm>> -> memref<10240x128xf32, #tpu.memory_space<hbm>>
        tpu.enqueue_indirect_dma source(%dma_start3A_204 : memref<10240x128xf32, #tpu.memory_space<hbm>>) target(%arg9 : memref<128x128xf32, #tpu.memory_space<vmem>>) offsets(%dma_start3A_201 : memref<128xi32, #tpu.memory_space<vmem>>) semaphore(%arg11 : memref<!tpu.dma_semaphore, #tpu.memory_space<semaphore_mem>>)
      } else {
      }
      %add3A_182 = arith.constant 1 : i32
      %add3A_183 = arith.addi %add3A_169, %add3A_182 : i32
      %dma_wait3A_184 = arith.constant 0 : i32
      %dma_wait3A_185 = tpu.memref_slice %arg7[%add3A_183, %dma_wait3A_184] : memref<40x128xi32, #tpu.memory_space<vmem>> -> memref<1x128xi32, #tpu.memory_space<vmem>>
      %dma_wait3A_186 = tpu.memref_squeeze %dma_wait3A_185 : memref<1x128xi32, #tpu.memory_space<vmem>> -> memref<128xi32, #tpu.memory_space<vmem>>
      %dma_wait3A_187 = arith.constant 0 : i32
      %dma_wait3A_188 = arith.constant 0 : i32
      %dma_wait3A_189 = tpu.memref_slice %arg2[%dma_wait3A_187, %dma_wait3A_188] : memref<10240x128xf32, #tpu.memory_space<hbm>> -> memref<10240x128xf32, #tpu.memory_space<hbm>>
      tpu.wait_indirect_dma semaphore(%arg12 : memref<!tpu.dma_semaphore, #tpu.memory_space<semaphore_mem>>) src(%dma_wait3A_189 : memref<10240x128xf32, #tpu.memory_space<hbm>>) dst(%arg10 : memref<128x128xf32, #tpu.memory_space<vmem>>)
      "tpu.region"() ({
        %run_scoped3A = tpu.sem_alloc : memref<!tpu.dma_semaphore, #tpu.memory_space<semaphore_mem>>
        %dma_start3A_197 = arith.constant 0 : i32
        %dma_start3A_198 = tpu.memref_slice %arg8[%add3A_183, %dma_start3A_197] : memref<40x128xi32, #tpu.memory_space<vmem>> -> memref<1x128xi32, #tpu.memory_space<vmem>>
        %dma_start3A_199 = tpu.memref_squeeze %dma_start3A_198 : memref<1x128xi32, #tpu.memory_space<vmem>> -> memref<128xi32, #tpu.memory_space<vmem>>
        %dma_start3A_200 = arith.constant 0 : i32
        %dma_start3A_201 = arith.constant 0 : i32
        %dma_start3A_202 = tpu.memref_slice %arg6[%dma_start3A_200, %dma_start3A_201] : memref<10240x128xf32, #tpu.memory_space<vmem_shared>> -> memref<10240x128xf32, #tpu.memory_space<vmem_shared>>
        tpu.enqueue_indirect_dma source(%arg10 : memref<128x128xf32, #tpu.memory_space<vmem>>) target(%dma_start3A_202 : memref<10240x128xf32, #tpu.memory_space<vmem_shared>>) offsets(%dma_start3A_199 : memref<128xi32, #tpu.memory_space<vmem>>) semaphore(%run_scoped3A : memref<!tpu.dma_semaphore, #tpu.memory_space<semaphore_mem>>) {add = true}
        %dma_wait3A_203 = arith.constant 0 : i32
        %dma_wait3A_204 = tpu.memref_slice %arg8[%add3A_183, %dma_wait3A_203] : memref<40x128xi32, #tpu.memory_space<vmem>> -> memref<1x128xi32, #tpu.memory_space<vmem>>
        %dma_wait3A_205 = tpu.memref_squeeze %dma_wait3A_204 : memref<1x128xi32, #tpu.memory_space<vmem>> -> memref<128xi32, #tpu.memory_space<vmem>>
        %dma_wait3A_206 = arith.constant 0 : i32
        %dma_wait3A_207 = arith.constant 0 : i32
        %dma_wait3A_208 = tpu.memref_slice %arg6[%dma_wait3A_206, %dma_wait3A_207] : memref<10240x128xf32, #tpu.memory_space<vmem_shared>> -> memref<10240x128xf32, #tpu.memory_space<vmem_shared>>
        tpu.wait_indirect_dma semaphore(%run_scoped3A : memref<!tpu.dma_semaphore, #tpu.memory_space<semaphore_mem>>) src(%arg10 : memref<128x128xf32, #tpu.memory_space<vmem>>) dst(%dma_wait3A_208 : memref<10240x128xf32, #tpu.memory_space<vmem_shared>>)
        tpu.yield
      }) : () -> ()
      %add3A_190 = arith.constant 2 : i32
      %add3A_191 = arith.addi %add3A_183, %add3A_190 : i32
      %lt3A_192 = arith.constant 40 : i32
      %lt3A_193 = arith.cmpi slt, %add3A_191, %lt3A_192 : i32
      %convert_element_type3A_194 = arith.extui %lt3A_193 : i1 to i32
      %cond3A_195 = arith.constant 0 : i32
      %cond3A_196 = arith.cmpi ne, %convert_element_type3A_194, %cond3A_195 : i32
      scf.if %cond3A_196 {
        %add3A_197 = arith.constant 2 : i32
        %add3A_198 = arith.addi %add3A_183, %add3A_197 : i32
        %dma_start3A_199 = arith.constant 0 : i32
        %dma_start3A_200 = tpu.memref_slice %arg7[%add3A_198, %dma_start3A_199] : memref<40x128xi32, #tpu.memory_space<vmem>> -> memref<1x128xi32, #tpu.memory_space<vmem>>
        %dma_start3A_201 = tpu.memref_squeeze %dma_start3A_200 : memref<1x128xi32, #tpu.memory_space<vmem>> -> memref<128xi32, #tpu.memory_space<vmem>>
        %dma_start3A_202 = arith.constant 0 : i32
        %dma_start3A_203 = arith.constant 0 : i32
        %dma_start3A_204 = tpu.memref_slice %arg2[%dma_start3A_202, %dma_start3A_203] : memref<10240x128xf32, #tpu.memory_space<hbm>> -> memref<10240x128xf32, #tpu.memory_space<hbm>>
        tpu.enqueue_indirect_dma source(%dma_start3A_204 : memref<10240x128xf32, #tpu.memory_space<hbm>>) target(%arg10 : memref<128x128xf32, #tpu.memory_space<vmem>>) offsets(%dma_start3A_201 : memref<128xi32, #tpu.memory_space<vmem>>) semaphore(%arg12 : memref<!tpu.dma_semaphore, #tpu.memory_space<semaphore_mem>>)
      } else {
      }
    }
    %scan3A_54 = arith.constant 20 : i32
    %barrier3A_55 = arith.constant 0 : index
    tpu.barrier barrier_id(%barrier3A_55)
    %mul3A_56 = arith.constant 5 : i32
    %mul3A_57 = arith.muli %arg1, %mul3A_56 : i32
    %add3A_58 = arith.constant 0 : i32
    %add3A_59 = arith.addi %mul3A_57, %add3A_58 : i32
    %mul3A_60 = arith.constant 128 : i32
    %mul3A_61 = arith.muli %add3A_59, %mul3A_60 : i32
    %dma_start3A_62 = arith.constant 0 : i32
    %dma_start3A_63 = tpu.memref_slice %arg5[%arg0, %mul3A_61, %dma_start3A_62] : memref<2x10240x128xf32, #tpu.memory_space<hbm>> -> memref<1x128x128xf32, #tpu.memory_space<hbm>>
    %dma_start3A_64 = tpu.memref_squeeze %dma_start3A_63 : memref<1x128x128xf32, #tpu.memory_space<hbm>> -> memref<128x128xf32, #tpu.memory_space<hbm>>
    %dma_start3A_65 = arith.constant 0 : i32
    %dma_start3A_66 = tpu.memref_slice %arg6[%mul3A_61, %dma_start3A_65] : memref<10240x128xf32, #tpu.memory_space<vmem_shared>> -> memref<128x128xf32, #tpu.memory_space<vmem_shared>>
    tpu.enqueue_dma source(%dma_start3A_66 : memref<128x128xf32, #tpu.memory_space<vmem_shared>>) target(%dma_start3A_64 : memref<128x128xf32, #tpu.memory_space<hbm>>) target_semaphore(%arg11 : memref<!tpu.dma_semaphore, #tpu.memory_space<semaphore_mem>>)
    %mul3A_67 = arith.constant 5 : i32
    %mul3A_68 = arith.muli %arg1, %mul3A_67 : i32
    %add3A_69 = arith.constant 1 : i32
    %add3A_70 = arith.addi %mul3A_68, %add3A_69 : i32
    %mul3A_71 = arith.constant 128 : i32
    %mul3A_72 = arith.muli %add3A_70, %mul3A_71 : i32
    %dma_start3A_73 = arith.constant 0 : i32
    %dma_start3A_74 = tpu.memref_slice %arg5[%arg0, %mul3A_72, %dma_start3A_73] : memref<2x10240x128xf32, #tpu.memory_space<hbm>> -> memref<1x128x128xf32, #tpu.memory_space<hbm>>
    %dma_start3A_75 = tpu.memref_squeeze %dma_start3A_74 : memref<1x128x128xf32, #tpu.memory_space<hbm>> -> memref<128x128xf32, #tpu.memory_space<hbm>>
    %dma_start3A_76 = arith.constant 0 : i32
    %dma_start3A_77 = tpu.memref_slice %arg6[%mul3A_72, %dma_start3A_76] : memref<10240x128xf32, #tpu.memory_space<vmem_shared>> -> memref<128x128xf32, #tpu.memory_space<vmem_shared>>
    tpu.enqueue_dma source(%dma_start3A_77 : memref<128x128xf32, #tpu.memory_space<vmem_shared>>) target(%dma_start3A_75 : memref<128x128xf32, #tpu.memory_space<hbm>>) target_semaphore(%arg11 : memref<!tpu.dma_semaphore, #tpu.memory_space<semaphore_mem>>)
    %mul3A_78 = arith.constant 5 : i32
    %mul3A_79 = arith.muli %arg1, %mul3A_78 : i32
    %add3A_80 = arith.constant 2 : i32
    %add3A_81 = arith.addi %mul3A_79, %add3A_80 : i32
    %mul3A_82 = arith.constant 128 : i32
    %mul3A_83 = arith.muli %add3A_81, %mul3A_82 : i32
    %dma_start3A_84 = arith.constant 0 : i32
    %dma_start3A_85 = tpu.memref_slice %arg5[%arg0, %mul3A_83, %dma_start3A_84] : memref<2x10240x128xf32, #tpu.memory_space<hbm>> -> memref<1x128x128xf32, #tpu.memory_space<hbm>>
    %dma_start3A_86 = tpu.memref_squeeze %dma_start3A_85 : memref<1x128x128xf32, #tpu.memory_space<hbm>> -> memref<128x128xf32, #tpu.memory_space<hbm>>
    %dma_start3A_87 = arith.constant 0 : i32
    %dma_start3A_88 = tpu.memref_slice %arg6[%mul3A_83, %dma_start3A_87] : memref<10240x128xf32, #tpu.memory_space<vmem_shared>> -> memref<128x128xf32, #tpu.memory_space<vmem_shared>>
    tpu.enqueue_dma source(%dma_start3A_88 : memref<128x128xf32, #tpu.memory_space<vmem_shared>>) target(%dma_start3A_86 : memref<128x128xf32, #tpu.memory_space<hbm>>) target_semaphore(%arg11 : memref<!tpu.dma_semaphore, #tpu.memory_space<semaphore_mem>>)
    %mul3A_89 = arith.constant 5 : i32
    %mul3A_90 = arith.muli %arg1, %mul3A_89 : i32
    %add3A_91 = arith.constant 3 : i32
    %add3A_92 = arith.addi %mul3A_90, %add3A_91 : i32
    %mul3A_93 = arith.constant 128 : i32
    %mul3A_94 = arith.muli %add3A_92, %mul3A_93 : i32
    %dma_start3A_95 = arith.constant 0 : i32
    %dma_start3A_96 = tpu.memref_slice %arg5[%arg0, %mul3A_94, %dma_start3A_95] : memref<2x10240x128xf32, #tpu.memory_space<hbm>> -> memref<1x128x128xf32, #tpu.memory_space<hbm>>
    %dma_start3A_97 = tpu.memref_squeeze %dma_start3A_96 : memref<1x128x128xf32, #tpu.memory_space<hbm>> -> memref<128x128xf32, #tpu.memory_space<hbm>>
    %dma_start3A_98 = arith.constant 0 : i32
    %dma_start3A_99 = tpu.memref_slice %arg6[%mul3A_94, %dma_start3A_98] : memref<10240x128xf32, #tpu.memory_space<vmem_shared>> -> memref<128x128xf32, #tpu.memory_space<vmem_shared>>
    tpu.enqueue_dma source(%dma_start3A_99 : memref<128x128xf32, #tpu.memory_space<vmem_shared>>) target(%dma_start3A_97 : memref<128x128xf32, #tpu.memory_space<hbm>>) target_semaphore(%arg11 : memref<!tpu.dma_semaphore, #tpu.memory_space<semaphore_mem>>)
    %mul3A_100 = arith.constant 5 : i32
    %mul3A_101 = arith.muli %arg1, %mul3A_100 : i32
    %add3A_102 = arith.constant 4 : i32
    %add3A_103 = arith.addi %mul3A_101, %add3A_102 : i32
    %mul3A_104 = arith.constant 128 : i32
    %mul3A_105 = arith.muli %add3A_103, %mul3A_104 : i32
    %dma_start3A_106 = arith.constant 0 : i32
    %dma_start3A_107 = tpu.memref_slice %arg5[%arg0, %mul3A_105, %dma_start3A_106] : memref<2x10240x128xf32, #tpu.memory_space<hbm>> -> memref<1x128x128xf32, #tpu.memory_space<hbm>>
    %dma_start3A_108 = tpu.memref_squeeze %dma_start3A_107 : memref<1x128x128xf32, #tpu.memory_space<hbm>> -> memref<128x128xf32, #tpu.memory_space<hbm>>
    %dma_start3A_109 = arith.constant 0 : i32
    %dma_start3A_110 = tpu.memref_slice %arg6[%mul3A_105, %dma_start3A_109] : memref<10240x128xf32, #tpu.memory_space<vmem_shared>> -> memref<128x128xf32, #tpu.memory_space<vmem_shared>>
    tpu.enqueue_dma source(%dma_start3A_110 : memref<128x128xf32, #tpu.memory_space<vmem_shared>>) target(%dma_start3A_108 : memref<128x128xf32, #tpu.memory_space<hbm>>) target_semaphore(%arg11 : memref<!tpu.dma_semaphore, #tpu.memory_space<semaphore_mem>>)
    %mul3A_111 = arith.constant 5 : i32
    %mul3A_112 = arith.muli %arg1, %mul3A_111 : i32
    %add3A_113 = arith.constant 0 : i32
    %add3A_114 = arith.addi %mul3A_112, %add3A_113 : i32
    %mul3A_115 = arith.constant 128 : i32
    %mul3A_116 = arith.muli %add3A_114, %mul3A_115 : i32
    %dma_wait3A = arith.constant 0 : i32
    %dma_wait3A_117 = tpu.memref_slice %arg5[%arg0, %mul3A_116, %dma_wait3A] : memref<2x10240x128xf32, #tpu.memory_space<hbm>> -> memref<1x128x128xf32, #tpu.memory_space<hbm>>
    %dma_wait3A_118 = tpu.memref_squeeze %dma_wait3A_117 : memref<1x128x128xf32, #tpu.memory_space<hbm>> -> memref<128x128xf32, #tpu.memory_space<hbm>>
    %dma_wait3A_119 = arith.constant 0 : i32
    %dma_wait3A_120 = tpu.memref_slice %arg6[%mul3A_116, %dma_wait3A_119] : memref<10240x128xf32, #tpu.memory_space<vmem_shared>> -> memref<128x128xf32, #tpu.memory_space<vmem_shared>>
    tpu.wait_dma2 semaphore(%arg11 : memref<!tpu.dma_semaphore, #tpu.memory_space<semaphore_mem>>) src(%dma_wait3A_120 : memref<128x128xf32, #tpu.memory_space<vmem_shared>>) dst(%dma_wait3A_118 : memref<128x128xf32, #tpu.memory_space<hbm>>)
    %mul3A_121 = arith.constant 5 : i32
    %mul3A_122 = arith.muli %arg1, %mul3A_121 : i32
    %add3A_123 = arith.constant 1 : i32
    %add3A_124 = arith.addi %mul3A_122, %add3A_123 : i32
    %mul3A_125 = arith.constant 128 : i32
    %mul3A_126 = arith.muli %add3A_124, %mul3A_125 : i32
    %dma_wait3A_127 = arith.constant 0 : i32
    %dma_wait3A_128 = tpu.memref_slice %arg5[%arg0, %mul3A_126, %dma_wait3A_127] : memref<2x10240x128xf32, #tpu.memory_space<hbm>> -> memref<1x128x128xf32, #tpu.memory_space<hbm>>
    %dma_wait3A_129 = tpu.memref_squeeze %dma_wait3A_128 : memref<1x128x128xf32, #tpu.memory_space<hbm>> -> memref<128x128xf32, #tpu.memory_space<hbm>>
    %dma_wait3A_130 = arith.constant 0 : i32
    %dma_wait3A_131 = tpu.memref_slice %arg6[%mul3A_126, %dma_wait3A_130] : memref<10240x128xf32, #tpu.memory_space<vmem_shared>> -> memref<128x128xf32, #tpu.memory_space<vmem_shared>>
    tpu.wait_dma2 semaphore(%arg11 : memref<!tpu.dma_semaphore, #tpu.memory_space<semaphore_mem>>) src(%dma_wait3A_131 : memref<128x128xf32, #tpu.memory_space<vmem_shared>>) dst(%dma_wait3A_129 : memref<128x128xf32, #tpu.memory_space<hbm>>)
    %mul3A_132 = arith.constant 5 : i32
    %mul3A_133 = arith.muli %arg1, %mul3A_132 : i32
    %add3A_134 = arith.constant 2 : i32
    %add3A_135 = arith.addi %mul3A_133, %add3A_134 : i32
    %mul3A_136 = arith.constant 128 : i32
    %mul3A_137 = arith.muli %add3A_135, %mul3A_136 : i32
    %dma_wait3A_138 = arith.constant 0 : i32
    %dma_wait3A_139 = tpu.memref_slice %arg5[%arg0, %mul3A_137, %dma_wait3A_138] : memref<2x10240x128xf32, #tpu.memory_space<hbm>> -> memref<1x128x128xf32, #tpu.memory_space<hbm>>
    %dma_wait3A_140 = tpu.memref_squeeze %dma_wait3A_139 : memref<1x128x128xf32, #tpu.memory_space<hbm>> -> memref<128x128xf32, #tpu.memory_space<hbm>>
    %dma_wait3A_141 = arith.constant 0 : i32
    %dma_wait3A_142 = tpu.memref_slice %arg6[%mul3A_137, %dma_wait3A_141] : memref<10240x128xf32, #tpu.memory_space<vmem_shared>> -> memref<128x128xf32, #tpu.memory_space<vmem_shared>>
    tpu.wait_dma2 semaphore(%arg11 : memref<!tpu.dma_semaphore, #tpu.memory_space<semaphore_mem>>) src(%dma_wait3A_142 : memref<128x128xf32, #tpu.memory_space<vmem_shared>>) dst(%dma_wait3A_140 : memref<128x128xf32, #tpu.memory_space<hbm>>)
    %mul3A_143 = arith.constant 5 : i32
    %mul3A_144 = arith.muli %arg1, %mul3A_143 : i32
    %add3A_145 = arith.constant 3 : i32
    %add3A_146 = arith.addi %mul3A_144, %add3A_145 : i32
    %mul3A_147 = arith.constant 128 : i32
    %mul3A_148 = arith.muli %add3A_146, %mul3A_147 : i32
    %dma_wait3A_149 = arith.constant 0 : i32
    %dma_wait3A_150 = tpu.memref_slice %arg5[%arg0, %mul3A_148, %dma_wait3A_149] : memref<2x10240x128xf32, #tpu.memory_space<hbm>> -> memref<1x128x128xf32, #tpu.memory_space<hbm>>
    %dma_wait3A_151 = tpu.memref_squeeze %dma_wait3A_150 : memref<1x128x128xf32, #tpu.memory_space<hbm>> -> memref<128x128xf32, #tpu.memory_space<hbm>>
    %dma_wait3A_152 = arith.constant 0 : i32
    %dma_wait3A_153 = tpu.memref_slice %arg6[%mul3A_148, %dma_wait3A_152] : memref<10240x128xf32, #tpu.memory_space<vmem_shared>> -> memref<128x128xf32, #tpu.memory_space<vmem_shared>>
    tpu.wait_dma2 semaphore(%arg11 : memref<!tpu.dma_semaphore, #tpu.memory_space<semaphore_mem>>) src(%dma_wait3A_153 : memref<128x128xf32, #tpu.memory_space<vmem_shared>>) dst(%dma_wait3A_151 : memref<128x128xf32, #tpu.memory_space<hbm>>)
    %mul3A_154 = arith.constant 5 : i32
    %mul3A_155 = arith.muli %arg1, %mul3A_154 : i32
    %add3A_156 = arith.constant 4 : i32
    %add3A_157 = arith.addi %mul3A_155, %add3A_156 : i32
    %mul3A_158 = arith.constant 128 : i32
    %mul3A_159 = arith.muli %add3A_157, %mul3A_158 : i32
    %dma_wait3A_160 = arith.constant 0 : i32
    %dma_wait3A_161 = tpu.memref_slice %arg5[%arg0, %mul3A_159, %dma_wait3A_160] : memref<2x10240x128xf32, #tpu.memory_space<hbm>> -> memref<1x128x128xf32, #tpu.memory_space<hbm>>
    %dma_wait3A_162 = tpu.memref_squeeze %dma_wait3A_161 : memref<1x128x128xf32, #tpu.memory_space<hbm>> -> memref<128x128xf32, #tpu.memory_space<hbm>>
    %dma_wait3A_163 = arith.constant 0 : i32
    %dma_wait3A_164 = tpu.memref_slice %arg6[%mul3A_159, %dma_wait3A_163] : memref<10240x128xf32, #tpu.memory_space<vmem_shared>> -> memref<128x128xf32, #tpu.memory_space<vmem_shared>>
    tpu.wait_dma2 semaphore(%arg11 : memref<!tpu.dma_semaphore, #tpu.memory_space<semaphore_mem>>) src(%dma_wait3A_164 : memref<128x128xf32, #tpu.memory_space<vmem_shared>>) dst(%dma_wait3A_162 : memref<128x128xf32, #tpu.memory_space<hbm>>)
    return
  }
}

#map = affine_map<(d0, d1) -> (0, 0)>
#map1 = affine_map<(d0, d1) -> (0)>
module attributes {stable_mosaic.version = 14 : i64} {
  func.func @_pairs(%arg0: i32, %arg1: i32, %arg2: memref<2x10240xf32, #tpu.memory_space<hbm>>, %arg3: memref<100352xi32, #tpu.memory_space<hbm>>, %arg4: memref<100352xi32, #tpu.memory_space<hbm>>, %arg5: memref<100352xf32, #tpu.memory_space<hbm>>, %arg6: memref<10240xf32, #tpu.memory_space<vmem>>, %arg7: memref<10240xf32, #tpu.memory_space<vmem>>, %arg8: memref<3136xi32, #tpu.memory_space<vmem>>, %arg9: memref<3136xi32, #tpu.memory_space<vmem>>, %arg10: memref<3136xf32, #tpu.memory_space<vmem>>, %arg11: memref<!tpu.dma_semaphore, #tpu.memory_space<semaphore_mem>>) attributes {dimension_semantics = [#tpu.dimension_semantics<core_parallel>, #tpu.dimension_semantics<subcore_parallel>], iteration_bounds = array<i64: 2, 16>, scalar_prefetch = 0 : i64, scratch_operands = 6 : i64, tpu.core_type = #tpu.core_type<sc_vector_subcore>, window_params = [{transform_indices = #map}, {transform_indices = #map1}, {transform_indices = #map1}, {transform_indices = #map1}]} {
    %mul3A = arith.constant 2 : i32
    %mul3A_0 = arith.muli %arg1, %mul3A : i32
    %add3A = arith.addi %mul3A_0, %arg0 : i32
    %mul3A_1 = arith.constant 3136 : i32
    %mul3A_2 = arith.muli %add3A, %mul3A_1 : i32
    %dma_start3A = arith.constant 0 : i32
    %dma_start3A_3 = arith.constant 0 : i32
    %dma_start3A_4 = tpu.memref_slice %arg2[%dma_start3A, %dma_start3A_3] : memref<2x10240xf32, #tpu.memory_space<hbm>> -> memref<1x10240xf32, #tpu.memory_space<hbm>>
    %dma_start3A_5 = tpu.memref_squeeze %dma_start3A_4 : memref<1x10240xf32, #tpu.memory_space<hbm>> -> memref<10240xf32, #tpu.memory_space<hbm>>
    %dma_start3A_6 = arith.constant 0 : i32
    %dma_start3A_7 = tpu.memref_slice %arg2[%dma_start3A, %dma_start3A_6] : memref<2x10240xf32, #tpu.memory_space<hbm>> -> memref<1x10240xf32, #tpu.memory_space<hbm>>
    %dma_start3A_8 = tpu.memref_squeeze %dma_start3A_7 : memref<1x10240xf32, #tpu.memory_space<hbm>> -> memref<10240xf32, #tpu.memory_space<hbm>>
    tpu.enqueue_dma source(%dma_start3A_8 : memref<10240xf32, #tpu.memory_space<hbm>>) target(%arg6 : memref<10240xf32, #tpu.memory_space<vmem>>) target_semaphore(%arg11 : memref<!tpu.dma_semaphore, #tpu.memory_space<semaphore_mem>>)
    %dma_start3A_9 = arith.constant 1 : i32
    %dma_start3A_10 = arith.constant 0 : i32
    %dma_start3A_11 = tpu.memref_slice %arg2[%dma_start3A_9, %dma_start3A_10] : memref<2x10240xf32, #tpu.memory_space<hbm>> -> memref<1x10240xf32, #tpu.memory_space<hbm>>
    %dma_start3A_12 = tpu.memref_squeeze %dma_start3A_11 : memref<1x10240xf32, #tpu.memory_space<hbm>> -> memref<10240xf32, #tpu.memory_space<hbm>>
    %dma_start3A_13 = arith.constant 0 : i32
    %dma_start3A_14 = tpu.memref_slice %arg2[%dma_start3A_9, %dma_start3A_13] : memref<2x10240xf32, #tpu.memory_space<hbm>> -> memref<1x10240xf32, #tpu.memory_space<hbm>>
    %dma_start3A_15 = tpu.memref_squeeze %dma_start3A_14 : memref<1x10240xf32, #tpu.memory_space<hbm>> -> memref<10240xf32, #tpu.memory_space<hbm>>
    tpu.enqueue_dma source(%dma_start3A_15 : memref<10240xf32, #tpu.memory_space<hbm>>) target(%arg7 : memref<10240xf32, #tpu.memory_space<vmem>>) target_semaphore(%arg11 : memref<!tpu.dma_semaphore, #tpu.memory_space<semaphore_mem>>)
    %dma_start3A_16 = tpu.memref_slice %arg3[%mul3A_2] : memref<100352xi32, #tpu.memory_space<hbm>> -> memref<3136xi32, #tpu.memory_space<hbm>>
    %dma_start3A_17 = tpu.memref_slice %arg3[%mul3A_2] : memref<100352xi32, #tpu.memory_space<hbm>> -> memref<3136xi32, #tpu.memory_space<hbm>>
    tpu.enqueue_dma source(%dma_start3A_17 : memref<3136xi32, #tpu.memory_space<hbm>>) target(%arg8 : memref<3136xi32, #tpu.memory_space<vmem>>) target_semaphore(%arg11 : memref<!tpu.dma_semaphore, #tpu.memory_space<semaphore_mem>>)
    %dma_start3A_18 = tpu.memref_slice %arg4[%mul3A_2] : memref<100352xi32, #tpu.memory_space<hbm>> -> memref<3136xi32, #tpu.memory_space<hbm>>
    %dma_start3A_19 = tpu.memref_slice %arg4[%mul3A_2] : memref<100352xi32, #tpu.memory_space<hbm>> -> memref<3136xi32, #tpu.memory_space<hbm>>
    tpu.enqueue_dma source(%dma_start3A_19 : memref<3136xi32, #tpu.memory_space<hbm>>) target(%arg9 : memref<3136xi32, #tpu.memory_space<vmem>>) target_semaphore(%arg11 : memref<!tpu.dma_semaphore, #tpu.memory_space<semaphore_mem>>)
    %dma_wait3A = arith.constant 0 : i32
    %dma_wait3A_20 = arith.constant 0 : i32
    %dma_wait3A_21 = tpu.memref_slice %arg2[%dma_wait3A, %dma_wait3A_20] : memref<2x10240xf32, #tpu.memory_space<hbm>> -> memref<1x10240xf32, #tpu.memory_space<hbm>>
    %dma_wait3A_22 = tpu.memref_squeeze %dma_wait3A_21 : memref<1x10240xf32, #tpu.memory_space<hbm>> -> memref<10240xf32, #tpu.memory_space<hbm>>
    %dma_wait3A_23 = arith.constant 0 : i32
    %dma_wait3A_24 = tpu.memref_slice %arg2[%dma_wait3A, %dma_wait3A_23] : memref<2x10240xf32, #tpu.memory_space<hbm>> -> memref<1x10240xf32, #tpu.memory_space<hbm>>
    %dma_wait3A_25 = tpu.memref_squeeze %dma_wait3A_24 : memref<1x10240xf32, #tpu.memory_space<hbm>> -> memref<10240xf32, #tpu.memory_space<hbm>>
    tpu.wait_dma2 semaphore(%arg11 : memref<!tpu.dma_semaphore, #tpu.memory_space<semaphore_mem>>) src(%dma_wait3A_25 : memref<10240xf32, #tpu.memory_space<hbm>>) dst(%arg6 : memref<10240xf32, #tpu.memory_space<vmem>>)
    %dma_wait3A_26 = arith.constant 1 : i32
    %dma_wait3A_27 = arith.constant 0 : i32
    %dma_wait3A_28 = tpu.memref_slice %arg2[%dma_wait3A_26, %dma_wait3A_27] : memref<2x10240xf32, #tpu.memory_space<hbm>> -> memref<1x10240xf32, #tpu.memory_space<hbm>>
    %dma_wait3A_29 = tpu.memref_squeeze %dma_wait3A_28 : memref<1x10240xf32, #tpu.memory_space<hbm>> -> memref<10240xf32, #tpu.memory_space<hbm>>
    %dma_wait3A_30 = arith.constant 0 : i32
    %dma_wait3A_31 = tpu.memref_slice %arg2[%dma_wait3A_26, %dma_wait3A_30] : memref<2x10240xf32, #tpu.memory_space<hbm>> -> memref<1x10240xf32, #tpu.memory_space<hbm>>
    %dma_wait3A_32 = tpu.memref_squeeze %dma_wait3A_31 : memref<1x10240xf32, #tpu.memory_space<hbm>> -> memref<10240xf32, #tpu.memory_space<hbm>>
    tpu.wait_dma2 semaphore(%arg11 : memref<!tpu.dma_semaphore, #tpu.memory_space<semaphore_mem>>) src(%dma_wait3A_32 : memref<10240xf32, #tpu.memory_space<hbm>>) dst(%arg7 : memref<10240xf32, #tpu.memory_space<vmem>>)
    %dma_wait3A_33 = tpu.memref_slice %arg3[%mul3A_2] : memref<100352xi32, #tpu.memory_space<hbm>> -> memref<3136xi32, #tpu.memory_space<hbm>>
    %dma_wait3A_34 = tpu.memref_slice %arg3[%mul3A_2] : memref<100352xi32, #tpu.memory_space<hbm>> -> memref<3136xi32, #tpu.memory_space<hbm>>
    tpu.wait_dma2 semaphore(%arg11 : memref<!tpu.dma_semaphore, #tpu.memory_space<semaphore_mem>>) src(%dma_wait3A_34 : memref<3136xi32, #tpu.memory_space<hbm>>) dst(%arg8 : memref<3136xi32, #tpu.memory_space<vmem>>)
    %dma_wait3A_35 = tpu.memref_slice %arg4[%mul3A_2] : memref<100352xi32, #tpu.memory_space<hbm>> -> memref<3136xi32, #tpu.memory_space<hbm>>
    %dma_wait3A_36 = tpu.memref_slice %arg4[%mul3A_2] : memref<100352xi32, #tpu.memory_space<hbm>> -> memref<3136xi32, #tpu.memory_space<hbm>>
    tpu.wait_dma2 semaphore(%arg11 : memref<!tpu.dma_semaphore, #tpu.memory_space<semaphore_mem>>) src(%dma_wait3A_36 : memref<3136xi32, #tpu.memory_space<hbm>>) dst(%arg9 : memref<3136xi32, #tpu.memory_space<vmem>>)
    %scan3A = arith.constant 0 : i32
    %scan3A_37 = arith.constant 196 : i32
    %scan3A_38 = arith.addi %scan3A, %scan3A_37 : i32
    %scan3A_39 = arith.constant 1 : i32
    scf.for %scan3A_41 = %scan3A to %scan3A_38 step %scan3A_39  : i32 {
      %mul3A_42 = arith.constant 16 : i32
      %mul3A_43 = arith.muli %scan3A_41, %mul3A_42 : i32
      %add3A_44 = arith.constant 0 : i32
      %add3A_45 = arith.addi %add3A_44, %mul3A_43 : i32
      %get3A = arith.index_cast %add3A_45 : i32 to index
      %get3A_46 = tpu.vector_load %arg8[%get3A] {strides = array<i32>} : memref<3136xi32, #tpu.memory_space<vmem>>, vector<16xi32>,
      %gather3A = tpu.vector_load_idx %arg6[%get3A_46] : memref<10240xf32, #tpu.memory_space<vmem>>[vector<16xi32>], vector<16xf32>,
      %get3A_47 = arith.index_cast %add3A_45 : i32 to index
      %get3A_48 = tpu.vector_load %arg9[%get3A_47] {strides = array<i32>} : memref<3136xi32, #tpu.memory_space<vmem>>, vector<16xi32>,
      %gather3A_49 = tpu.vector_load_idx %arg7[%get3A_48] : memref<10240xf32, #tpu.memory_space<vmem>>[vector<16xi32>], vector<16xf32>,
      %add3A_50 = arith.addf %gather3A, %gather3A_49 : vector<16xf32>
      %swap3A = arith.index_cast %add3A_45 : i32 to index
      %swap3A_51 = tpu.vector_load %arg10[%swap3A] {strides = array<i32>} : memref<3136xf32, #tpu.memory_space<vmem>>, vector<16xf32>,
      tpu.vector_store %arg10[%swap3A], %add3A_50 {strides = array<i32>} : memref<3136xf32, #tpu.memory_space<vmem>>, vector<16xf32>,
    }
    %scan3A_40 = arith.constant 196 : i32
    "tpu.region"() ({
      %run_scoped3A = tpu.sem_alloc : memref<!tpu.dma_semaphore, #tpu.memory_space<semaphore_mem>>
      %dma_start3A_41 = tpu.memref_slice %arg5[%mul3A_2] : memref<100352xf32, #tpu.memory_space<hbm>> -> memref<3136xf32, #tpu.memory_space<hbm>>
      %dma_start3A_42 = tpu.memref_slice %arg5[%mul3A_2] : memref<100352xf32, #tpu.memory_space<hbm>> -> memref<3136xf32, #tpu.memory_space<hbm>>
      tpu.enqueue_dma source(%arg10 : memref<3136xf32, #tpu.memory_space<vmem>>) target(%dma_start3A_42 : memref<3136xf32, #tpu.memory_space<hbm>>) target_semaphore(%run_scoped3A : memref<!tpu.dma_semaphore, #tpu.memory_space<semaphore_mem>>)
      %dma_wait3A_43 = tpu.memref_slice %arg5[%mul3A_2] : memref<100352xf32, #tpu.memory_space<hbm>> -> memref<3136xf32, #tpu.memory_space<hbm>>
      %dma_wait3A_44 = tpu.memref_slice %arg5[%mul3A_2] : memref<100352xf32, #tpu.memory_space<hbm>> -> memref<3136xf32, #tpu.memory_space<hbm>>
      tpu.wait_dma2 semaphore(%run_scoped3A : memref<!tpu.dma_semaphore, #tpu.memory_space<semaphore_mem>>) src(%arg10 : memref<3136xf32, #tpu.memory_space<vmem>>) dst(%dma_wait3A_44 : memref<3136xf32, #tpu.memory_space<hbm>>)
      tpu.yield
    }) : () -> ()
    return
  }
}

module attributes {stable_mosaic.version = 14 : i64} {
  func.func @body(%arg0: i32, %arg1: memref<2x1024x128xf32, #tpu.memory_space<vmem>>, %arg2: memref<1024x128xf32, #tpu.memory_space<vmem>>, %arg3: memref<128x128xf32, #tpu.memory_space<vmem>>, %arg4: memref<1x128xf32, #tpu.memory_space<vmem>>, %arg5: memref<1024x128xf32, #tpu.memory_space<vmem>>) attributes {dimension_semantics = [#tpu.dimension_semantics<arbitrary>], iteration_bounds = array<i64: 10>, scalar_prefetch = 0 : i64, scratch_operands = 0 : i64, tpu.core_type = #tpu.core_type<tc>, window_params = [{transform_indices = @transform_0, window_bounds = array<i64: 2, 1024, 128>}, {transform_indices = @transform_1, window_bounds = array<i64: 1024, 128>}, {pipeline_mode = #tpu.pipeline_mode<synchronous>, transform_indices = @transform_2, window_bounds = array<i64: 128, 128>}, {pipeline_mode = #tpu.pipeline_mode<synchronous>, transform_indices = @transform_3, window_bounds = array<i64: 1, 128>}, {transform_indices = @transform_4, window_bounds = array<i64: 1024, 128>}]} {
    %get3A = arith.constant 0 : index
    %get3A_0 = arith.constant 0 : index
    %get3A_1 = arith.constant 0 : index
    %get3A_2 = vector.load %arg1[%get3A, %get3A_0, %get3A_1] : memref<2x1024x128xf32, #tpu.memory_space<vmem>>, vector<1x1024x128xf32>
    %get3A_3 = vector.shape_cast %get3A_2 : vector<1x1024x128xf32> to vector<1024x128xf32>
    %get3A_4 = arith.constant 1 : index
    %get3A_5 = arith.constant 0 : index
    %get3A_6 = arith.constant 0 : index
    %get3A_7 = vector.load %arg1[%get3A_4, %get3A_5, %get3A_6] : memref<2x1024x128xf32, #tpu.memory_space<vmem>>, vector<1x1024x128xf32>
    %get3A_8 = vector.shape_cast %get3A_7 : vector<1x1024x128xf32> to vector<1024x128xf32>
    %add3A = arith.addf %get3A_3, %get3A_8 : vector<1024x128xf32>
    %get3A_9 = arith.constant 0 : index
    %get3A_10 = arith.constant 0 : index
    %get3A_11 = vector.load %arg2[%get3A_9, %get3A_10] : memref<1024x128xf32, #tpu.memory_space<vmem>>, vector<1024x128xf32>
    %add3A_12 = arith.addf %add3A, %get3A_11 : vector<1024x128xf32>
    %get3A_13 = arith.constant 0 : index
    %get3A_14 = arith.constant 0 : index
    %get3A_15 = vector.load %arg3[%get3A_13, %get3A_14] : memref<128x128xf32, #tpu.memory_space<vmem>>, vector<128x128xf32>
    %dot_general3A = arith.constant dense<0.000000e+00> : vector<1024x128xf32>
    %dot_general3A_16 = tpu.matmul %add3A_12, %get3A_15, %dot_general3A {dimension_numbers = #tpu.dot_dimension_numbers<[1], [1], [0], [0], [0, 0, 1, 0], [], []>, transpose_lhs_hint = false} : vector<1024x128xf32>, vector<128x128xf32>, vector<1024x128xf32> -> vector<1024x128xf32>
    %get3A_17 = arith.constant 0 : index
    %get3A_18 = arith.constant 0 : index
    %get3A_19 = vector.load %arg4[%get3A_17, %get3A_18] : memref<1x128xf32, #tpu.memory_space<vmem>>, vector<1x128xf32>
    %add3A_20 = vector.broadcast %get3A_19 : vector<1x128xf32> to vector<1024x128xf32>
    %add3A_21 = arith.addf %dot_general3A_16, %add3A_20 : vector<1024x128xf32>
    %max3A = arith.constant 0.000000e+00 : f32
    %max3A_22 = vector.broadcast %max3A : f32 to vector<1024x128xf32>
    %max3A_23 = arith.maximumf %add3A_21, %max3A_22 : vector<1024x128xf32>
    %swap3A = arith.constant 0 : index
    %swap3A_24 = arith.constant 0 : index
    %swap3A_25 = vector.load %arg5[%swap3A, %swap3A_24] : memref<1024x128xf32, #tpu.memory_space<vmem>>, vector<1024x128xf32>
    tpu.vector_store %arg5[%swap3A, %swap3A_24], %max3A_23 {strides = array<i32>} : memref<1024x128xf32, #tpu.memory_space<vmem>>, vector<1024x128xf32>,
    return
  }
  func.func @transform_0(%arg0: i32) -> (i32, i32, i32) {
    %c0_i32 = arith.constant 0 : i32
    %c0_i32_0 = arith.constant 0 : i32
    %c0_i32_1 = arith.constant 0 : i32
    return %c0_i32, %arg0, %c0_i32_0 : i32, i32, i32
  }
  func.func @transform_1(%arg0: i32) -> (i32, i32) {
    %c0_i32 = arith.constant 0 : i32
    %c0_i32_0 = arith.constant 0 : i32
    return %arg0, %c0_i32 : i32, i32
  }
  func.func @transform_2(%arg0: i32) -> (i32, i32) {
    %c0_i32 = arith.constant 0 : i32
    %c0_i32_0 = arith.constant 0 : i32
    %c0_i32_1 = arith.constant 0 : i32
    return %c0_i32, %c0_i32_0 : i32, i32
  }
  func.func @transform_3(%arg0: i32) -> (i32, i32) {
    %c0_i32 = arith.constant 0 : i32
    %c0_i32_0 = arith.constant 0 : i32
    %c0_i32_1 = arith.constant 0 : i32
    return %c0_i32, %c0_i32_0 : i32, i32
  }
  func.func @transform_4(%arg0: i32) -> (i32, i32) {
    %c0_i32 = arith.constant 0 : i32
    %c0_i32_0 = arith.constant 0 : i32
    return %arg0, %c0_i32 : i32, i32
  }
}

module attributes {stable_mosaic.version = 14 : i64} {
  func.func @body(%arg0: i32, %arg1: memref<2x1024x128xf32, #tpu.memory_space<vmem>>, %arg2: memref<1024x128xf32, #tpu.memory_space<vmem>>, %arg3: memref<128x128xf32, #tpu.memory_space<vmem>>, %arg4: memref<1x128xf32, #tpu.memory_space<vmem>>, %arg5: memref<2x256xf32, #tpu.memory_space<vmem>>, %arg6: memref<1x2xf32, #tpu.memory_space<vmem>>, %arg7: memref<2x1024xf32, #tpu.memory_space<vmem>>) attributes {dimension_semantics = [#tpu.dimension_semantics<arbitrary>], iteration_bounds = array<i64: 10>, scalar_prefetch = 0 : i64, scratch_operands = 0 : i64, tpu.core_type = #tpu.core_type<tc>, window_params = [{transform_indices = @transform_0, window_bounds = array<i64: 2, 1024, 128>}, {transform_indices = @transform_1, window_bounds = array<i64: 1024, 128>}, {pipeline_mode = #tpu.pipeline_mode<synchronous>, transform_indices = @transform_2, window_bounds = array<i64: 128, 128>}, {pipeline_mode = #tpu.pipeline_mode<synchronous>, transform_indices = @transform_3, window_bounds = array<i64: 1, 128>}, {pipeline_mode = #tpu.pipeline_mode<synchronous>, transform_indices = @transform_4, window_bounds = array<i64: 2, 256>}, {pipeline_mode = #tpu.pipeline_mode<synchronous>, transform_indices = @transform_5, window_bounds = array<i64: 1, 2>}, {transform_indices = @transform_6, window_bounds = array<i64: 2, 1024>}]} {
    %get3A = arith.constant 0 : index
    %get3A_0 = arith.constant 0 : index
    %get3A_1 = arith.constant 0 : index
    %get3A_2 = vector.load %arg1[%get3A, %get3A_0, %get3A_1] : memref<2x1024x128xf32, #tpu.memory_space<vmem>>, vector<1x1024x128xf32>
    %get3A_3 = vector.shape_cast %get3A_2 : vector<1x1024x128xf32> to vector<1024x128xf32>
    %get3A_4 = arith.constant 1 : index
    %get3A_5 = arith.constant 0 : index
    %get3A_6 = arith.constant 0 : index
    %get3A_7 = vector.load %arg1[%get3A_4, %get3A_5, %get3A_6] : memref<2x1024x128xf32, #tpu.memory_space<vmem>>, vector<1x1024x128xf32>
    %get3A_8 = vector.shape_cast %get3A_7 : vector<1x1024x128xf32> to vector<1024x128xf32>
    %add3A = arith.addf %get3A_3, %get3A_8 : vector<1024x128xf32>
    %get3A_9 = arith.constant 0 : index
    %get3A_10 = arith.constant 0 : index
    %get3A_11 = vector.load %arg2[%get3A_9, %get3A_10] : memref<1024x128xf32, #tpu.memory_space<vmem>>, vector<1024x128xf32>
    %add3A_12 = arith.addf %add3A, %get3A_11 : vector<1024x128xf32>
    %get3A_13 = arith.constant 0 : index
    %get3A_14 = arith.constant 0 : index
    %get3A_15 = vector.load %arg3[%get3A_13, %get3A_14] : memref<128x128xf32, #tpu.memory_space<vmem>>, vector<128x128xf32>
    %dot_general3A = arith.constant dense<0.000000e+00> : vector<1024x128xf32>
    %dot_general3A_16 = tpu.matmul %add3A_12, %get3A_15, %dot_general3A {dimension_numbers = #tpu.dot_dimension_numbers<[1], [1], [0], [0], [0, 0, 1, 0], [], []>, transpose_lhs_hint = false} : vector<1024x128xf32>, vector<128x128xf32>, vector<1024x128xf32> -> vector<1024x128xf32>
    %get3A_17 = arith.constant 0 : index
    %get3A_18 = arith.constant 0 : index
    %get3A_19 = vector.load %arg4[%get3A_17, %get3A_18] : memref<1x128xf32, #tpu.memory_space<vmem>>, vector<1x128xf32>
    %add3A_20 = vector.broadcast %get3A_19 : vector<1x128xf32> to vector<1024x128xf32>
    %add3A_21 = arith.addf %dot_general3A_16, %add3A_20 : vector<1024x128xf32>
    %max3A = arith.constant 0.000000e+00 : f32
    %max3A_22 = vector.broadcast %max3A : f32 to vector<1024x128xf32>
    %max3A_23 = arith.maximumf %add3A_21, %max3A_22 : vector<1024x128xf32>
    %get3A_24 = arith.constant 0 : index
    %get3A_25 = arith.constant 0 : index
    %get3A_26 = vector.load %arg5[%get3A_24, %get3A_25] : memref<2x256xf32, #tpu.memory_space<vmem>>, vector<2x128xf32>
    %dot_general3A_27 = arith.constant dense<0.000000e+00> : vector<1024x2xf32>
    %dot_general3A_28 = tpu.matmul %max3A_23, %get3A_26, %dot_general3A_27 {dimension_numbers = #tpu.dot_dimension_numbers<[1], [1], [0], [0], [0, 0, 1, 0], [], []>, transpose_lhs_hint = false} : vector<1024x128xf32>, vector<2x128xf32>, vector<1024x2xf32> -> vector<1024x2xf32>
    %get3A_29 = arith.constant 0 : index
    %get3A_30 = arith.constant 128 : index
    %get3A_31 = vector.load %arg5[%get3A_29, %get3A_30] : memref<2x256xf32, #tpu.memory_space<vmem>>, vector<2x128xf32>
    %dot_general3A_32 = arith.constant dense<0.000000e+00> : vector<1024x2xf32>
    %dot_general3A_33 = tpu.matmul %max3A_23, %get3A_31, %dot_general3A_32 {dimension_numbers = #tpu.dot_dimension_numbers<[1], [1], [0], [0], [0, 0, 1, 0], [], []>, transpose_lhs_hint = false} : vector<1024x128xf32>, vector<2x128xf32>, vector<1024x2xf32> -> vector<1024x2xf32>
    %get3A_34 = arith.constant 0 : index
    %get3A_35 = arith.constant 1 : index
    %get3A_36 = vector.load %arg6[%get3A_34, %get3A_35] : memref<1x2xf32, #tpu.memory_space<vmem>>, vector<1x1xf32>
    %get3A_37 = vector.extract %get3A_36[0, 0] : f32 from vector<1x1xf32>
    %get3A_38 = arith.constant 0 : index
    %get3A_39 = arith.constant 0 : index
    %get3A_40 = vector.load %arg6[%get3A_38, %get3A_39] : memref<1x2xf32, #tpu.memory_space<vmem>>, vector<1x1xf32>
    %get3A_41 = vector.extract %get3A_40[0, 0] : f32 from vector<1x1xf32>
    %sub3A = arith.subf %get3A_37, %get3A_41 : f32
    %slice3A = vector.extract_strided_slice %dot_general3A_28 {offsets = [0, 1], sizes = [1024, 1], strides = [1, 1]} : vector<1024x2xf32> to vector<1024x1xf32>
    %squeeze3A = vector.shape_cast %slice3A : vector<1024x1xf32> to vector<1024xf32>
    %slice3A_42 = vector.extract_strided_slice %dot_general3A_28 {offsets = [0, 0], sizes = [1024, 1], strides = [1, 1]} : vector<1024x2xf32> to vector<1024x1xf32>
    %squeeze3A_43 = vector.shape_cast %slice3A_42 : vector<1024x1xf32> to vector<1024xf32>
    %sub3A_44 = arith.subf %squeeze3A, %squeeze3A_43 : vector<1024xf32>
    %slice3A_45 = vector.extract_strided_slice %dot_general3A_33 {offsets = [0, 1], sizes = [1024, 1], strides = [1, 1]} : vector<1024x2xf32> to vector<1024x1xf32>
    %squeeze3A_46 = vector.shape_cast %slice3A_45 : vector<1024x1xf32> to vector<1024xf32>
    %slice3A_47 = vector.extract_strided_slice %dot_general3A_33 {offsets = [0, 0], sizes = [1024, 1], strides = [1, 1]} : vector<1024x2xf32> to vector<1024x1xf32>
    %squeeze3A_48 = vector.shape_cast %slice3A_47 : vector<1024x1xf32> to vector<1024xf32>
    %sub3A_49 = arith.subf %squeeze3A_46, %squeeze3A_48 : vector<1024xf32>
    %add3A_50 = vector.broadcast %sub3A : f32 to vector<1024xf32>
    %add3A_51 = arith.addf %sub3A_49, %add3A_50 : vector<1024xf32>
    %stack3A = vector.shape_cast %sub3A_44 : vector<1024xf32> to vector<1x1024xf32>
    %stack3A_52 = vector.shape_cast %add3A_51 : vector<1024xf32> to vector<1x1024xf32>
    %stack3A_53 = tpu.concatenate %stack3A, %stack3A_52 in 0 : vector<1x1024xf32>, vector<1x1024xf32> -> vector<2x1024xf32>
    %swap3A = arith.constant 0 : index
    %swap3A_54 = arith.constant 0 : index
    %swap3A_55 = vector.load %arg7[%swap3A, %swap3A_54] : memref<2x1024xf32, #tpu.memory_space<vmem>>, vector<2x1024xf32>
    tpu.vector_store %arg7[%swap3A, %swap3A_54], %stack3A_53 {strides = array<i32>} : memref<2x1024xf32, #tpu.memory_space<vmem>>, vector<2x1024xf32>,
    return
  }
  func.func @transform_0(%arg0: i32) -> (i32, i32, i32) {
    %c0_i32 = arith.constant 0 : i32
    %c0_i32_0 = arith.constant 0 : i32
    %c0_i32_1 = arith.constant 0 : i32
    return %c0_i32, %arg0, %c0_i32_0 : i32, i32, i32
  }
  func.func @transform_1(%arg0: i32) -> (i32, i32) {
    %c0_i32 = arith.constant 0 : i32
    %c0_i32_0 = arith.constant 0 : i32
    return %arg0, %c0_i32 : i32, i32
  }
  func.func @transform_2(%arg0: i32) -> (i32, i32) {
    %c0_i32 = arith.constant 0 : i32
    %c0_i32_0 = arith.constant 0 : i32
    %c0_i32_1 = arith.constant 0 : i32
    return %c0_i32, %c0_i32_0 : i32, i32
  }
  func.func @transform_3(%arg0: i32) -> (i32, i32) {
    %c0_i32 = arith.constant 0 : i32
    %c0_i32_0 = arith.constant 0 : i32
    %c0_i32_1 = arith.constant 0 : i32
    return %c0_i32, %c0_i32_0 : i32, i32
  }
  func.func @transform_4(%arg0: i32) -> (i32, i32) {
    %c0_i32 = arith.constant 0 : i32
    %c0_i32_0 = arith.constant 0 : i32
    %c0_i32_1 = arith.constant 0 : i32
    return %c0_i32, %c0_i32_0 : i32, i32
  }
  func.func @transform_5(%arg0: i32) -> (i32, i32) {
    %c0_i32 = arith.constant 0 : i32
    %c0_i32_0 = arith.constant 0 : i32
    %c0_i32_1 = arith.constant 0 : i32
    return %c0_i32, %c0_i32_0 : i32, i32
  }
  func.func @transform_6(%arg0: i32) -> (i32, i32) {
    %c0_i32 = arith.constant 0 : i32
    %c0_i32_0 = arith.constant 0 : i32
    return %c0_i32, %arg0 : i32, i32
  }
}

module attributes {stable_mosaic.version = 14 : i64} {
  func.func @body(%arg0: i32, %arg1: memref<100352xf32, #tpu.memory_space<vmem>>, %arg2: memref<2x100352xf32, #tpu.memory_space<vmem>>) attributes {dimension_semantics = [#tpu.dimension_semantics<arbitrary>], iteration_bounds = array<i64: 1>, scalar_prefetch = 0 : i64, scratch_operands = 0 : i64, tpu.core_type = #tpu.core_type<tc>, window_params = [{transform_indices = @transform_0, window_bounds = array<i64: 100352>}, {transform_indices = @transform_1, window_bounds = array<i64: 2, 100352>}]} {
    %get3A = arith.constant 0 : index
    %get3A_0 = vector.load %arg1[%get3A] : memref<100352xf32, #tpu.memory_space<vmem>>, vector<100352xf32>
    %abs3A = math.absf %get3A_0 : vector<100352xf32>
    %neg3A = arith.constant 0.000000e+00 : f32
    %neg3A_1 = vector.broadcast %neg3A : f32 to vector<100352xf32>
    %neg3A_2 = arith.subf %neg3A_1, %abs3A : vector<100352xf32>
    %exp3A = math.exp %neg3A_2 : vector<100352xf32>
    %log1p3A = math.log1p %exp3A : vector<100352xf32>
    %max3A = arith.constant 0.000000e+00 : f32
    %max3A_3 = vector.broadcast %max3A : f32 to vector<100352xf32>
    %max3A_4 = arith.maximumf %get3A_0, %max3A_3 : vector<100352xf32>
    %add3A = arith.addf %max3A_4, %log1p3A : vector<100352xf32>
    %neg3A_5 = arith.constant 0.000000e+00 : f32
    %neg3A_6 = vector.broadcast %neg3A_5 : f32 to vector<100352xf32>
    %neg3A_7 = arith.subf %neg3A_6, %add3A : vector<100352xf32>
    %neg3A_8 = arith.constant 0.000000e+00 : f32
    %neg3A_9 = vector.broadcast %neg3A_8 : f32 to vector<100352xf32>
    %neg3A_10 = arith.subf %neg3A_9, %get3A_0 : vector<100352xf32>
    %max3A_11 = arith.constant 0.000000e+00 : f32
    %max3A_12 = vector.broadcast %max3A_11 : f32 to vector<100352xf32>
    %max3A_13 = arith.maximumf %neg3A_10, %max3A_12 : vector<100352xf32>
    %add3A_14 = arith.addf %max3A_13, %log1p3A : vector<100352xf32>
    %neg3A_15 = arith.constant 0.000000e+00 : f32
    %neg3A_16 = vector.broadcast %neg3A_15 : f32 to vector<100352xf32>
    %neg3A_17 = arith.subf %neg3A_16, %add3A_14 : vector<100352xf32>
    %stack3A = vector.shape_cast %neg3A_7 : vector<100352xf32> to vector<1x100352xf32>
    %stack3A_18 = vector.shape_cast %neg3A_17 : vector<100352xf32> to vector<1x100352xf32>
    %stack3A_19 = tpu.concatenate %stack3A, %stack3A_18 in 0 : vector<1x100352xf32>, vector<1x100352xf32> -> vector<2x100352xf32>
    %swap3A = arith.constant 0 : index
    %swap3A_20 = arith.constant 0 : index
    %swap3A_21 = vector.load %arg2[%swap3A, %swap3A_20] : memref<2x100352xf32, #tpu.memory_space<vmem>>, vector<2x100352xf32>
    tpu.vector_store %arg2[%swap3A, %swap3A_20], %stack3A_19 {strides = array<i32>} : memref<2x100352xf32, #tpu.memory_space<vmem>>, vector<2x100352xf32>,
    return
  }
  func.func @transform_0(%arg0: i32) -> i32 {
    %c0_i32 = arith.constant 0 : i32
    return %arg0 : i32
  }
  func.func @transform_1(%arg0: i32) -> (i32, i32) {
    %c0_i32 = arith.constant 0 : i32
    %c0_i32_0 = arith.constant 0 : i32
    return %c0_i32, %arg0 : i32, i32
  }
}

</mosaic_0001>

<sc_bundles>
// kernel: kernel.11.cloned.1.call-start
scs
__scs_entry_jumppad:
0x0: {  	(pc) =	sbr.rel $0x88, $3  }
0x1: {  	(tag) =	ssettag $0x0;
	lr =	simm.s32 $0x1  }
0x2: {  	[smem:$0x3F98] =	sst lr;
	_ =	strace $0xD0000000  }
0x3: {  	_ = 	snop  }
0x4: {  	_ = 	snop  }
0x5: {  	_ = 	snop  }
0x6: {  	_ = 	snop  }
0x7: {  	_ = 	snop  }
__scs_overlays_trampoline_lowered:
0x8: {  	[smem:$0x3FA7] =	sst s0  }
0x9: {  	[smem:$0x3FA8] =	sst s1  }
0xa: {  	[smem:$0x3FA9] =	sst s2  }
0xb: {  	[smem:$0x3FAA] =	sst s3  }
0xc: {  	[smem:$0x3FAB] =	sst s4  }
0xd: {  	[smem:$0x3FAC] =	sst s5  }
0xe: {  	[smem:$0x3FAD] =	sst s6  }
0xf: {  	[smem:$0x3FAE] =	sst s7  }
0x10: {  	[smem:$0x3FAF] =	sst s8  }
0x11: {  	[smem:$0x3FB0] =	sst s9;
	s0 =	simm.s32 @!p0 $0x0  }
0x12: {  	s1 =	sld [smem:$0x3F96];
	s0 =	simm.s32 @p0 $0x1  }
0x13: {  	[smem:$0x3FB1] =	sst s0;
	s0 =	simm.s32 @!p1 $0x0  }
0x14: {  	s2 =	sld [smem:$0x3F95];
	s0 =	simm.s32 @p1 $0x1  }
0x15: {  	[smem:$0x3FB2] =	sst s0;
	s0 =	simm.s32 @!p2 $0x0  }
0x16: {  	s3 =	sld [smem:$0x3FDB];
	s0 =	simm.s32 @p2 $0x1  }
0x17: {  	s4 =	simm.s32 $0x1BF5;
	[smem:$0x3FB4] =	sst s0  }
0x18: {  	s0 =	sld [smem:$0x3F97];
	_ =	swait.ge [sflag:s4], $0x0  }
0x19: {  	s7 =	sld [smem:$0x3F98]  }
0x1a: {  	s8 =	sadd.s32 $0xFFFFE003, lr  }
0x1b: {  	s9 =	sadd.s32 $0xFFFFFEF7, lr;
	s5 =	simm.s32 $0xFFFFFFFF;
	p2 =	slt.u32 s8, $0xFFFFF086  }
0x1c: {  	p1 =	slt.u32 s9, $0xF7A;
	s5 =	simm.s32 @!p2 $0x0  }
0x1d: {  	s5 =	simm.s32 @p1 $0x1;
	p0 =	seq.s32 s7, s2  }
0x1e: {  	s7 =	smul.u32 @!p0 $0xF7A, s2;
	p2 =	seq.s32 @!p0 s5, $0x0  }
0x1f: {  	s9 =	smul.u32 $0xF7A, s1;
	s8 =	simm.s32 @!p0 $0x1BF5;
	p2 =	por !p2, p0  }
0x20: {  	[sflag:s8] =	ssyncset.s32 @!p0 $0xFFFFF086;
	s6 =	sadd.s32 @!p0 s3, s7;
	s7 =	simm.s32 @!p0 $0x108  }
0x21: {  	s3 =	sadd.s32 s3, s9;
	s6 =	sadd.s32 @!p0 $0x88, s6;
	s7 =	simm.s32 @p2 $0x1082  }
0x22: {  	[simem:s7], [sflag:s8] =	dma.local @!p0 [hbm:s6], $0xF7A  }
0x23: {  	s9 =	sor.u32 $0xD0000000, s2;
	s6 =	simm.s32 $0x108;
	_ =	swait.ge @!p0 [sflag:s8], $0x0  }
0x24: {  	s3 =	sadd.s32 $0x88, s3;
	s6 =	simm.s32 @!p1 $0x1082;
	[sflag:s4] =	ssyncset.s32 $0xFFFFF086  }
0x25: {  	[simem:s6], [sflag:s4] =	dma.local [hbm:s3], $0xF7A  }
0x26: {  	[smem:$0x3F98] =	sst s1;
	(tag) =	ssettag s2;
	_ =	strace s9  }
0x27: {  	s1 =	sld [smem:$0x3FA8]  }
0x28: {  	s2 =	sld [smem:$0x3FA9]  }
0x29: {  	s4 =	sld [smem:$0x3FAB]  }
0x2a: {  	p0 =	seq.s32 s5, $0x0;
	s5 =	sld [smem:$0x3FAC]  }
0x2b: {  	s6 =	sld [smem:$0x3FAD]  }
0x2c: {  	s7 =	sld [smem:$0x3FAE]  }
0x2d: {  	s3 =	simm.s32 $0x108;
	s8 =	sld [smem:$0x3FAF]  }
0x2e: {  	s3 =	simm.s32 @!p0 $0x1082;
	s9 =	sld [smem:$0x3FB0]  }
0x2f: {  	lr =	sadd.s32 s0, s3;
	s0 =	sld [smem:$0x3FA7]  }
0x30: {  	s3 =	sld [smem:$0x3FAA]  }
0x31: {  	[smem:$0x3FB3] =	sst s10  }
0x32: {  	s10 =	sld [smem:$0x3FB1];
	_ =	sdelay $0x3  }
0x33: {  	p0 =	seq.s32 s10, $0x1;
	s10 =	sld [smem:$0x3FB3];
	_ =	sdelay $0x3  }
0x34: {  	[smem:$0x3FB3] =	sst s10  }
0x35: {  	s10 =	sld [smem:$0x3FB2];
	_ =	sdelay $0x3  }
0x36: {  	p1 =	seq.s32 s10, $0x1;
	s10 =	sld [smem:$0x3FB3];
	_ =	sdelay $0x3  }
0x37: {  	[smem:$0x3FB3] =	sst s10  }
0x38: {  	s10 =	sld [smem:$0x3FB4]  }
0x39: {  	_ = 	snop;
	(pc) =	sbr.ind lr, $3  }
0x3a: {  	_ = 	snop  }
0x3b: {  	_ = 	snop  }
0x3c: {  	p2 =	seq.s32 s10, $0x1;
	s10 =	sld [smem:$0x3FB3]  }
0x3d: {  	_ =	shalt  }
0x3e: {  	_ =	shalt  }
0x3f: {  	_ =	shalt  }
0x40: {  	_ =	shalt  }
0x41: {  	_ =	shalt  }
0x42: {  	_ =	shalt  }
0x43: {  	_ =	shalt  }
0x44: {  	_ =	shalt  }
0x45: {  	_ =	shalt  }
0x46: {  	_ =	shalt  }
0x47: {  	_ =	shalt  }
0x48: {  	_ =	shalt  }
0x49: {  	_ =	shalt  }
0x4a: {  	_ =	shalt  }
0x4b: {  	_ =	shalt  }
0x4c: {  	_ =	shalt  }
0x4d: {  	_ =	shalt  }
0x4e: {  	_ =	shalt  }
0x4f: {  	_ =	shalt  }
0x50: {  	_ =	shalt  }
0x51: {  	_ =	shalt  }
0x52: {  	_ =	shalt  }
0x53: {  	_ =	shalt  }
0x54: {  	_ =	shalt  }
0x55: {  	_ =	shalt  }
0x56: {  	_ =	shalt  }
0x57: {  	_ =	shalt  }
0x58: {  	_ =	shalt  }
0x59: {  	_ =	shalt  }
0x5a: {  	_ =	shalt  }
0x5b: {  	_ =	shalt  }
0x5c: {  	_ =	shalt  }
0x5d: {  	_ =	shalt  }
0x5e: {  	_ =	shalt  }
0x5f: {  	_ =	shalt  }
0x60: {  	_ =	shalt  }
0x61: {  	_ =	shalt  }
0x62: {  	_ =	shalt  }
0x63: {  	_ =	shalt  }
0x64: {  	_ =	shalt  }
0x65: {  	_ =	shalt  }
0x66: {  	_ =	shalt  }
0x67: {  	_ =	shalt  }
0x68: {  	_ =	shalt  }
0x69: {  	_ =	shalt  }
0x6a: {  	_ =	shalt  }
0x6b: {  	_ =	shalt  }
0x6c: {  	_ =	shalt  }
0x6d: {  	_ =	shalt  }
0x6e: {  	_ =	shalt  }
0x6f: {  	_ =	shalt  }
0x70: {  	_ =	shalt  }
0x71: {  	_ =	shalt  }
0x72: {  	_ =	shalt  }
0x73: {  	_ =	shalt  }
0x74: {  	_ =	shalt  }
0x75: {  	_ =	shalt  }
0x76: {  	_ =	shalt  }
0x77: {  	_ =	shalt  }
0x78: {  	_ =	shalt  }
0x79: {  	_ =	shalt  }
0x7a: {  	_ =	shalt  }
0x7b: {  	_ =	shalt  }
0x7c: {  	_ =	shalt  }
0x7d: {  	_ =	shalt  }
0x7e: {  	_ =	shalt  }
0x7f: {  	_ =	shalt  }
0x80: {  	_ =	shalt  }
0x81: {  	_ =	shalt  }
0x82: {  	_ =	shalt  }
0x83: {  	_ =	shalt  }
0x84: {  	_ =	shalt  }
0x85: {  	_ =	shalt  }
0x86: {  	_ =	shalt  }
0x87: {  	_ =	shalt  }
.Lfunc_end0:
.L_simem_size_0:
called_computation.1_lowered:
.L_overlay_start_0:
0x88: {  	s2 =	sld [smem:$0x3FD9]  }
0x89: {  	s3 =	sld [smem:$0x3FFE];
	_ =	sdelay $0x1  }
0x8a: {  	s1 =	srdreg.scid  }
0x8b: {  	s0 =	sand.u32 $0x1, s1  }
0x8c: {  	s16 =	sshll.u32 s0, $0xA;
	s2 =	sadd.s32 s3, s2  }
0x8d: {  	s2 =	sadd.s32 s2, s16  }
0x8e: {  	[smem:$0x3FBF] =	sst s2  }
0x8f: {  	_ = 	snop  }
0x90: {  	(tm) =	ssettm $0x1  }
0x91: {  	s17 =	sld [smem:$0x3FFB];
	_ =	sdelay $0x3  }
0x92: {  	_ =	strace s17  }
0x93: {  	s2 =	sld [smem:$0x3FFC];
	_ =	sdelay $0x3  }
0x94: {  	_ =	strace s2  }
0x95: {  	s2 =	sld [smem:$0x3FFD];
	_ =	sdelay $0x3  }
0x96: {  	_ =	strace s2  }
0x97: {  	_ =	strace $0x8FFFFFFF  }
0x98: {  	s18 =	sld [smem:$0x3FDB];
	_ =	sdelay $0x1  }
0x99: {  	s19 =	simm.s32 $_scs_section_size  }
0x9a: {  	s4 =	simm.s32 $_size__tile_overlayer_lowered;
	s5 =	simm.s32 $_tile_overlayer_lowered  }
0x9b: {  	s22 =	simm.s32 $0x1BFF;
	s21 =	sshll.u32 s5, $0x1;
	s2 =	sadd.s32 s19, s18  }
0x9c: {  	s6 =	simm.s32 $0x0;
	s20 =	sshll.u32 s4, $0x1;
	s4 =	sadd.s32 s21, s2  }
0x9d: {  	[timem:s6], [sflag:s22] =	dma.local [hbm:s4], s20  }
0x9e: {  	_ =	swait.ge [sflag:s22], s20  }
0x9f: {  	s3 =	ssub.s32 $0x0, s20;
	[sflag:s22] =	ssyncset.done $0x0  }
0xa0: {  	[sflag:s22] =	ssyncadd.s32 s3;
	_ =	sdelay $0x1  }
0xa1: {  	s23 =	simm.s32 $0x1B8B  }
0xa2: {  	_ =	swait.ge [sflag:s23], $0x1  }
0xa3: {  	[sflag:s23] =	ssyncset.done $0x0  }
0xa4: {  	s25 =	simm.s32 $0x1B8E;
	s24 =	sld [smem:$0x3FFE];
	[sflag:s23] =	ssyncadd.s32 $0xFFFFFFFF  }
0xa5: {  	s26 =	simm.s32 $execute0_lowered;
	[smem:$0x3FD2] =	sst s25  }
0xa6: {  	s4 =	sshll.u32 s26, $0x1;
	_ =	strace $0x80000049;
	[dreg:$0x1] =	wrdreg $0xFFFFFFFF  }
0xa7: {  	s28 =	simm.s32 $_size_execute0_lowered;
	s2 =	sadd.s32 s2, s4;
	[dreg:$0x0] =	wrdreg $0x0  }
0xa8: {  	s4 =	sshll.u32 s28, $0x1;
	[dreg:$0x2] =	wrdreg s2  }
0xa9: {  	[dreg:$0x3] =	wrdreg s4  }
0xaa: {  	[dreg:$0x4] =	wrdreg $0xC0  }
0xab: {  	_ =	task [dreg:s6], $0x5FFFF  }
0xac: {  	[dreg:$0x1] =	wrdreg $0xFFFFFFFF  }
0xad: {  	[dreg:$0x0] =	wrdreg $0x60  }
0xae: {  	[dreg:$0x2] =	wrdreg s24  }
0xaf: {  	[dreg:$0x3] =	wrdreg $0x0  }
0xb0: {  	[dreg:$0x4] =	wrdreg $0x9  }
0xb1: {  	_ =	task.clear_ibuf [dreg:s6], $0x5FFFF;
	_ =	strace $0x90000049  }
0xb2: {  	s29 =	simm.s32 $0x9;
	_ =	strace $0x8000004B  }
0xb3: {  	_ =	swait.ge [sflag:s29], $0x1  }
0xb4: {  	[sflag:s29] =	ssyncadd.s32 $0xFFFFFFFF  }
0xb5: {  	_ =	strace $0x9000004B  }
0xb6: {  	_ =	sfence  }
0xb7: {  	s30 =	sld [smem:$0x0];
	_ =	sdelay $0x2  }
0xb8: {  	s31 =	sshll.u32 s1, $0xD;
	s1 =	sshrl.u32 s1, $0x2  }
0xb9: {  	s3 =	sand.u32 $0x4000, s31;
	s1 =	sadd.s32 s1, s30  }
0xba: {  	s0 =	sor.u32 s3, s0;
	s1 =	sshll.u32 s1, $0x11  }
0xbb: {  	s0 =	sor.u32 s1, s0  }
0xbc: {  	s0 =	sadd.s32 $0x8F2B, s0  }
0xbd: {  	[sflag:s0] =	ssyncadd.remote.s32 $0x1  }
0xbe: {  	_ =	sfence.sel $0xFFFF  }
0xbf: {  	[dreg:$0x0] =	wrdreg $0xFFFFFFFF;
	(pc) =	sbr.abs _section_cstart, $3  }
0xc0: {  	[dreg:$0x1] =	wrdreg $0xFFFFFFFF  }
0xc1: {  	_ =	task.clear_ibuf [dreg:s6], $0x2FFFF;
	_ =	strace $0x9FFFFFFF  }
0xc2: {  	(tm) =	ssettm $0x7FFFFFFF  }
0xc3: {  	_ =	shalt  }
tec
execute0_lowered:
.L_overlay_start_1:
0x0: {  	(tag) =	ssettag $0x1  }
0x1: {  	s0 =	rddreg [dreg:$0x0]  }
0x2: {  	s2 =	rddreg [dreg:$0x1];
	s3 =	simm.s32 $0x0  }
0x3: {  	s1 =	srdreg.scid;
	s11 =	stileid.u32;
	s28 =	simm.s32 $0x15400  }
0x4: {  	s29 =	simm.s32 $0x80;
	s30 =	simm.s32 $0x14080;
	s31 =	simm.s32 $0x1A800  }
0x5: {  	[smem:$0x7FF] =	sst s3;
	s1 =	sand.u32 $0x1, s1;
	s12 =	smul.u32 $0x14000, s11  }
0x6: {  	s4 =	sshll.u32 s11, $0x1;
	s6 =	sadd.s32 $0x1E00, s0;
	s22 =	smul.u32 $0x50000, s11  }
0x7: {  	s5 =	sor.u32 s1, s4;
	s9 =	ssub.s32 $0x2, s1;
	s1 =	smul.u32 $0x140000, s1  }
0x8: {  	s8 =	sadd.s32 $0xBE00, s0;
	_ =	strace $0x8000004A;
	s7 =	smul.u32 $0x500, s5  }
0x9: {  	s4 =	sadd.s32 $0x15E00, s0;
	s0 =	sadd.s32 $0x3DE00, s0;
	s5 =	smul.u32 $0x2800, s5  }
0xa: {  	s10 =	sshrl.u32 s9, $0x1;
	s24 =	sadd.s32 $0x4000, s12;
	s25 =	sshrl.u32 s22, $0x2  }
0xb: {  	s16 =	sadd.s32 $0x10000, s12;
	s15 =	ssub.s32 s9, s10;
	s21 =	sadd.s32 s12, s1  }
0xc: {  	s26 =	sadd.s32 s1, s24;
	s10 =	sadd.s32 s25, s2;
	s9 =	sadd.s32 s24, s2  }
0xd: {  	s5 =	sshrl.u32 s5, $0x3;
	s20 =	sadd.s32 s6, s7;
	s7 =	sadd.s32 s8, s7  }
0xe: {  	s23 =	sshrl.u32 s21, $0x3;
	s15 =	smax.u32 s15, $0x1;
	s17 =	sadd.s32 $0x8000, s10  }
0xf: {  	s18 =	sadd.s32 $0xC000, s10;
	s19 =	sadd.s32 $0x10000, s10;
	[dreg:$0x3] =	wrdreg s20  }
0x10: {  	s21 =	simm.s32 $0x3;
	[dreg:$0x4] =	wrdreg s7;
	s5 =	sadd.s32 $0x280, s5  }
0x11: {  	s7 =	sshrl.u32 s26, $0x3;
	s26 =	sadd.s32 s16, s2;
	s6 =	sadd.s32 s6, s5  }
0x12: {  	s20 =	simm.s32 $0x16800;
	s5 =	sadd.s32 s8, s5;
	[dreg:$0x5] =	wrdreg s6  }
0x13: {  	s8 =	sadd.s32 $0x8000, s12;
	s11 =	sadd.s32 s0, s7;
	[dreg:$0x6] =	wrdreg s5  }
0x14: {  	s5 =	sadd.s32 s0, s23;
	s22 =	sadd.s32 s1, s8;
	s23 =	sadd.s32 $0xC000, s12  }
0x15: {  	s7 =	sadd.s32 s8, s2;
	[dreg:$0x7] =	wrdreg s5;
	s6 =	sshrl.u32 s22, $0x3  }
0x16: {  	s24 =	sadd.s32 s1, s23;
	s1 =	sadd.s32 s1, s16;
	s25 =	sadd.s32 s23, s2  }
0x17: {  	s16 =	sadd.s32 $0x4000, s10;
	s22 =	sshrl.u32 s9, $0x3;
	s23 =	sshrl.u32 s7, $0x3  }
0x18: {  	s5 =	simm.s32 $0x16700;
	s12 =	sadd.s32 s0, s6;
	s6 =	sshrl.u32 s24, $0x3  }
0x19: {  	s1 =	sshrl.u32 s1, $0x3;
	s24 =	sshrl.u32 s25, $0x3;
	s25 =	sshrl.u32 s26, $0x3  }
0x1a: {  	s26 =	simm.s32 $0x14000;
	s13 =	sadd.s32 s0, s6;
	s14 =	sadd.s32 s0, s1  }
0x1b: {  	v0 =	vimm.f32 $0.0e+00;
	s0 =	simm.s32 $0x1;
	s1 =	simm.s32 $0x2;
	s6 =	simm.s32 $0x16780  }
.LBB2_1:
0x1c: {  	s7 =	simm.s32 $0x0;
	s8 =	simm.s32 $0x200  }
.LBB2_2:
0x1d: {  	p0 =	sne.s32 s8, $0xFE00;
	[tilespmem:s7+$0x16870] =	vst v0  }
0x1e: {  	[tilespmem:s7+$0x16800] =	vst v0  }
0x1f: {  	[tilespmem:s7+$0x16810] =	vst v0  }
.Ltmp0:
0x20: {  	[tilespmem:s7+$0x16820] =	vst v0;
	(pc) =	sbr.rel @p0 .LBB2_2-.Ltmp0, $4  }
0x21: {  	[tilespmem:s7+$0x16830] =	vst v0  }
0x22: {  	[tilespmem:s7+$0x16840] =	vst v0  }
0x23: {  	[tilespmem:s7+$0x16850] =	vst v0  }
0x24: {  	[tilespmem:s7+$0x16860] =	vst v0;
	s7 =	sshra.s32 s8, $0x2;
	s8 =	sadd.s32 $0x200, s8  }
0x25: {  	[tilespmem:s7+$0x16870] =	vst v0  }
0x26: {  	[tilespmem:s7+$0x16800] =	vst v0  }
0x27: {  	[tilespmem:s7+$0x16810] =	vst v0  }
0x28: {  	[tilespmem:s7+$0x16820] =	vst v0  }
0x29: {  	[tilespmem:s7+$0x16830] =	vst v0  }
0x2a: {  	[tilespmem:s7+$0x16840] =	vst v0  }
0x2b: {  	[tilespmem:s7+$0x16850] =	vst v0  }
0x2c: {  	[tilespmem:s7+$0x16860] =	vst v0  }
0x2d: {  	[spmem:s10] =	stream.linear.scatter [tilespmem:s20], [sflag:$0x3], $0x4000, $0x38;
	[tilespmem:$0x1E800] =	vst v63  }
0x2e: {  	_ =	swait.ge [sflag:s21], $0x4000  }
0x2f: {  	[sflag:s21] =	ssyncset.done $0x0  }
0x30: {  	[sflag:s21] =	ssyncadd.s32 $0xFFFFC000  }
0x31: {  	[spmem:s16] =	stream.linear.scatter [tilespmem:s20], [sflag:$0x3], $0x4000, $0x38;
	[tilespmem:$0x1E800] =	vst v63  }
0x32: {  	_ =	swait.ge [sflag:s21], $0x4000  }
0x33: {  	[sflag:s21] =	ssyncset.done $0x0  }
0x34: {  	[sflag:s21] =	ssyncadd.s32 $0xFFFFC000  }
0x35: {  	[spmem:s17] =	stream.linear.scatter [tilespmem:s20], [sflag:$0x3], $0x4000, $0x38;
	[tilespmem:$0x1E800] =	vst v63  }
0x36: {  	_ =	swait.ge [sflag:s21], $0x4000  }
0x37: {  	[sflag:s21] =	ssyncset.done $0x0  }
0x38: {  	[sflag:s21] =	ssyncadd.s32 $0xFFFFC000  }
0x39: {  	[spmem:s18] =	stream.linear.scatter [tilespmem:s20], [sflag:$0x3], $0x4000, $0x38;
	[tilespmem:$0x1E800] =	vst v63  }
0x3a: {  	_ =	swait.ge [sflag:s21], $0x4000  }
0x3b: {  	[sflag:s21] =	ssyncset.done $0x0  }
0x3c: {  	[sflag:s21] =	ssyncadd.s32 $0xFFFFC000  }
0x3d: {  	[spmem:s19] =	stream.linear.scatter [tilespmem:s20], [sflag:$0x3], $0x4000, $0x38;
	[tilespmem:$0x1E800] =	vst v63  }
0x3e: {  	_ =	swait.ge [sflag:s21], $0x4000  }
0x3f: {  	[sflag:s21] =	ssyncset.done $0x0  }
0x40: {  	[sflag:s21] =	ssyncadd.s32 $0xFFFFC000  }
0x41: {  	[bflag:$0x0] =	sbarrier.arrive $0xFFFF  }
0x42: {  	s7 =	simm.s32 $0x0;
	s8 =	rddreg [dreg:$0x3]  }
0x43: {  	[tilespmem:s26], [sflag:$0x3] =	stream.linear.gather [hbm4b:s8+s7], $0x1400, $0x38;
	[tilespmem:$0x1E800] =	vst v63  }
0x44: {  	_ =	swait.ge [sflag:s21], $0x1400  }
0x45: {  	[sflag:s21] =	ssyncset.done $0x0  }
0x46: {  	s9 =	rddreg [dreg:$0x4];
	[sflag:s21] =	ssyncadd.s32 $0xFFFFEC00  }
0x47: {  	[tilespmem:s28], [sflag:$0x3] =	stream.linear.gather [hbm4b:s9+s7], $0x1400, $0x38;
	[tilespmem:$0x1E800] =	vst v63  }
0x48: {  	_ =	swait.ge [sflag:s21], $0x1400  }
0x49: {  	[sflag:s21] =	ssyncset.done $0x0  }
0x4a: {  	[sflag:s21] =	ssyncadd.s32 $0xFFFFEC00  }
0x4b: {  	[tilespmem:s20], [sflag:$0x1] =	stream.indirect.gather [hbm4b:s4+s29], $0x80, s26, s29, $0xb8;
	[tilespmem:$0x1E800] =	vst v63  }
0x4c: {  	_ = 	snop  }
0x4d: {  	[tilespmem:s31], [sflag:$0x2] =	stream.indirect.gather [hbm4b:s4+s29], $0x80, s30, s29, $0xb8;
	[tilespmem:$0x1E800] =	vst v63  }
0x4e: {  	_ =	swait.ge [sflag:s0], $0x4000  }
0x4f: {  	[sflag:s0] =	ssyncset.done $0x0  }
0x50: {  	s9 =	simm.s32 $0x15400;
	[sflag:s0] =	ssyncadd.s32 $0xFFFFC000  }
0x51: {  	[spmem:s2] =	stream.indirect.scatter.add.f32 [tilespmem:s20], [sflag:$0x3], $0x80, s9, s29, $0xb8;
	[tilespmem:$0x1E800] =	vst v63  }
0x52: {  	_ =	swait.ge [sflag:s21], $0x4000  }
0x53: {  	[sflag:s21] =	ssyncset.done $0x0  }
0x54: {  	s8 =	simm.s32 $0x14100;
	[sflag:s21] =	ssyncadd.s32 $0xFFFFC000  }
0x55: {  	[tilespmem:s20], [sflag:$0x1] =	stream.indirect.gather [hbm4b:s4+s29], $0x80, s8, s29, $0xb8;
	[tilespmem:$0x1E800] =	vst v63  }
0x56: {  	_ =	swait.ge [sflag:s1], $0x4000  }
0x57: {  	[sflag:s1] =	ssyncset.done $0x0  }
0x58: {  	s9 =	simm.s32 $0x15480;
	[sflag:s1] =	ssyncadd.s32 $0xFFFFC000  }
0x59: {  	[spmem:s2] =	stream.indirect.scatter.add.f32 [tilespmem:s31], [sflag:$0x3], $0x80, s9, s29, $0xb8;
	[tilespmem:$0x1E800] =	vst v63  }
0x5a: {  	_ =	swait.ge [sflag:s21], $0x4000  }
0x5b: {  	[sflag:s21] =	ssyncset.done $0x0  }
0x5c: {  	s7 =	simm.s32 $0x400;
	s8 =	simm.s32 $0x14180;
	[sflag:s21] =	ssyncadd.s32 $0xFFFFC000  }
.LBB2_4:
0x5d: {  	[tilespmem:s31], [sflag:$0x2] =	stream.indirect.gather [hbm4b:s4+s29], $0x80, s8, s29, $0xb8;
	[tilespmem:$0x1E800] =	vst v63  }
0x5e: {  	s8 =	smov.u32 s7  }
0x5f: {  	p0 =	sne.s32 s7, $0x4800;
	s7 =	sadd.s32 $0x400, s7;
	_ =	swait.ge [sflag:s0], $0x4000  }
0x60: {  	s8 =	sshra.s32 s8, $0x2;
	[sflag:s0] =	ssyncset.done $0x0  }
0x61: {  	s9 =	sadd.s32 $0x15400, s8;
	[sflag:s0] =	ssyncadd.s32 $0xFFFFC000  }
0x62: {  	[spmem:s2] =	stream.indirect.scatter.add.f32 [tilespmem:s20], [sflag:$0x3], $0x80, s9, s29, $0xb8;
	[tilespmem:$0x1E800] =	vst v63  }
0x63: {  	_ =	swait.ge [sflag:s21], $0x4000  }
0x64: {  	[sflag:s21] =	ssyncset.done $0x0  }
0x65: {  	s9 =	sadd.s32 $0x14100, s8;
	[sflag:s21] =	ssyncadd.s32 $0xFFFFC000  }
0x66: {  	[tilespmem:s20], [sflag:$0x1] =	stream.indirect.gather [hbm4b:s4+s29], $0x80, s9, s29, $0xb8;
	[tilespmem:$0x1E800] =	vst v63  }
0x67: {  	_ =	swait.ge [sflag:s1], $0x4000  }
0x68: {  	[sflag:s1] =	ssyncset.done $0x0  }
.Ltmp1:
0x69: {  	s9 =	sadd.s32 $0x15480, s8;
	[sflag:s1] =	ssyncadd.s32 $0xFFFFC000;
	(pc) =	sbr.rel @p0 .LBB2_4-.Ltmp1, $4  }
0x6a: {  	[spmem:s2] =	stream.indirect.scatter.add.f32 [tilespmem:s31], [sflag:$0x3], $0x80, s9, s29, $0xb8;
	[tilespmem:$0x1E800] =	vst v63  }
0x6b: {  	_ =	swait.ge [sflag:s21], $0x4000  }
0x6c: {  	[sflag:s21] =	ssyncset.done $0x0  }
0x6d: {  	s8 =	sadd.s32 $0x14180, s8;
	[sflag:s21] =	ssyncadd.s32 $0xFFFFC000  }
0x6e: {  	[tilespmem:s31], [sflag:$0x2] =	stream.indirect.gather [hbm4b:s4+s29], $0x80, s8, s29, $0xb8;
	[tilespmem:$0x1E800] =	vst v63  }
0x6f: {  	_ =	swait.ge [sflag:s0], $0x4000  }
0x70: {  	[sflag:s0] =	ssyncset.done $0x0  }
0x71: {  	[sflag:s0] =	ssyncadd.s32 $0xFFFFC000  }
0x72: {  	[spmem:s2] =	stream.indirect.scatter.add.f32 [tilespmem:s20], [sflag:$0x3], $0x80, s5, s29, $0xb8;
	[tilespmem:$0x1E800] =	vst v63  }
0x73: {  	_ =	swait.ge [sflag:s21], $0x4000  }
0x74: {  	[sflag:s21] =	ssyncset.done $0x0  }
0x75: {  	[sflag:s21] =	ssyncadd.s32 $0xFFFFC000  }
0x76: {  	_ =	swait.ge [sflag:s1], $0x4000  }
0x77: {  	[sflag:s1] =	ssyncset.done $0x0  }
0x78: {  	[sflag:s1] =	ssyncadd.s32 $0xFFFFC000  }
0x79: {  	[spmem:s2] =	stream.indirect.scatter.add.f32 [tilespmem:s31], [sflag:$0x3], $0x80, s6, s29, $0xb8;
	[tilespmem:$0x1E800] =	vst v63  }
0x7a: {  	_ =	swait.ge [sflag:s21], $0x4000  }
0x7b: {  	[sflag:s21] =	ssyncset.done $0x0  }
0x7c: {  	s7 =	simm.s32 $0x0;
	s9 =	rddreg [dreg:$0x5];
	[sflag:s21] =	ssyncadd.s32 $0xFFFFC000  }
0x7d: {  	[tilespmem:s26], [sflag:$0x3] =	stream.linear.gather [hbm4b:s9+s7], $0x1400, $0x38;
	[tilespmem:$0x1E800] =	vst v63  }
0x7e: {  	_ =	swait.ge [sflag:s21], $0x1400  }
0x7f: {  	[sflag:s21] =	ssyncset.done $0x0  }
0x80: {  	s9 =	rddreg [dreg:$0x6];
	[sflag:s21] =	ssyncadd.s32 $0xFFFFEC00  }
0x81: {  	[tilespmem:s28], [sflag:$0x3] =	stream.linear.gather [hbm4b:s9+s7], $0x1400, $0x38;
	[tilespmem:$0x1E800] =	vst v63  }
0x82: {  	_ =	swait.ge [sflag:s21], $0x1400  }
0x83: {  	[sflag:s21] =	ssyncset.done $0x0  }
0x84: {  	[sflag:s21] =	ssyncadd.s32 $0xFFFFEC00  }
0x85: {  	[tilespmem:s20], [sflag:$0x1] =	stream.indirect.gather [hbm4b:s4+s29], $0x80, s26, s29, $0xb8;
	[tilespmem:$0x1E800] =	vst v63  }
0x86: {  	_ = 	snop  }
0x87: {  	[tilespmem:s31], [sflag:$0x2] =	stream.indirect.gather [hbm4b:s4+s29], $0x80, s30, s29, $0xb8;
	[tilespmem:$0x1E800] =	vst v63  }
0x88: {  	_ =	swait.ge [sflag:s0], $0x4000  }
0x89: {  	[sflag:s0] =	ssyncset.done $0x0  }
0x8a: {  	s9 =	simm.s32 $0x15400;
	[sflag:s0] =	ssyncadd.s32 $0xFFFFC000  }
0x8b: {  	[spmem:s2] =	stream.indirect.scatter.add.f32 [tilespmem:s20], [sflag:$0x3], $0x80, s9, s29, $0xb8;
	[tilespmem:$0x1E800] =	vst v63  }
0x8c: {  	_ =	swait.ge [sflag:s21], $0x4000  }
0x8d: {  	[sflag:s21] =	ssyncset.done $0x0  }
0x8e: {  	s8 =	simm.s32 $0x14100;
	[sflag:s21] =	ssyncadd.s32 $0xFFFFC000  }
0x8f: {  	[tilespmem:s20], [sflag:$0x1] =	stream.indirect.gather [hbm4b:s4+s29], $0x80, s8, s29, $0xb8;
	[tilespmem:$0x1E800] =	vst v63  }
0x90: {  	_ =	swait.ge [sflag:s1], $0x4000  }
0x91: {  	[sflag:s1] =	ssyncset.done $0x0  }
0x92: {  	s9 =	simm.s32 $0x15480;
	[sflag:s1] =	ssyncadd.s32 $0xFFFFC000  }
0x93: {  	[spmem:s2] =	stream.indirect.scatter.add.f32 [tilespmem:s31], [sflag:$0x3], $0x80, s9, s29, $0xb8;
	[tilespmem:$0x1E800] =	vst v63  }
0x94: {  	_ =	swait.ge [sflag:s21], $0x4000  }
0x95: {  	[sflag:s21] =	ssyncset.done $0x0  }
0x96: {  	s7 =	simm.s32 $0x400;
	s8 =	simm.s32 $0x14180;
	[sflag:s21] =	ssyncadd.s32 $0xFFFFC000  }
.LBB2_6:
0x97: {  	[tilespmem:s31], [sflag:$0x2] =	stream.indirect.gather [hbm4b:s4+s29], $0x80, s8, s29, $0xb8;
	[tilespmem:$0x1E800] =	vst v63  }
0x98: {  	s8 =	smov.u32 s7  }
0x99: {  	p0 =	sne.s32 s7, $0x4800;
	s7 =	sadd.s32 $0x400, s7;
	_ =	swait.ge [sflag:s0], $0x4000  }
0x9a: {  	s8 =	sshra.s32 s8, $0x2;
	[sflag:s0] =	ssyncset.done $0x0  }
0x9b: {  	s9 =	sadd.s32 $0x15400, s8;
	[sflag:s0] =	ssyncadd.s32 $0xFFFFC000  }
0x9c: {  	[spmem:s2] =	stream.indirect.scatter.add.f32 [tilespmem:s20], [sflag:$0x3], $0x80, s9, s29, $0xb8;
	[tilespmem:$0x1E800] =	vst v63  }
0x9d: {  	_ =	swait.ge [sflag:s21], $0x4000  }
0x9e: {  	[sflag:s21] =	ssyncset.done $0x0  }
0x9f: {  	s9 =	sadd.s32 $0x14100, s8;
	[sflag:s21] =	ssyncadd.s32 $0xFFFFC000  }
0xa0: {  	[tilespmem:s20], [sflag:$0x1] =	stream.indirect.gather [hbm4b:s4+s29], $0x80, s9, s29, $0xb8;
	[tilespmem:$0x1E800] =	vst v63  }
0xa1: {  	_ =	swait.ge [sflag:s1], $0x4000  }
0xa2: {  	[sflag:s1] =	ssyncset.done $0x0  }
.Ltmp2:
0xa3: {  	s9 =	sadd.s32 $0x15480, s8;
	[sflag:s1] =	ssyncadd.s32 $0xFFFFC000;
	(pc) =	sbr.rel @p0 .LBB2_6-.Ltmp2, $4  }
0xa4: {  	[spmem:s2] =	stream.indirect.scatter.add.f32 [tilespmem:s31], [sflag:$0x3], $0x80, s9, s29, $0xb8;
	[tilespmem:$0x1E800] =	vst v63  }
0xa5: {  	_ =	swait.ge [sflag:s21], $0x4000  }
0xa6: {  	[sflag:s21] =	ssyncset.done $0x0  }
0xa7: {  	s8 =	sadd.s32 $0x14180, s8;
	[sflag:s21] =	ssyncadd.s32 $0xFFFFC000  }
0xa8: {  	[tilespmem:s31], [sflag:$0x2] =	stream.indirect.gather [hbm4b:s4+s29], $0x80, s8, s29, $0xb8;
	[tilespmem:$0x1E800] =	vst v63  }
0xa9: {  	_ =	swait.ge [sflag:s0], $0x4000  }
0xaa: {  	[sflag:s0] =	ssyncset.done $0x0  }
0xab: {  	[sflag:s0] =	ssyncadd.s32 $0xFFFFC000  }
0xac: {  	[spmem:s2] =	stream.indirect.scatter.add.f32 [tilespmem:s20], [sflag:$0x3], $0x80, s5, s29, $0xb8;
	[tilespmem:$0x1E800] =	vst v63  }
0xad: {  	_ =	swait.ge [sflag:s21], $0x4000  }
0xae: {  	[sflag:s21] =	ssyncset.done $0x0  }
0xaf: {  	[sflag:s21] =	ssyncadd.s32 $0xFFFFC000  }
0xb0: {  	_ =	swait.ge [sflag:s1], $0x4000  }
0xb1: {  	[sflag:s1] =	ssyncset.done $0x0  }
0xb2: {  	[sflag:s1] =	ssyncadd.s32 $0xFFFFC000  }
0xb3: {  	[spmem:s2] =	stream.indirect.scatter.add.f32 [tilespmem:s31], [sflag:$0x3], $0x80, s6, s29, $0xb8;
	[tilespmem:$0x1E800] =	vst v63  }
0xb4: {  	_ =	swait.ge [sflag:s21], $0x4000  }
0xb5: {  	[sflag:s21] =	ssyncset.done $0x0  }
0xb6: {  	s7 =	stileid.u32;
	[sflag:s21] =	ssyncadd.s32 $0xFFFFC000  }
0xb7: {  	s7 =	sshll.u32 s7, $0x6;
	[bflag:$0x0] =	sbarrier.arrive $0xFFFF  }
0xb8: {  	s8 =	sshrl.u32 s10, $0x3;
	s7 =	sor.u32 $0x1C01, s7;
	s9 =	rddreg [dreg:$0x7]  }
0xb9: {  	[hbm:s9], [sflag:s7] =	dma.local [spmem:s8], $0x800  }
0xba: {  	[hbm:s11], [sflag:s7] =	dma.local [spmem:s22], $0x800  }
0xbb: {  	[hbm:s12], [sflag:s7] =	dma.local [spmem:s23], $0x800  }
0xbc: {  	[hbm:s13], [sflag:s7] =	dma.local [spmem:s24], $0x800  }
0xbd: {  	[hbm:s14], [sflag:s7] =	dma.local [spmem:s25], $0x800  }
0xbe: {  	_ =	swait.ge [sflag:s0], $0x800  }
0xbf: {  	[sflag:s0] =	ssyncset.done $0x0  }
0xc0: {  	[sflag:s0] =	ssyncadd.s32 $0xFFFFF800  }
0xc1: {  	_ =	swait.ge [sflag:s0], $0x800  }
0xc2: {  	[sflag:s0] =	ssyncset.done $0x0  }
0xc3: {  	[sflag:s0] =	ssyncadd.s32 $0xFFFFF800  }
0xc4: {  	_ =	swait.ge [sflag:s0], $0x800  }
0xc5: {  	[sflag:s0] =	ssyncset.done $0x0  }
0xc6: {  	s3 =	sadd.s32 $0x1, s3;
	[sflag:s0] =	ssyncadd.s32 $0xFFFFF800  }
0xc7: {  	p0 =	sne.s32 s3, s15;
	_ =	swait.ge [sflag:s0], $0x800  }
.Ltmp3:
0xc8: {  	[sflag:s0] =	ssyncset.done $0x0;
	(pc) =	sbr.rel @p0 .LBB2_1-.Ltmp3, $4  }
0xc9: {  	[sflag:s0] =	ssyncadd.s32 $0xFFFFF800  }
0xca: {  	_ =	swait.ge [sflag:s0], $0x800  }
0xcb: {  	[sflag:s0] =	ssyncset.done $0x0  }
0xcc: {  	[sflag:s0] =	ssyncadd.s32 $0xFFFFF800  }
0xcd: {  	_ =	sfence.sel $0x180000  }
0xce: {  	[bflag:$0x0] =	sbarrier.arrive $0xFFFF  }
0xcf: {  	_ =	strace $0x9000004A  }
0xd0: {  	s0 =	stileid.u32;
	[bflag:$0x2] =	sbarrier.arrive $0xFFFF  }
0xd1: {  	p0 =	sne.s32 s0, $0x0;
	s0 =	rddreg [dreg:$0x2]  }
0xd2: {  	s0 =	sadd.s32 @!p0 $0x100000, s0  }
0xd3: {  	[sflag:s0] =	ssyncadd.tile.s32 @!p0 $0x1;
	_ =	shalt  }
.Lfunc_end2:
_tile_overlayer_lowered:
.L_overlay_start_2:
0xd4: {  	(tag) =	ssettag $0x2  }
0xd5: {  	s0 =	rddreg [dreg:$0x0];
	s2 =	stileid.u32  }
0xd6: {  	s1 =	rddreg [dreg:$0x1];
	p0 =	sne.s32 s2, $0x0  }
0xd7: {  	s3 =	rddreg [dreg:$0x2];
	[bflag:$0x3] =	sbarrier.arrive $0xFFFF;
	s2 =	simm.s32 @!p0 $0x1C03  }
0xd8: {  	[timem:s3], [sflag:s2] =	dma.local @!p0 [hbm:s0], s1  }
0xd9: {  	s0 =	simm.s32 @!p0 $0x3  }
0xda: {  	_ =	swait.ge @!p0 [sflag:s0], s1  }
0xdb: {  	s1 =	ssub.s32 @!p0 $0x0, s1;
	[sflag:s0] =	ssyncset.done @!p0 $0x0  }
0xdc: {  	[sflag:s0] =	ssyncadd.s32 @!p0 s1  }
0xdd: {  	[bflag:$0x3] =	sbarrier.arrive $0xFFFF  }
0xde: {  	_ =	shalt  }

// kernel: kernel.14.cloned.1.call-start
scs
__scs_entry_jumppad:
0x0: {  	(pc) =	sbr.rel $0x88, $3  }
0x1: {  	(tag) =	ssettag $0x0;
	lr =	simm.s32 $0x1  }
0x2: {  	[smem:$0x3F98] =	sst lr;
	_ =	strace $0xD0000000  }
0x3: {  	_ = 	snop  }
0x4: {  	_ = 	snop  }
0x5: {  	_ = 	snop  }
0x6: {  	_ = 	snop  }
0x7: {  	_ = 	snop  }
__scs_overlays_trampoline_lowered:
0x8: {  	[smem:$0x3FA7] =	sst s0  }
0x9: {  	[smem:$0x3FA8] =	sst s1  }
0xa: {  	[smem:$0x3FA9] =	sst s2  }
0xb: {  	[smem:$0x3FAA] =	sst s3  }
0xc: {  	[smem:$0x3FAB] =	sst s4  }
0xd: {  	[smem:$0x3FAC] =	sst s5  }
0xe: {  	[smem:$0x3FAD] =	sst s6  }
0xf: {  	[smem:$0x3FAE] =	sst s7  }
0x10: {  	[smem:$0x3FAF] =	sst s8  }
0x11: {  	[smem:$0x3FB0] =	sst s9;
	s0 =	simm.s32 @!p0 $0x0  }
0x12: {  	s1 =	sld [smem:$0x3F96];
	s0 =	simm.s32 @p0 $0x1  }
0x13: {  	[smem:$0x3FB1] =	sst s0;
	s0 =	simm.s32 @!p1 $0x0  }
0x14: {  	s2 =	sld [smem:$0x3F95];
	s0 =	simm.s32 @p1 $0x1  }
0x15: {  	[smem:$0x3FB2] =	sst s0;
	s0 =	simm.s32 @!p2 $0x0  }
0x16: {  	s3 =	sld [smem:$0x3FDB];
	s0 =	simm.s32 @p2 $0x1  }
0x17: {  	s4 =	simm.s32 $0x1BF5;
	[smem:$0x3FB4] =	sst s0  }
0x18: {  	s0 =	sld [smem:$0x3F97];
	_ =	swait.ge [sflag:s4], $0x0  }
0x19: {  	s7 =	sld [smem:$0x3F98]  }
0x1a: {  	s8 =	sadd.s32 $0xFFFFE003, lr  }
0x1b: {  	s9 =	sadd.s32 $0xFFFFFEF7, lr;
	s5 =	simm.s32 $0xFFFFFFFF;
	p2 =	slt.u32 s8, $0xFFFFF086  }
0x1c: {  	p1 =	slt.u32 s9, $0xF7A;
	s5 =	simm.s32 @!p2 $0x0  }
0x1d: {  	s5 =	simm.s32 @p1 $0x1;
	p0 =	seq.s32 s7, s2  }
0x1e: {  	s7 =	smul.u32 @!p0 $0xF7A, s2;
	p2 =	seq.s32 @!p0 s5, $0x0  }
0x1f: {  	s9 =	smul.u32 $0xF7A, s1;
	s8 =	simm.s32 @!p0 $0x1BF5;
	p2 =	por !p2, p0  }
0x20: {  	[sflag:s8] =	ssyncset.s32 @!p0 $0xFFFFF086;
	s6 =	sadd.s32 @!p0 s3, s7;
	s7 =	simm.s32 @!p0 $0x108  }
0x21: {  	s3 =	sadd.s32 s3, s9;
	s6 =	sadd.s32 @!p0 $0x88, s6;
	s7 =	simm.s32 @p2 $0x1082  }
0x22: {  	[simem:s7], [sflag:s8] =	dma.local @!p0 [hbm:s6], $0xF7A  }
0x23: {  	s9 =	sor.u32 $0xD0000000, s2;
	s6 =	simm.s32 $0x108;
	_ =	swait.ge @!p0 [sflag:s8], $0x0  }
0x24: {  	s3 =	sadd.s32 $0x88, s3;
	s6 =	simm.s32 @!p1 $0x1082;
	[sflag:s4] =	ssyncset.s32 $0xFFFFF086  }
0x25: {  	[simem:s6], [sflag:s4] =	dma.local [hbm:s3], $0xF7A  }
0x26: {  	[smem:$0x3F98] =	sst s1;
	(tag) =	ssettag s2;
	_ =	strace s9  }
0x27: {  	s1 =	sld [smem:$0x3FA8]  }
0x28: {  	s2 =	sld [smem:$0x3FA9]  }
0x29: {  	s4 =	sld [smem:$0x3FAB]  }
0x2a: {  	p0 =	seq.s32 s5, $0x0;
	s5 =	sld [smem:$0x3FAC]  }
0x2b: {  	s6 =	sld [smem:$0x3FAD]  }
0x2c: {  	s7 =	sld [smem:$0x3FAE]  }
0x2d: {  	s3 =	simm.s32 $0x108;
	s8 =	sld [smem:$0x3FAF]  }
0x2e: {  	s3 =	simm.s32 @!p0 $0x1082;
	s9 =	sld [smem:$0x3FB0]  }
0x2f: {  	lr =	sadd.s32 s0, s3;
	s0 =	sld [smem:$0x3FA7]  }
0x30: {  	s3 =	sld [smem:$0x3FAA]  }
0x31: {  	[smem:$0x3FB3] =	sst s10  }
0x32: {  	s10 =	sld [smem:$0x3FB1];
	_ =	sdelay $0x3  }
0x33: {  	p0 =	seq.s32 s10, $0x1;
	s10 =	sld [smem:$0x3FB3];
	_ =	sdelay $0x3  }
0x34: {  	[smem:$0x3FB3] =	sst s10  }
0x35: {  	s10 =	sld [smem:$0x3FB2];
	_ =	sdelay $0x3  }
0x36: {  	p1 =	seq.s32 s10, $0x1;
	s10 =	sld [smem:$0x3FB3];
	_ =	sdelay $0x3  }
0x37: {  	[smem:$0x3FB3] =	sst s10  }
0x38: {  	s10 =	sld [smem:$0x3FB4]  }
0x39: {  	_ = 	snop;
	(pc) =	sbr.ind lr, $3  }
0x3a: {  	_ = 	snop  }
0x3b: {  	_ = 	snop  }
0x3c: {  	p2 =	seq.s32 s10, $0x1;
	s10 =	sld [smem:$0x3FB3]  }
0x3d: {  	_ =	shalt  }
0x3e: {  	_ =	shalt  }
0x3f: {  	_ =	shalt  }
0x40: {  	_ =	shalt  }
0x41: {  	_ =	shalt  }
0x42: {  	_ =	shalt  }
0x43: {  	_ =	shalt  }
0x44: {  	_ =	shalt  }
0x45: {  	_ =	shalt  }
0x46: {  	_ =	shalt  }
0x47: {  	_ =	shalt  }
0x48: {  	_ =	shalt  }
0x49: {  	_ =	shalt  }
0x4a: {  	_ =	shalt  }
0x4b: {  	_ =	shalt  }
0x4c: {  	_ =	shalt  }
0x4d: {  	_ =	shalt  }
0x4e: {  	_ =	shalt  }
0x4f: {  	_ =	shalt  }
0x50: {  	_ =	shalt  }
0x51: {  	_ =	shalt  }
0x52: {  	_ =	shalt  }
0x53: {  	_ =	shalt  }
0x54: {  	_ =	shalt  }
0x55: {  	_ =	shalt  }
0x56: {  	_ =	shalt  }
0x57: {  	_ =	shalt  }
0x58: {  	_ =	shalt  }
0x59: {  	_ =	shalt  }
0x5a: {  	_ =	shalt  }
0x5b: {  	_ =	shalt  }
0x5c: {  	_ =	shalt  }
0x5d: {  	_ =	shalt  }
0x5e: {  	_ =	shalt  }
0x5f: {  	_ =	shalt  }
0x60: {  	_ =	shalt  }
0x61: {  	_ =	shalt  }
0x62: {  	_ =	shalt  }
0x63: {  	_ =	shalt  }
0x64: {  	_ =	shalt  }
0x65: {  	_ =	shalt  }
0x66: {  	_ =	shalt  }
0x67: {  	_ =	shalt  }
0x68: {  	_ =	shalt  }
0x69: {  	_ =	shalt  }
0x6a: {  	_ =	shalt  }
0x6b: {  	_ =	shalt  }
0x6c: {  	_ =	shalt  }
0x6d: {  	_ =	shalt  }
0x6e: {  	_ =	shalt  }
0x6f: {  	_ =	shalt  }
0x70: {  	_ =	shalt  }
0x71: {  	_ =	shalt  }
0x72: {  	_ =	shalt  }
0x73: {  	_ =	shalt  }
0x74: {  	_ =	shalt  }
0x75: {  	_ =	shalt  }
0x76: {  	_ =	shalt  }
0x77: {  	_ =	shalt  }
0x78: {  	_ =	shalt  }
0x79: {  	_ =	shalt  }
0x7a: {  	_ =	shalt  }
0x7b: {  	_ =	shalt  }
0x7c: {  	_ =	shalt  }
0x7d: {  	_ =	shalt  }
0x7e: {  	_ =	shalt  }
0x7f: {  	_ =	shalt  }
0x80: {  	_ =	shalt  }
0x81: {  	_ =	shalt  }
0x82: {  	_ =	shalt  }
0x83: {  	_ =	shalt  }
0x84: {  	_ =	shalt  }
0x85: {  	_ =	shalt  }
0x86: {  	_ =	shalt  }
0x87: {  	_ =	shalt  }
.Lfunc_end0:
.L_simem_size_0:
called_computation.2_lowered:
.L_overlay_start_0:
0x88: {  	s2 =	sld [smem:$0x3FD9]  }
0x89: {  	s3 =	sld [smem:$0x3FFE];
	_ =	sdelay $0x1  }
0x8a: {  	s1 =	srdreg.scid  }
0x8b: {  	s0 =	sand.u32 $0x1, s1  }
0x8c: {  	s17 =	sshll.u32 s0, $0xA;
	s2 =	sadd.s32 s3, s2  }
0x8d: {  	s2 =	sadd.s32 s2, s17  }
0x8e: {  	[smem:$0x3FBF] =	sst s2  }
0x8f: {  	_ = 	snop  }
0x90: {  	s2 =	sld [smem:$0x3FD0];
	(tm) =	ssettm $0x1  }
0x91: {  	s18 =	sld [smem:$0x3FFB];
	_ =	sdelay $0x3  }
0x92: {  	_ =	strace s18  }
0x93: {  	s3 =	sld [smem:$0x3FFC];
	_ =	sdelay $0x3  }
0x94: {  	_ =	strace s3  }
0x95: {  	s3 =	sld [smem:$0x3FFD];
	_ =	sdelay $0x3  }
0x96: {  	_ =	strace s3  }
0x97: {  	_ =	strace $0x8FFFFFFF  }
0x98: {  	s19 =	sld [smem:$0x3FDB];
	_ =	sdelay $0x1  }
0x99: {  	s4 =	simm.s32 $_scs_section_size  }
0x9a: {  	s5 =	simm.s32 $_size__tile_overlayer_lowered;
	s6 =	simm.s32 $_tile_overlayer_lowered  }
0x9b: {  	s22 =	simm.s32 $0x1BFF;
	s21 =	sshll.u32 s6, $0x1;
	s3 =	sadd.s32 s4, s19  }
0x9c: {  	s7 =	simm.s32 $0x0;
	s20 =	sshll.u32 s5, $0x1;
	s5 =	sadd.s32 s21, s3  }
0x9d: {  	[timem:s7], [sflag:s22] =	dma.local [hbm:s5], s20  }
0x9e: {  	_ =	swait.ge [sflag:s22], s20  }
0x9f: {  	s4 =	ssub.s32 $0x0, s20;
	[sflag:s22] =	ssyncset.done $0x0  }
0xa0: {  	[sflag:s22] =	ssyncadd.s32 s4;
	_ =	sdelay $0x1  }
0xa1: {  	s23 =	simm.s32 $0x1B8B  }
0xa2: {  	_ =	swait.ge [sflag:s23], $0x1  }
0xa3: {  	[sflag:s23] =	ssyncset.done $0x0  }
0xa4: {  	s25 =	simm.s32 $0x1B8E;
	s24 =	sld [smem:$0x3FFE];
	[sflag:s23] =	ssyncadd.s32 $0xFFFFFFFF  }
0xa5: {  	s26 =	simm.s32 $execute0_lowered;
	[smem:$0x3FD2] =	sst s25  }
0xa6: {  	s5 =	sshll.u32 s26, $0x1;
	_ =	strace $0x8000004C;
	[dreg:$0x1] =	wrdreg $0xFFFFFFFF  }
0xa7: {  	s28 =	simm.s32 $_size_execute0_lowered;
	s3 =	sadd.s32 s3, s5;
	[dreg:$0x0] =	wrdreg $0x0  }
0xa8: {  	s5 =	sshll.u32 s28, $0x1;
	[dreg:$0x2] =	wrdreg s3  }
0xa9: {  	[dreg:$0x3] =	wrdreg s5  }
0xaa: {  	[dreg:$0x4] =	wrdreg $0xC0  }
0xab: {  	_ =	task [dreg:s7], $0x5FFFF  }
0xac: {  	[dreg:$0x1] =	wrdreg $0xFFFFFFFF  }
0xad: {  	[dreg:$0x0] =	wrdreg $0x60  }
0xae: {  	[dreg:$0x2] =	wrdreg s24  }
0xaf: {  	[dreg:$0x3] =	wrdreg s2  }
0xb0: {  	[dreg:$0x4] =	wrdreg $0x9  }
0xb1: {  	_ =	task.clear_ibuf [dreg:s7], $0x5FFFF;
	_ =	strace $0x9000004C  }
0xb2: {  	s29 =	simm.s32 $0x9;
	_ =	strace $0x8000004E  }
0xb3: {  	_ =	swait.ge [sflag:s29], $0x1  }
0xb4: {  	[sflag:s29] =	ssyncadd.s32 $0xFFFFFFFF  }
0xb5: {  	_ =	strace $0x9000004E  }
0xb6: {  	_ =	sfence  }
0xb7: {  	s30 =	sld [smem:$0x0];
	_ =	sdelay $0x2  }
0xb8: {  	s31 =	sshll.u32 s1, $0xD;
	s1 =	sshrl.u32 s1, $0x2  }
0xb9: {  	s3 =	sand.u32 $0x4000, s31;
	s1 =	sadd.s32 s1, s30  }
0xba: {  	s0 =	sor.u32 s3, s0;
	s1 =	sshll.u32 s1, $0x11  }
0xbb: {  	s0 =	sor.u32 s1, s0  }
0xbc: {  	s0 =	sadd.s32 $0x8F2B, s0  }
0xbd: {  	[sflag:s0] =	ssyncadd.remote.s32 $0x1  }
0xbe: {  	_ =	sfence.sel $0xFFFF  }
0xbf: {  	[dreg:$0x0] =	wrdreg $0xFFFFFFFF;
	(pc) =	sbr.abs _section_cstart, $3  }
0xc0: {  	[dreg:$0x1] =	wrdreg $0xFFFFFFFF  }
0xc1: {  	_ =	task.clear_ibuf [dreg:s7], $0x2FFFF;
	_ =	strace $0x9FFFFFFF  }
0xc2: {  	(tm) =	ssettm $0x7FFFFFFF  }
0xc3: {  	_ =	shalt  }
tec
execute0_lowered:
.L_overlay_start_1:
0x0: {  	(tag) =	ssettag $0x1  }
0x1: {  	s4 =	rddreg [dreg:$0x0];
	s1 =	srdreg.scid  }
0x2: {  	s0 =	stileid.u32;
	s5 =	rddreg [dreg:$0x1]  }
0x3: {  	s2 =	simm.s32 $0x0;
	s10 =	simm.s32 $0x100;
	s11 =	simm.s32 $0x2800  }
0x4: {  	s12 =	simm.s32 $0x5000;
	s13 =	simm.s32 $0x5C80;
	s14 =	simm.s32 $0x1  }
0x5: {  	s15 =	simm.s32 $0x6900;
	s3 =	sand.u32 $0x1, s1;
	s6 =	sshll.u32 s0, $0x1  }
0x6: {  	s16 =	simm.s32 $0x2;
	s17 =	simm.s32 $0x0;
	s6 =	sor.u32 s3, s6  }
0x7: {  	[smem:$0x7FF] =	sst s2;
	s7 =	ssub.s32 $0x2, s3;
	s6 =	smul.u32 $0x188, s6  }
0x8: {  	s1 =	rddreg [dreg:$0x2];
	_ =	strace $0x8000004D;
	s9 =	sshrl.u32 s7, $0x1  }
0x9: {  	s3 =	sadd.s32 $0x1E00, s4;
	s9 =	ssub.s32 s7, s9;
	s8 =	sadd.s32 s6, s4  }
0xa: {  	s4 =	sadd.s32 $0x1E10, s4;
	s5 =	sadd.s32 s5, s6;
	s6 =	sadd.s32 $0x8DE00, s8  }
0xb: {  	s7 =	sadd.s32 $0x2800, s8;
	s8 =	smax.u32 s9, $0x1;
	s9 =	simm.s32 $0x80  }
.LBB2_1:
0xc: {  	[tilespmem:s2], [sflag:$0x1] =	stream.strided.gather [hbm4b:s3+s9], $0x2800, s10, s9, $0x38;
	[tilespmem:$0x7580] =	vst v63  }
0xd: {  	_ = 	snop  }
0xe: {  	[tilespmem:s11], [sflag:$0x1] =	stream.strided.gather [hbm4b:s4+s9], $0x2800, s10, s9, $0x38;
	[tilespmem:$0x7580] =	vst v63  }
0xf: {  	_ = 	snop  }
0x10: {  	[tilespmem:s12], [sflag:$0x1] =	stream.linear.gather [hbm4b:s5+s2], $0xC40, $0x38;
	[tilespmem:$0x7580] =	vst v63  }
0x11: {  	_ = 	snop  }
0x12: {  	[tilespmem:s13], [sflag:$0x1] =	stream.linear.gather [hbm4b:s6+s2], $0xC40, $0x38;
	[tilespmem:$0x7580] =	vst v63  }
0x13: {  	_ =	swait.ge [sflag:s14], $0x2800  }
0x14: {  	[sflag:s14] =	ssyncset.done $0x0  }
0x15: {  	[sflag:s14] =	ssyncadd.s32 $0xFFFFD800  }
0x16: {  	_ =	swait.ge [sflag:s14], $0x2800  }
0x17: {  	[sflag:s14] =	ssyncset.done $0x0  }
0x18: {  	[sflag:s14] =	ssyncadd.s32 $0xFFFFD800  }
0x19: {  	_ =	swait.ge [sflag:s14], $0xC40  }
0x1a: {  	[sflag:s14] =	ssyncset.done $0x0  }
0x1b: {  	[sflag:s14] =	ssyncadd.s32 $0xFFFFF3C0  }
0x1c: {  	_ =	swait.ge [sflag:s14], $0xC40  }
0x1d: {  	[sflag:s14] =	ssyncset.done $0x0  }
0x1e: {  	s18 =	simm.s32 $0x0;
	[sflag:s14] =	ssyncadd.s32 $0xFFFFF3C0  }
0x1f: {  	v0 =	vld [tilespmem:s18+$0x5C80]  }
0x20: {  	v1 =	vld [tilespmem:s18+$0x5000];
	_ =	sdelay $0x6  }
0x21: {  	v0 =	vld.idx.msk [tilespmem:v0+s11+$0x0], $0xffff  }
0x22: {  	s19 =	simm.s32 $0x10;
	v2 =	vld.idx.msk [tilespmem:v1+s2+$0x0], $0xffff  }
0x23: {  	s20 =	simm.s32 $0x80;
	v1 =	vld [tilespmem:s19+$0x5C80]  }
.LBB2_2:
0x24: {  	p0 =	sne.s32 s20, $0x30C0;
	v3 =	vld [tilespmem:s19+$0x5000];
	_ =	sdelay $0x3  }
0x25: {  	v0 =	vadd.f32 v0, v2  }
.Ltmp0:
0x26: {  	(pc) =	sbr.rel @p0 .LBB2_2-.Ltmp0, $4  }
0x27: {  	[tilespmem:s18+$0x6900] =	vst v0;
	s18 =	smov.u32 s19  }
0x28: {  	v0 =	vld.idx.msk [tilespmem:v1+s11+$0x0], $0xffff  }
0x29: {  	s19 =	sshra.s32 s20, $0x2;
	v2 =	vld.idx.msk [tilespmem:v3+s2+$0x0], $0xffff  }
0x2a: {  	s20 =	sadd.s32 $0x40, s20;
	v1 =	vld [tilespmem:s19+$0x5C80]  }
0x2b: {  	_ = 	snop  }
0x2c: {  	v3 =	vld [tilespmem:s19+$0x5000];
	_ =	sdelay $0x3  }
0x2d: {  	v0 =	vadd.f32 v0, v2;
	_ =	sdelay $0x1  }
0x2e: {  	[tilespmem:s18+$0x6900] =	vst v0  }
0x2f: {  	v0 =	vld.idx.msk [tilespmem:v1+s11+$0x0], $0xffff  }
0x30: {  	v63 =	vld.idx.msk [tilespmem:v3+s2+$0x0], $0xffff;
	_ =	sdelay $0x4  }
0x31: {  	s17 =	sadd.s32 $0x1, s17;
	v0 =	vadd.f32 v0, v63  }
0x32: {  	p0 =	sne.s32 s17, s8  }
.Ltmp1:
0x33: {  	[tilespmem:s19+$0x6900] =	vst v0;
	(pc) =	sbr.rel @p0 .LBB2_1-.Ltmp1, $4  }
0x34: {  	[hbm4b:s7+s2] =	stream.linear.scatter [tilespmem:s15], [sflag:$0x2], $0xC40, $0x38;
	[tilespmem:$0x7580] =	vst v63  }
0x35: {  	_ =	swait.ge [sflag:s16], $0xC40  }
0x36: {  	[sflag:s16] =	ssyncset.done $0x0  }
0x37: {  	[sflag:s16] =	ssyncadd.s32 $0xFFFFF3C0  }
0x38: {  	_ =	sfence.sel $0x180000  }
0x39: {  	[bflag:$0x0] =	sbarrier.arrive $0xFFFF  }
0x3a: {  	p0 =	sne.s32 s0, $0x0;
	_ =	strace $0x9000004D  }
0x3b: {  	s0 =	sadd.s32 @!p0 $0x100000, s1;
	[bflag:$0x2] =	sbarrier.arrive $0xFFFF  }
0x3c: {  	[sflag:s0] =	ssyncadd.tile.s32 @!p0 $0x1;
	_ =	shalt  }
.Lfunc_end2:
_tile_overlayer_lowered:
.L_overlay_start_2:
0x3d: {  	(tag) =	ssettag $0x2  }
0x3e: {  	s0 =	rddreg [dreg:$0x0];
	s2 =	stileid.u32  }
0x3f: {  	s1 =	rddreg [dreg:$0x1];
	p0 =	sne.s32 s2, $0x0  }
0x40: {  	s3 =	rddreg [dreg:$0x2];
	[bflag:$0x3] =	sbarrier.arrive $0xFFFF;
	s2 =	simm.s32 @!p0 $0x1C02  }
0x41: {  	[timem:s3], [sflag:s2] =	dma.local @!p0 [hbm:s0], s1  }
0x42: {  	s0 =	simm.s32 @!p0 $0x2  }
0x43: {  	_ =	swait.ge @!p0 [sflag:s0], s1  }
0x44: {  	s1 =	ssub.s32 @!p0 $0x0, s1;
	[sflag:s0] =	ssyncset.done @!p0 $0x0  }
0x45: {  	[sflag:s0] =	ssyncadd.s32 @!p0 s1  }
0x46: {  	[bflag:$0x3] =	sbarrier.arrive $0xFFFF  }
0x47: {  	_ =	shalt  }

// kernel: kernel.8.cloned.1.call-start
scs
__scs_entry_jumppad:
0x0: {  	(pc) =	sbr.rel $0x88, $3  }
0x1: {  	(tag) =	ssettag $0x0;
	lr =	simm.s32 $0x1  }
0x2: {  	[smem:$0x3F98] =	sst lr;
	_ =	strace $0xD0000000  }
0x3: {  	_ = 	snop  }
0x4: {  	_ = 	snop  }
0x5: {  	_ = 	snop  }
0x6: {  	_ = 	snop  }
0x7: {  	_ = 	snop  }
__scs_overlays_trampoline_lowered:
0x8: {  	[smem:$0x3FA7] =	sst s0  }
0x9: {  	[smem:$0x3FA8] =	sst s1  }
0xa: {  	[smem:$0x3FA9] =	sst s2  }
0xb: {  	[smem:$0x3FAA] =	sst s3  }
0xc: {  	[smem:$0x3FAB] =	sst s4  }
0xd: {  	[smem:$0x3FAC] =	sst s5  }
0xe: {  	[smem:$0x3FAD] =	sst s6  }
0xf: {  	[smem:$0x3FAE] =	sst s7  }
0x10: {  	[smem:$0x3FAF] =	sst s8  }
0x11: {  	[smem:$0x3FB0] =	sst s9;
	s0 =	simm.s32 @!p0 $0x0  }
0x12: {  	s1 =	sld [smem:$0x3F96];
	s0 =	simm.s32 @p0 $0x1  }
0x13: {  	[smem:$0x3FB1] =	sst s0;
	s0 =	simm.s32 @!p1 $0x0  }
0x14: {  	s2 =	sld [smem:$0x3F95];
	s0 =	simm.s32 @p1 $0x1  }
0x15: {  	[smem:$0x3FB2] =	sst s0;
	s0 =	simm.s32 @!p2 $0x0  }
0x16: {  	s3 =	sld [smem:$0x3FDB];
	s0 =	simm.s32 @p2 $0x1  }
0x17: {  	s4 =	simm.s32 $0x1BF5;
	[smem:$0x3FB4] =	sst s0  }
0x18: {  	s0 =	sld [smem:$0x3F97];
	_ =	swait.ge [sflag:s4], $0x0  }
0x19: {  	s7 =	sld [smem:$0x3F98]  }
0x1a: {  	s8 =	sadd.s32 $0xFFFFE003, lr  }
0x1b: {  	s9 =	sadd.s32 $0xFFFFFEF7, lr;
	s5 =	simm.s32 $0xFFFFFFFF;
	p2 =	slt.u32 s8, $0xFFFFF086  }
0x1c: {  	p1 =	slt.u32 s9, $0xF7A;
	s5 =	simm.s32 @!p2 $0x0  }
0x1d: {  	s5 =	simm.s32 @p1 $0x1;
	p0 =	seq.s32 s7, s2  }
0x1e: {  	s7 =	smul.u32 @!p0 $0xF7A, s2;
	p2 =	seq.s32 @!p0 s5, $0x0  }
0x1f: {  	s9 =	smul.u32 $0xF7A, s1;
	s8 =	simm.s32 @!p0 $0x1BF5;
	p2 =	por !p2, p0  }
0x20: {  	[sflag:s8] =	ssyncset.s32 @!p0 $0xFFFFF086;
	s6 =	sadd.s32 @!p0 s3, s7;
	s7 =	simm.s32 @!p0 $0x108  }
0x21: {  	s3 =	sadd.s32 s3, s9;
	s6 =	sadd.s32 @!p0 $0x88, s6;
	s7 =	simm.s32 @p2 $0x1082  }
0x22: {  	[simem:s7], [sflag:s8] =	dma.local @!p0 [hbm:s6], $0xF7A  }
0x23: {  	s9 =	sor.u32 $0xD0000000, s2;
	s6 =	simm.s32 $0x108;
	_ =	swait.ge @!p0 [sflag:s8], $0x0  }
0x24: {  	s3 =	sadd.s32 $0x88, s3;
	s6 =	simm.s32 @!p1 $0x1082;
	[sflag:s4] =	ssyncset.s32 $0xFFFFF086  }
0x25: {  	[simem:s6], [sflag:s4] =	dma.local [hbm:s3], $0xF7A  }
0x26: {  	[smem:$0x3F98] =	sst s1;
	(tag) =	ssettag s2;
	_ =	strace s9  }
0x27: {  	s1 =	sld [smem:$0x3FA8]  }
0x28: {  	s2 =	sld [smem:$0x3FA9]  }
0x29: {  	s4 =	sld [smem:$0x3FAB]  }
0x2a: {  	p0 =	seq.s32 s5, $0x0;
	s5 =	sld [smem:$0x3FAC]  }
0x2b: {  	s6 =	sld [smem:$0x3FAD]  }
0x2c: {  	s7 =	sld [smem:$0x3FAE]  }
0x2d: {  	s3 =	simm.s32 $0x108;
	s8 =	sld [smem:$0x3FAF]  }
0x2e: {  	s3 =	simm.s32 @!p0 $0x1082;
	s9 =	sld [smem:$0x3FB0]  }
0x2f: {  	lr =	sadd.s32 s0, s3;
	s0 =	sld [smem:$0x3FA7]  }
0x30: {  	s3 =	sld [smem:$0x3FAA]  }
0x31: {  	[smem:$0x3FB3] =	sst s10  }
0x32: {  	s10 =	sld [smem:$0x3FB1];
	_ =	sdelay $0x3  }
0x33: {  	p0 =	seq.s32 s10, $0x1;
	s10 =	sld [smem:$0x3FB3];
	_ =	sdelay $0x3  }
0x34: {  	[smem:$0x3FB3] =	sst s10  }
0x35: {  	s10 =	sld [smem:$0x3FB2];
	_ =	sdelay $0x3  }
0x36: {  	p1 =	seq.s32 s10, $0x1;
	s10 =	sld [smem:$0x3FB3];
	_ =	sdelay $0x3  }
0x37: {  	[smem:$0x3FB3] =	sst s10  }
0x38: {  	s10 =	sld [smem:$0x3FB4]  }
0x39: {  	_ = 	snop;
	(pc) =	sbr.ind lr, $3  }
0x3a: {  	_ = 	snop  }
0x3b: {  	_ = 	snop  }
0x3c: {  	p2 =	seq.s32 s10, $0x1;
	s10 =	sld [smem:$0x3FB3]  }
0x3d: {  	_ =	shalt  }
0x3e: {  	_ =	shalt  }
0x3f: {  	_ =	shalt  }
0x40: {  	_ =	shalt  }
0x41: {  	_ =	shalt  }
0x42: {  	_ =	shalt  }
0x43: {  	_ =	shalt  }
0x44: {  	_ =	shalt  }
0x45: {  	_ =	shalt  }
0x46: {  	_ =	shalt  }
0x47: {  	_ =	shalt  }
0x48: {  	_ =	shalt  }
0x49: {  	_ =	shalt  }
0x4a: {  	_ =	shalt  }
0x4b: {  	_ =	shalt  }
0x4c: {  	_ =	shalt  }
0x4d: {  	_ =	shalt  }
0x4e: {  	_ =	shalt  }
0x4f: {  	_ =	shalt  }
0x50: {  	_ =	shalt  }
0x51: {  	_ =	shalt  }
0x52: {  	_ =	shalt  }
0x53: {  	_ =	shalt  }
0x54: {  	_ =	shalt  }
0x55: {  	_ =	shalt  }
0x56: {  	_ =	shalt  }
0x57: {  	_ =	shalt  }
0x58: {  	_ =	shalt  }
0x59: {  	_ =	shalt  }
0x5a: {  	_ =	shalt  }
0x5b: {  	_ =	shalt  }
0x5c: {  	_ =	shalt  }
0x5d: {  	_ =	shalt  }
0x5e: {  	_ =	shalt  }
0x5f: {  	_ =	shalt  }
0x60: {  	_ =	shalt  }
0x61: {  	_ =	shalt  }
0x62: {  	_ =	shalt  }
0x63: {  	_ =	shalt  }
0x64: {  	_ =	shalt  }
0x65: {  	_ =	shalt  }
0x66: {  	_ =	shalt  }
0x67: {  	_ =	shalt  }
0x68: {  	_ =	shalt  }
0x69: {  	_ =	shalt  }
0x6a: {  	_ =	shalt  }
0x6b: {  	_ =	shalt  }
0x6c: {  	_ =	shalt  }
0x6d: {  	_ =	shalt  }
0x6e: {  	_ =	shalt  }
0x6f: {  	_ =	shalt  }
0x70: {  	_ =	shalt  }
0x71: {  	_ =	shalt  }
0x72: {  	_ =	shalt  }
0x73: {  	_ =	shalt  }
0x74: {  	_ =	shalt  }
0x75: {  	_ =	shalt  }
0x76: {  	_ =	shalt  }
0x77: {  	_ =	shalt  }
0x78: {  	_ =	shalt  }
0x79: {  	_ =	shalt  }
0x7a: {  	_ =	shalt  }
0x7b: {  	_ =	shalt  }
0x7c: {  	_ =	shalt  }
0x7d: {  	_ =	shalt  }
0x7e: {  	_ =	shalt  }
0x7f: {  	_ =	shalt  }
0x80: {  	_ =	shalt  }
0x81: {  	_ =	shalt  }
0x82: {  	_ =	shalt  }
0x83: {  	_ =	shalt  }
0x84: {  	_ =	shalt  }
0x85: {  	_ =	shalt  }
0x86: {  	_ =	shalt  }
0x87: {  	_ =	shalt  }
.Lfunc_end0:
.L_simem_size_0:
called_computation_lowered:
.L_overlay_start_0:
0x88: {  	s2 =	sld [smem:$0x3FD9]  }
0x89: {  	s3 =	sld [smem:$0x3FFE];
	_ =	sdelay $0x1  }
0x8a: {  	s1 =	srdreg.scid  }
0x8b: {  	s0 =	sand.u32 $0x1, s1  }
0x8c: {  	s17 =	sshll.u32 s0, $0xA;
	s2 =	sadd.s32 s3, s2  }
0x8d: {  	s2 =	sadd.s32 s2, s17  }
0x8e: {  	[smem:$0x3FBF] =	sst s2  }
0x8f: {  	_ = 	snop  }
0x90: {  	s2 =	sld [smem:$0x3FC9];
	(tm) =	ssettm $0x1  }
0x91: {  	s18 =	sld [smem:$0x3FFB];
	_ =	sdelay $0x3  }
0x92: {  	_ =	strace s18  }
0x93: {  	s3 =	sld [smem:$0x3FFC];
	_ =	sdelay $0x3  }
0x94: {  	_ =	strace s3  }
0x95: {  	s3 =	sld [smem:$0x3FFD];
	_ =	sdelay $0x3  }
0x96: {  	_ =	strace s3  }
0x97: {  	_ =	strace $0x8FFFFFFF  }
0x98: {  	s19 =	sld [smem:$0x3FDB];
	_ =	sdelay $0x1  }
0x99: {  	s4 =	simm.s32 $_scs_section_size  }
0x9a: {  	s5 =	simm.s32 $_size__tile_overlayer_lowered;
	s6 =	simm.s32 $_tile_overlayer_lowered  }
0x9b: {  	s22 =	simm.s32 $0x1BFF;
	s21 =	sshll.u32 s6, $0x1;
	s3 =	sadd.s32 s4, s19  }
0x9c: {  	s7 =	simm.s32 $0x0;
	s20 =	sshll.u32 s5, $0x1;
	s5 =	sadd.s32 s21, s3  }
0x9d: {  	[timem:s7], [sflag:s22] =	dma.local [hbm:s5], s20  }
0x9e: {  	_ =	swait.ge [sflag:s22], s20  }
0x9f: {  	s4 =	ssub.s32 $0x0, s20;
	[sflag:s22] =	ssyncset.done $0x0  }
0xa0: {  	[sflag:s22] =	ssyncadd.s32 s4;
	_ =	sdelay $0x1  }
0xa1: {  	s23 =	simm.s32 $0x1B8B  }
0xa2: {  	_ =	swait.ge [sflag:s23], $0x1  }
0xa3: {  	[sflag:s23] =	ssyncset.done $0x0  }
0xa4: {  	s25 =	simm.s32 $0x1B8E;
	s24 =	sld [smem:$0x3FFE];
	[sflag:s23] =	ssyncadd.s32 $0xFFFFFFFF  }
0xa5: {  	s26 =	simm.s32 $execute0_lowered;
	[smem:$0x3FD2] =	sst s25  }
0xa6: {  	s5 =	sshll.u32 s26, $0x1;
	_ =	strace $0x80000046;
	[dreg:$0x1] =	wrdreg $0xFFFFFFFF  }
0xa7: {  	s28 =	simm.s32 $_size_execute0_lowered;
	s3 =	sadd.s32 s3, s5;
	[dreg:$0x0] =	wrdreg $0x0  }
0xa8: {  	s5 =	sshll.u32 s28, $0x1;
	[dreg:$0x2] =	wrdreg s3  }
0xa9: {  	[dreg:$0x3] =	wrdreg s5  }
0xaa: {  	[dreg:$0x4] =	wrdreg $0xC0  }
0xab: {  	_ =	task [dreg:s7], $0x5FFFF  }
0xac: {  	[dreg:$0x1] =	wrdreg $0xFFFFFFFF  }
0xad: {  	[dreg:$0x0] =	wrdreg $0x60  }
0xae: {  	[dreg:$0x2] =	wrdreg s2  }
0xaf: {  	[dreg:$0x3] =	wrdreg s24  }
0xb0: {  	[dreg:$0x4] =	wrdreg $0x0  }
0xb1: {  	[dreg:$0x5] =	wrdreg $0x9  }
0xb2: {  	_ =	task.clear_ibuf [dreg:s7], $0x6FFFF;
	_ =	strace $0x90000046  }
0xb3: {  	s29 =	simm.s32 $0x9;
	_ =	strace $0x80000048  }
0xb4: {  	_ =	swait.ge [sflag:s29], $0x1  }
0xb5: {  	[sflag:s29] =	ssyncadd.s32 $0xFFFFFFFF  }
0xb6: {  	_ =	strace $0x90000048  }
0xb7: {  	_ =	sfence  }
0xb8: {  	s30 =	sld [smem:$0x0];
	_ =	sdelay $0x2  }
0xb9: {  	s31 =	sshll.u32 s1, $0xD;
	s1 =	sshrl.u32 s1, $0x2  }
0xba: {  	s3 =	sand.u32 $0x4000, s31;
	s1 =	sadd.s32 s1, s30  }
0xbb: {  	s0 =	sor.u32 s3, s0;
	s1 =	sshll.u32 s1, $0x11  }
0xbc: {  	s0 =	sor.u32 s1, s0  }
0xbd: {  	s0 =	sadd.s32 $0x8F2B, s0  }
0xbe: {  	[sflag:s0] =	ssyncadd.remote.s32 $0x1  }
0xbf: {  	_ =	sfence.sel $0xFFFF  }
0xc0: {  	[dreg:$0x0] =	wrdreg $0xFFFFFFFF;
	(pc) =	sbr.abs _section_cstart, $3  }
0xc1: {  	[dreg:$0x1] =	wrdreg $0xFFFFFFFF  }
0xc2: {  	_ =	task.clear_ibuf [dreg:s7], $0x2FFFF;
	_ =	strace $0x9FFFFFFF  }
0xc3: {  	(tm) =	ssettm $0x7FFFFFFF  }
tec
execute0_lowered:
.L_overlay_start_1:
0x0: {  	(tag) =	ssettag $0x1  }
0x1: {  	s1 =	rddreg [dreg:$0x0]  }
0x2: {  	s0 =	rddreg [dreg:$0x1]  }
0x3: {  	s3 =	rddreg [dreg:$0x2]  }
0x4: {  	s2 =	srdreg.scid;
	s11 =	stileid.u32;
	s4 =	simm.s32 $0x0  }
0x5: {  	s28 =	simm.s32 $0x15400;
	s29 =	simm.s32 $0x80;
	s30 =	simm.s32 $0x14080  }
0x6: {  	s31 =	simm.s32 $0x1A800;
	s2 =	sand.u32 $0x1, s2;
	s12 =	smul.u32 $0x14000, s11  }
0x7: {  	s5 =	sshll.u32 s11, $0x1;
	[smem:$0x7FF] =	sst s4;
	s22 =	smul.u32 $0x50000, s11  }
0x8: {  	s5 =	sor.u32 s2, s5;
	s9 =	ssub.s32 $0x2, s2;
	s2 =	smul.u32 $0x140000, s2  }
0x9: {  	s6 =	sadd.s32 $0x1E00, s0;
	s8 =	sadd.s32 $0xBE00, s0;
	s7 =	smul.u32 $0x500, s5  }
0xa: {  	s0 =	sadd.s32 $0x15E00, s0;
	_ =	strace $0x80000047;
	s5 =	smul.u32 $0x2800, s5  }
0xb: {  	s10 =	sshrl.u32 s9, $0x1;
	s24 =	sadd.s32 $0x4000, s12;
	s25 =	sshrl.u32 s22, $0x2  }
0xc: {  	s16 =	sadd.s32 $0x10000, s12;
	s15 =	ssub.s32 s9, s10;
	s21 =	sadd.s32 s12, s2  }
0xd: {  	s26 =	sadd.s32 s2, s24;
	s10 =	sadd.s32 s25, s3;
	s9 =	sadd.s32 s24, s3  }
0xe: {  	s5 =	sshrl.u32 s5, $0x3;
	s20 =	sadd.s32 s6, s7;
	s7 =	sadd.s32 s8, s7  }
0xf: {  	s23 =	sshrl.u32 s21, $0x3;
	s15 =	smax.u32 s15, $0x1;
	s17 =	sadd.s32 $0x8000, s10  }
0x10: {  	s18 =	sadd.s32 $0xC000, s10;
	s19 =	sadd.s32 $0x10000, s10;
	[dreg:$0x4] =	wrdreg s20  }
0x11: {  	s21 =	simm.s32 $0x3;
	[dreg:$0x5] =	wrdreg s7;
	s5 =	sadd.s32 $0x280, s5  }
0x12: {  	s7 =	sshrl.u32 s26, $0x3;
	s26 =	sadd.s32 s16, s3;
	s6 =	sadd.s32 s6, s5  }
0x13: {  	s20 =	simm.s32 $0x16800;
	s5 =	sadd.s32 s8, s5;
	[dreg:$0x6] =	wrdreg s6  }
0x14: {  	s8 =	sadd.s32 $0x8000, s12;
	s11 =	sadd.s32 s0, s7;
	[dreg:$0x7] =	wrdreg s5  }
0x15: {  	s5 =	sadd.s32 s0, s23;
	s22 =	sadd.s32 s2, s8;
	s23 =	sadd.s32 $0xC000, s12  }
0x16: {  	s7 =	sadd.s32 s8, s3;
	[dreg:$0x8] =	wrdreg s5;
	s6 =	sshrl.u32 s22, $0x3  }
0x17: {  	s24 =	sadd.s32 s2, s23;
	s2 =	sadd.s32 s2, s16;
	s25 =	sadd.s32 s23, s3  }
0x18: {  	s16 =	sadd.s32 $0x4000, s10;
	s22 =	sshrl.u32 s9, $0x3;
	s23 =	sshrl.u32 s7, $0x3  }
0x19: {  	s5 =	simm.s32 $0x16700;
	s12 =	sadd.s32 s0, s6;
	s6 =	sshrl.u32 s24, $0x3  }
0x1a: {  	s2 =	sshrl.u32 s2, $0x3;
	s24 =	sshrl.u32 s25, $0x3;
	s25 =	sshrl.u32 s26, $0x3  }
0x1b: {  	s26 =	simm.s32 $0x14000;
	s13 =	sadd.s32 s0, s6;
	s14 =	sadd.s32 s0, s2  }
0x1c: {  	v0 =	vimm.f32 $0.0e+00;
	s0 =	simm.s32 $0x1;
	s2 =	simm.s32 $0x2;
	s6 =	simm.s32 $0x16780  }
.LBB2_1:
0x1d: {  	s7 =	simm.s32 $0x0;
	s8 =	simm.s32 $0x200  }
.LBB2_2:
0x1e: {  	p0 =	sne.s32 s8, $0xFE00;
	[tilespmem:s7+$0x16870] =	vst v0  }
0x1f: {  	[tilespmem:s7+$0x16800] =	vst v0  }
0x20: {  	[tilespmem:s7+$0x16810] =	vst v0  }
.Ltmp0:
0x21: {  	[tilespmem:s7+$0x16820] =	vst v0;
	(pc) =	sbr.rel @p0 .LBB2_2-.Ltmp0, $4  }
0x22: {  	[tilespmem:s7+$0x16830] =	vst v0  }
0x23: {  	[tilespmem:s7+$0x16840] =	vst v0  }
0x24: {  	[tilespmem:s7+$0x16850] =	vst v0  }
0x25: {  	[tilespmem:s7+$0x16860] =	vst v0;
	s7 =	sshra.s32 s8, $0x2;
	s8 =	sadd.s32 $0x200, s8  }
0x26: {  	[tilespmem:s7+$0x16870] =	vst v0  }
0x27: {  	[tilespmem:s7+$0x16800] =	vst v0  }
0x28: {  	[tilespmem:s7+$0x16810] =	vst v0  }
0x29: {  	[tilespmem:s7+$0x16820] =	vst v0  }
0x2a: {  	[tilespmem:s7+$0x16830] =	vst v0  }
0x2b: {  	[tilespmem:s7+$0x16840] =	vst v0  }
0x2c: {  	[tilespmem:s7+$0x16850] =	vst v0  }
0x2d: {  	[tilespmem:s7+$0x16860] =	vst v0  }
0x2e: {  	[spmem:s10] =	stream.linear.scatter [tilespmem:s20], [sflag:$0x3], $0x4000, $0x38;
	[tilespmem:$0x1E800] =	vst v63  }
0x2f: {  	_ =	swait.ge [sflag:s21], $0x4000  }
0x30: {  	[sflag:s21] =	ssyncset.done $0x0  }
0x31: {  	[sflag:s21] =	ssyncadd.s32 $0xFFFFC000  }
0x32: {  	[spmem:s16] =	stream.linear.scatter [tilespmem:s20], [sflag:$0x3], $0x4000, $0x38;
	[tilespmem:$0x1E800] =	vst v63  }
0x33: {  	_ =	swait.ge [sflag:s21], $0x4000  }
0x34: {  	[sflag:s21] =	ssyncset.done $0x0  }
0x35: {  	[sflag:s21] =	ssyncadd.s32 $0xFFFFC000  }
0x36: {  	[spmem:s17] =	stream.linear.scatter [tilespmem:s20], [sflag:$0x3], $0x4000, $0x38;
	[tilespmem:$0x1E800] =	vst v63  }
0x37: {  	_ =	swait.ge [sflag:s21], $0x4000  }
0x38: {  	[sflag:s21] =	ssyncset.done $0x0  }
0x39: {  	[sflag:s21] =	ssyncadd.s32 $0xFFFFC000  }
0x3a: {  	[spmem:s18] =	stream.linear.scatter [tilespmem:s20], [sflag:$0x3], $0x4000, $0x38;
	[tilespmem:$0x1E800] =	vst v63  }
0x3b: {  	_ =	swait.ge [sflag:s21], $0x4000  }
0x3c: {  	[sflag:s21] =	ssyncset.done $0x0  }
0x3d: {  	[sflag:s21] =	ssyncadd.s32 $0xFFFFC000  }
0x3e: {  	[spmem:s19] =	stream.linear.scatter [tilespmem:s20], [sflag:$0x3], $0x4000, $0x38;
	[tilespmem:$0x1E800] =	vst v63  }
0x3f: {  	_ =	swait.ge [sflag:s21], $0x4000  }
0x40: {  	[sflag:s21] =	ssyncset.done $0x0  }
0x41: {  	[sflag:s21] =	ssyncadd.s32 $0xFFFFC000  }
0x42: {  	[bflag:$0x0] =	sbarrier.arrive $0xFFFF  }
0x43: {  	s7 =	simm.s32 $0x0;
	s8 =	rddreg [dreg:$0x4]  }
0x44: {  	[tilespmem:s26], [sflag:$0x3] =	stream.linear.gather [hbm4b:s8+s7], $0x1400, $0x38;
	[tilespmem:$0x1E800] =	vst v63  }
0x45: {  	_ =	swait.ge [sflag:s21], $0x1400  }
0x46: {  	[sflag:s21] =	ssyncset.done $0x0  }
0x47: {  	s9 =	rddreg [dreg:$0x5];
	[sflag:s21] =	ssyncadd.s32 $0xFFFFEC00  }
0x48: {  	[tilespmem:s28], [sflag:$0x3] =	stream.linear.gather [hbm4b:s9+s7], $0x1400, $0x38;
	[tilespmem:$0x1E800] =	vst v63  }
0x49: {  	_ =	swait.ge [sflag:s21], $0x1400  }
0x4a: {  	[sflag:s21] =	ssyncset.done $0x0  }
0x4b: {  	[sflag:s21] =	ssyncadd.s32 $0xFFFFEC00  }
0x4c: {  	[tilespmem:s20], [sflag:$0x1] =	stream.indirect.gather [hbm4b:s1+s29], $0x80, s26, s29, $0xb8;
	[tilespmem:$0x1E800] =	vst v63  }
0x4d: {  	_ = 	snop  }
0x4e: {  	[tilespmem:s31], [sflag:$0x2] =	stream.indirect.gather [hbm4b:s1+s29], $0x80, s30, s29, $0xb8;
	[tilespmem:$0x1E800] =	vst v63  }
0x4f: {  	_ =	swait.ge [sflag:s0], $0x4000  }
0x50: {  	[sflag:s0] =	ssyncset.done $0x0  }
0x51: {  	s9 =	simm.s32 $0x15400;
	[sflag:s0] =	ssyncadd.s32 $0xFFFFC000  }
0x52: {  	[spmem:s3] =	stream.indirect.scatter.add.f32 [tilespmem:s20], [sflag:$0x3], $0x80, s9, s29, $0xb8;
	[tilespmem:$0x1E800] =	vst v63  }
0x53: {  	_ =	swait.ge [sflag:s21], $0x4000  }
0x54: {  	[sflag:s21] =	ssyncset.done $0x0  }
0x55: {  	s8 =	simm.s32 $0x14100;
	[sflag:s21] =	ssyncadd.s32 $0xFFFFC000  }
0x56: {  	[tilespmem:s20], [sflag:$0x1] =	stream.indirect.gather [hbm4b:s1+s29], $0x80, s8, s29, $0xb8;
	[tilespmem:$0x1E800] =	vst v63  }
0x57: {  	_ =	swait.ge [sflag:s2], $0x4000  }
0x58: {  	[sflag:s2] =	ssyncset.done $0x0  }
0x59: {  	s9 =	simm.s32 $0x15480;
	[sflag:s2] =	ssyncadd.s32 $0xFFFFC000  }
0x5a: {  	[spmem:s3] =	stream.indirect.scatter.add.f32 [tilespmem:s31], [sflag:$0x3], $0x80, s9, s29, $0xb8;
	[tilespmem:$0x1E800] =	vst v63  }
0x5b: {  	_ =	swait.ge [sflag:s21], $0x4000  }
0x5c: {  	[sflag:s21] =	ssyncset.done $0x0  }
0x5d: {  	s7 =	simm.s32 $0x400;
	s8 =	simm.s32 $0x14180;
	[sflag:s21] =	ssyncadd.s32 $0xFFFFC000  }
.LBB2_4:
0x5e: {  	[tilespmem:s31], [sflag:$0x2] =	stream.indirect.gather [hbm4b:s1+s29], $0x80, s8, s29, $0xb8;
	[tilespmem:$0x1E800] =	vst v63  }
0x5f: {  	s8 =	smov.u32 s7  }
0x60: {  	p0 =	sne.s32 s7, $0x4800;
	s7 =	sadd.s32 $0x400, s7;
	_ =	swait.ge [sflag:s0], $0x4000  }
0x61: {  	s8 =	sshra.s32 s8, $0x2;
	[sflag:s0] =	ssyncset.done $0x0  }
0x62: {  	s9 =	sadd.s32 $0x15400, s8;
	[sflag:s0] =	ssyncadd.s32 $0xFFFFC000  }
0x63: {  	[spmem:s3] =	stream.indirect.scatter.add.f32 [tilespmem:s20], [sflag:$0x3], $0x80, s9, s29, $0xb8;
	[tilespmem:$0x1E800] =	vst v63  }
0x64: {  	_ =	swait.ge [sflag:s21], $0x4000  }
0x65: {  	[sflag:s21] =	ssyncset.done $0x0  }
0x66: {  	s9 =	sadd.s32 $0x14100, s8;
	[sflag:s21] =	ssyncadd.s32 $0xFFFFC000  }
0x67: {  	[tilespmem:s20], [sflag:$0x1] =	stream.indirect.gather [hbm4b:s1+s29], $0x80, s9, s29, $0xb8;
	[tilespmem:$0x1E800] =	vst v63  }
0x68: {  	_ =	swait.ge [sflag:s2], $0x4000  }
0x69: {  	[sflag:s2] =	ssyncset.done $0x0  }
.Ltmp1:
0x6a: {  	s9 =	sadd.s32 $0x15480, s8;
	[sflag:s2] =	ssyncadd.s32 $0xFFFFC000;
	(pc) =	sbr.rel @p0 .LBB2_4-.Ltmp1, $4  }
0x6b: {  	[spmem:s3] =	stream.indirect.scatter.add.f32 [tilespmem:s31], [sflag:$0x3], $0x80, s9, s29, $0xb8;
	[tilespmem:$0x1E800] =	vst v63  }
0x6c: {  	_ =	swait.ge [sflag:s21], $0x4000  }
0x6d: {  	[sflag:s21] =	ssyncset.done $0x0  }
0x6e: {  	s8 =	sadd.s32 $0x14180, s8;
	[sflag:s21] =	ssyncadd.s32 $0xFFFFC000  }
0x6f: {  	[tilespmem:s31], [sflag:$0x2] =	stream.indirect.gather [hbm4b:s1+s29], $0x80, s8, s29, $0xb8;
	[tilespmem:$0x1E800] =	vst v63  }
0x70: {  	_ =	swait.ge [sflag:s0], $0x4000  }
0x71: {  	[sflag:s0] =	ssyncset.done $0x0  }
0x72: {  	[sflag:s0] =	ssyncadd.s32 $0xFFFFC000  }
0x73: {  	[spmem:s3] =	stream.indirect.scatter.add.f32 [tilespmem:s20], [sflag:$0x3], $0x80, s5, s29, $0xb8;
	[tilespmem:$0x1E800] =	vst v63  }
0x74: {  	_ =	swait.ge [sflag:s21], $0x4000  }
0x75: {  	[sflag:s21] =	ssyncset.done $0x0  }
0x76: {  	[sflag:s21] =	ssyncadd.s32 $0xFFFFC000  }
0x77: {  	_ =	swait.ge [sflag:s2], $0x4000  }
0x78: {  	[sflag:s2] =	ssyncset.done $0x0  }
0x79: {  	[sflag:s2] =	ssyncadd.s32 $0xFFFFC000  }
0x7a: {  	[spmem:s3] =	stream.indirect.scatter.add.f32 [tilespmem:s31], [sflag:$0x3], $0x80, s6, s29, $0xb8;
	[tilespmem:$0x1E800] =	vst v63  }
0x7b: {  	_ =	swait.ge [sflag:s21], $0x4000  }
0x7c: {  	[sflag:s21] =	ssyncset.done $0x0  }
0x7d: {  	s7 =	simm.s32 $0x0;
	s9 =	rddreg [dreg:$0x6];
	[sflag:s21] =	ssyncadd.s32 $0xFFFFC000  }
0x7e: {  	[tilespmem:s26], [sflag:$0x3] =	stream.linear.gather [hbm4b:s9+s7], $0x1400, $0x38;
	[tilespmem:$0x1E800] =	vst v63  }
0x7f: {  	_ =	swait.ge [sflag:s21], $0x1400  }
0x80: {  	[sflag:s21] =	ssyncset.done $0x0  }
0x81: {  	s9 =	rddreg [dreg:$0x7];
	[sflag:s21] =	ssyncadd.s32 $0xFFFFEC00  }
0x82: {  	[tilespmem:s28], [sflag:$0x3] =	stream.linear.gather [hbm4b:s9+s7], $0x1400, $0x38;
	[tilespmem:$0x1E800] =	vst v63  }
0x83: {  	_ =	swait.ge [sflag:s21], $0x1400  }
0x84: {  	[sflag:s21] =	ssyncset.done $0x0  }
0x85: {  	[sflag:s21] =	ssyncadd.s32 $0xFFFFEC00  }
0x86: {  	[tilespmem:s20], [sflag:$0x1] =	stream.indirect.gather [hbm4b:s1+s29], $0x80, s26, s29, $0xb8;
	[tilespmem:$0x1E800] =	vst v63  }
0x87: {  	_ = 	snop  }
0x88: {  	[tilespmem:s31], [sflag:$0x2] =	stream.indirect.gather [hbm4b:s1+s29], $0x80, s30, s29, $0xb8;
	[tilespmem:$0x1E800] =	vst v63  }
0x89: {  	_ =	swait.ge [sflag:s0], $0x4000  }
0x8a: {  	[sflag:s0] =	ssyncset.done $0x0  }
0x8b: {  	s9 =	simm.s32 $0x15400;
	[sflag:s0] =	ssyncadd.s32 $0xFFFFC000  }
0x8c: {  	[spmem:s3] =	stream.indirect.scatter.add.f32 [tilespmem:s20], [sflag:$0x3], $0x80, s9, s29, $0xb8;
	[tilespmem:$0x1E800] =	vst v63  }
0x8d: {  	_ =	swait.ge [sflag:s21], $0x4000  }
0x8e: {  	[sflag:s21] =	ssyncset.done $0x0  }
0x8f: {  	s8 =	simm.s32 $0x14100;
	[sflag:s21] =	ssyncadd.s32 $0xFFFFC000  }
0x90: {  	[tilespmem:s20], [sflag:$0x1] =	stream.indirect.gather [hbm4b:s1+s29], $0x80, s8, s29, $0xb8;
	[tilespmem:$0x1E800] =	vst v63  }
0x91: {  	_ =	swait.ge [sflag:s2], $0x4000  }
0x92: {  	[sflag:s2] =	ssyncset.done $0x0  }
0x93: {  	s9 =	simm.s32 $0x15480;
	[sflag:s2] =	ssyncadd.s32 $0xFFFFC000  }
0x94: {  	[spmem:s3] =	stream.indirect.scatter.add.f32 [tilespmem:s31], [sflag:$0x3], $0x80, s9, s29, $0xb8;
	[tilespmem:$0x1E800] =	vst v63  }
0x95: {  	_ =	swait.ge [sflag:s21], $0x4000  }
0x96: {  	[sflag:s21] =	ssyncset.done $0x0  }
0x97: {  	s7 =	simm.s32 $0x400;
	s8 =	simm.s32 $0x14180;
	[sflag:s21] =	ssyncadd.s32 $0xFFFFC000  }
.LBB2_6:
0x98: {  	[tilespmem:s31], [sflag:$0x2] =	stream.indirect.gather [hbm4b:s1+s29], $0x80, s8, s29, $0xb8;
	[tilespmem:$0x1E800] =	vst v63  }
0x99: {  	s8 =	smov.u32 s7  }
0x9a: {  	p0 =	sne.s32 s7, $0x4800;
	s7 =	sadd.s32 $0x400, s7;
	_ =	swait.ge [sflag:s0], $0x4000  }
0x9b: {  	s8 =	sshra.s32 s8, $0x2;
	[sflag:s0] =	ssyncset.done $0x0  }
0x9c: {  	s9 =	sadd.s32 $0x15400, s8;
	[sflag:s0] =	ssyncadd.s32 $0xFFFFC000  }
0x9d: {  	[spmem:s3] =	stream.indirect.scatter.add.f32 [tilespmem:s20], [sflag:$0x3], $0x80, s9, s29, $0xb8;
	[tilespmem:$0x1E800] =	vst v63  }
0x9e: {  	_ =	swait.ge [sflag:s21], $0x4000  }
0x9f: {  	[sflag:s21] =	ssyncset.done $0x0  }
0xa0: {  	s9 =	sadd.s32 $0x14100, s8;
	[sflag:s21] =	ssyncadd.s32 $0xFFFFC000  }
0xa1: {  	[tilespmem:s20], [sflag:$0x1] =	stream.indirect.gather [hbm4b:s1+s29], $0x80, s9, s29, $0xb8;
	[tilespmem:$0x1E800] =	vst v63  }
0xa2: {  	_ =	swait.ge [sflag:s2], $0x4000  }
0xa3: {  	[sflag:s2] =	ssyncset.done $0x0  }
.Ltmp2:
0xa4: {  	s9 =	sadd.s32 $0x15480, s8;
	[sflag:s2] =	ssyncadd.s32 $0xFFFFC000;
	(pc) =	sbr.rel @p0 .LBB2_6-.Ltmp2, $4  }
0xa5: {  	[spmem:s3] =	stream.indirect.scatter.add.f32 [tilespmem:s31], [sflag:$0x3], $0x80, s9, s29, $0xb8;
	[tilespmem:$0x1E800] =	vst v63  }
0xa6: {  	_ =	swait.ge [sflag:s21], $0x4000  }
0xa7: {  	[sflag:s21] =	ssyncset.done $0x0  }
0xa8: {  	s8 =	sadd.s32 $0x14180, s8;
	[sflag:s21] =	ssyncadd.s32 $0xFFFFC000  }
0xa9: {  	[tilespmem:s31], [sflag:$0x2] =	stream.indirect.gather [hbm4b:s1+s29], $0x80, s8, s29, $0xb8;
	[tilespmem:$0x1E800] =	vst v63  }
0xaa: {  	_ =	swait.ge [sflag:s0], $0x4000  }
0xab: {  	[sflag:s0] =	ssyncset.done $0x0  }
0xac: {  	[sflag:s0] =	ssyncadd.s32 $0xFFFFC000  }
0xad: {  	[spmem:s3] =	stream.indirect.scatter.add.f32 [tilespmem:s20], [sflag:$0x3], $0x80, s5, s29, $0xb8;
	[tilespmem:$0x1E800] =	vst v63  }
0xae: {  	_ =	swait.ge [sflag:s21], $0x4000  }
0xaf: {  	[sflag:s21] =	ssyncset.done $0x0  }
0xb0: {  	[sflag:s21] =	ssyncadd.s32 $0xFFFFC000  }
0xb1: {  	_ =	swait.ge [sflag:s2], $0x4000  }
0xb2: {  	[sflag:s2] =	ssyncset.done $0x0  }
0xb3: {  	[sflag:s2] =	ssyncadd.s32 $0xFFFFC000  }
0xb4: {  	[spmem:s3] =	stream.indirect.scatter.add.f32 [tilespmem:s31], [sflag:$0x3], $0x80, s6, s29, $0xb8;
	[tilespmem:$0x1E800] =	vst v63  }
0xb5: {  	_ =	swait.ge [sflag:s21], $0x4000  }
0xb6: {  	[sflag:s21] =	ssyncset.done $0x0  }
0xb7: {  	s7 =	stileid.u32;
	[sflag:s21] =	ssyncadd.s32 $0xFFFFC000  }
0xb8: {  	s7 =	sshll.u32 s7, $0x6;
	[bflag:$0x0] =	sbarrier.arrive $0xFFFF  }
0xb9: {  	s8 =	sshrl.u32 s10, $0x3;
	s7 =	sor.u32 $0x1C01, s7;
	s9 =	rddreg [dreg:$0x8]  }
0xba: {  	[hbm:s9], [sflag:s7] =	dma.local [spmem:s8], $0x800  }
0xbb: {  	[hbm:s11], [sflag:s7] =	dma.local [spmem:s22], $0x800  }
0xbc: {  	[hbm:s12], [sflag:s7] =	dma.local [spmem:s23], $0x800  }
0xbd: {  	[hbm:s13], [sflag:s7] =	dma.local [spmem:s24], $0x800  }
0xbe: {  	[hbm:s14], [sflag:s7] =	dma.local [spmem:s25], $0x800  }
0xbf: {  	_ =	swait.ge [sflag:s0], $0x800  }
0xc0: {  	[sflag:s0] =	ssyncset.done $0x0  }
0xc1: {  	[sflag:s0] =	ssyncadd.s32 $0xFFFFF800  }
0xc2: {  	_ =	swait.ge [sflag:s0], $0x800  }
0xc3: {  	[sflag:s0] =	ssyncset.done $0x0  }
0xc4: {  	[sflag:s0] =	ssyncadd.s32 $0xFFFFF800  }
0xc5: {  	_ =	swait.ge [sflag:s0], $0x800  }
0xc6: {  	[sflag:s0] =	ssyncset.done $0x0  }
0xc7: {  	s4 =	sadd.s32 $0x1, s4;
	[sflag:s0] =	ssyncadd.s32 $0xFFFFF800  }
0xc8: {  	p0 =	sne.s32 s4, s15;
	_ =	swait.ge [sflag:s0], $0x800  }
.Ltmp3:
0xc9: {  	[sflag:s0] =	ssyncset.done $0x0;
	(pc) =	sbr.rel @p0 .LBB2_1-.Ltmp3, $4  }
0xca: {  	[sflag:s0] =	ssyncadd.s32 $0xFFFFF800  }
0xcb: {  	_ =	swait.ge [sflag:s0], $0x800  }
0xcc: {  	[sflag:s0] =	ssyncset.done $0x0  }
0xcd: {  	[sflag:s0] =	ssyncadd.s32 $0xFFFFF800  }
0xce: {  	_ =	sfence.sel $0x180000  }
0xcf: {  	[bflag:$0x0] =	sbarrier.arrive $0xFFFF  }
0xd0: {  	_ =	strace $0x90000047  }
0xd1: {  	s0 =	stileid.u32;
	[bflag:$0x2] =	sbarrier.arrive $0xFFFF  }
0xd2: {  	p0 =	sne.s32 s0, $0x0;
	s0 =	rddreg [dreg:$0x3]  }
0xd3: {  	s0 =	sadd.s32 @!p0 $0x100000, s0  }
0xd4: {  	[sflag:s0] =	ssyncadd.tile.s32 @!p0 $0x1;
	_ =	shalt  }
.Lfunc_end2:
_tile_overlayer_lowered:
.L_overlay_start_2:
0xd5: {  	(tag) =	ssettag $0x2  }
0xd6: {  	s0 =	rddreg [dreg:$0x0];
	s2 =	stileid.u32  }
0xd7: {  	s1 =	rddreg [dreg:$0x1];
	p0 =	sne.s32 s2, $0x0  }
0xd8: {  	s3 =	rddreg [dreg:$0x2];
	[bflag:$0x3] =	sbarrier.arrive $0xFFFF;
	s2 =	simm.s32 @!p0 $0x1C03  }
0xd9: {  	[timem:s3], [sflag:s2] =	dma.local @!p0 [hbm:s0], s1  }
0xda: {  	s0 =	simm.s32 @!p0 $0x3  }
0xdb: {  	_ =	swait.ge @!p0 [sflag:s0], s1  }
0xdc: {  	s1 =	ssub.s32 @!p0 $0x0, s1;
	[sflag:s0] =	ssyncset.done @!p0 $0x0  }
0xdd: {  	[sflag:s0] =	ssyncadd.s32 @!p0 s1  }
0xde: {  	[bflag:$0x3] =	sbarrier.arrive $0xFFFF  }
0xdf: {  	_ =	shalt  }

</sc_bundles>
